<compile_context>
chip_gen: v7x
topology: tpu7x:2x2x1
jax: 0.10.2.dev20260603
libtpu: 0.0.44.dev20260713+nightly
codegen_flags: <defaults>
</compile_context>

<pallas_src>
import functools

import jax
import jax.numpy as jnp
from jax import lax
from jax.experimental import pallas as pl
from jax.experimental.pallas import tpu as pltpu
from jax.experimental.pallas import tpu_sc as plsc

D = 32
B = 16384
NC = 2
NS = 16
NW = NC * NS
BPW = B // NW
G = 4
NG = BPW // G
RING = 4

_mesh = plsc.VectorSubcoreMesh(core_axis_name="c", subcore_axis_name="s")


@functools.partial(
    pl.kernel,
    mesh=_mesh,
    out_type=jax.ShapeDtypeStruct((B // 4, 128), jnp.float32),
    scratch_types=[
        pltpu.VMEM((BPW,), jnp.int32),
        pltpu.VMEM((RING * D, G * 128), jnp.float32),
        pltpu.VMEM((BPW // 4, 128), jnp.float32),
        pltpu.VMEM((BPW * 3,), jnp.float32),
        pltpu.VMEM((128,), jnp.float32),
        [pltpu.SemaphoreType.DMA] * RING,
    ],
    compiler_params=pltpu.CompilerParams(use_tc_tiling_on_sc=True,
                                         needs_layout_passes=False),
)
def _sc_embed(ids_hbm, coords_hbm, table_hbm, wtb_hbm, out_hbm,
              ids_v, slots_v, out_v, coords_v, wtb_v, sems):
    wid = lax.axis_index("s") * NC + lax.axis_index("c")
    base = wid * BPW

    pltpu.sync_copy(ids_hbm.at[pl.ds(base, BPW)], ids_v)
    pltpu.sync_copy(coords_hbm.at[pl.ds(base * 3, BPW * 3)], coords_v)
    pltpu.sync_copy(wtb_hbm, wtb_v)

    w0 = (wtb_v[pl.ds(0, 16)], wtb_v[pl.ds(16, 16)])
    w1 = (wtb_v[pl.ds(32, 16)], wtb_v[pl.ds(48, 16)])
    w2 = (wtb_v[pl.ds(64, 16)], wtb_v[pl.ds(80, 16)])
    bb = (wtb_v[pl.ds(96, 16)], wtb_v[pl.ds(112, 16)])
    iota = lax.iota(jnp.int32, 16)

    def issue(blk, half, s):
        idv = ids_v[pl.ds(blk * 16, 16)]
        basev = lax.shift_left(lax.shift_right_logical(idv, 7), 7)
        for j in range(G):
            lb = pl.multiple_of(basev[half * G + j], 128)
            pltpu.async_copy(
                table_hbm.at[pl.ds(0, D), pl.ds(lb, 128)],
                slots_v.at[pl.ds(s * D, D), pl.ds(j * 128, 128)],
                sems[s])

    for k in range(RING):
        issue(0, k, k)

    def body(gg, _):
        idv = ids_v[pl.ds(gg * 16, 16)]
        remv = idv & 127
        cbase = gg * 48
        cv = (coords_v[pl.ds(cbase, 16)],
              coords_v[pl.ds(cbase + 16, 16)],
              coords_v[pl.ds(cbase + 32, 16)])
        for s in range(RING):
            g = gg * RING + s
            pltpu.make_async_copy(
                table_hbm.at[pl.ds(0, D), pl.ds(0, G * 128)],
                slots_v.at[pl.ds(s * D, D)],
                sems[s]).wait()

            rlo = iota + (s * D)
            rhi = rlo + 16
            for j in range(G):
                jj = s * G + j
                k = 3 * jj
                c0 = cv[k // 16][k % 16]
                c1 = cv[(k + 1) // 16][(k + 1) % 16]
                c2 = cv[(k + 2) // 16][(k + 2) % 16]
                col = jnp.full((16,), remv[jj] + j * 128, jnp.int32)
                e_lo = plsc.load_gather(slots_v, [rlo, col])
                e_hi = plsc.load_gather(slots_v, [rhi, col])
                p_lo = e_lo + c0 * w0[0] + c1 * w1[0] + c2 * w2[0] + bb[0]
                p_hi = e_hi + c0 * w0[1] + c1 * w1[1] + c2 * w2[1] + bb[1]
                orow = g
                ocol = j * 32
                out_v[orow, pl.ds(ocol, 16)] = p_lo
                out_v[orow, pl.ds(ocol + 16, 16)] = p_hi

            @pl.when(g + RING < NG)
            def _():
                issue(gg + 1, s, s)
        return 0

    lax.fori_loop(0, NG // RING, body, 0)

    pltpu.sync_copy(out_v, out_hbm.at[pl.ds(wid * (BPW // 4), BPW // 4)])


def kernel(region_ids, spatial_coords, table, W, b):
    ids = region_ids.astype(jnp.int32)
    coords_flat = spatial_coords.reshape(-1)
    table_t = table.T
    wtb = jnp.concatenate([W[:, 0], W[:, 1], W[:, 2], b], axis=0)
    out = _sc_embed(ids, coords_flat, table_t, wtb)
    return out.reshape(B, D)

# --- scband reference (transcript-rebuilt; emitter-appended) ---
"""Pipeline reference for scband-brain-region-embedding-78692390797959 (READ-ONLY COPY).

The authoritative reference and input builder live on the scoring server;
editing this copy changes nothing except your own understanding.
"""

import jax, jax.numpy as jnp
import numpy as np

NUM_REGIONS = 1000000
EMBED_DIM = 32
BATCH = 16384

def setup_inputs(seed: int = 0) -> dict:
    key = jax.random.key(seed)
    k1, k2, k3, k4, k5 = jax.random.split(key, 5)
    region_ids = jax.random.randint(k1, (BATCH,), 0, NUM_REGIONS, dtype=jnp.int64 if jax.config.jax_enable_x64 else jnp.int32)
    spatial_coords = jax.random.normal(k2, (BATCH, 3), dtype=jnp.float32)
    # nn.Embedding default init: N(0, 1)
    table = jax.random.normal(k3, (NUM_REGIONS, EMBED_DIM), dtype=jnp.float32)
    # nn.Linear(3, EMBED_DIM): W [EMBED_DIM, 3], b [EMBED_DIM]
    bound = 1.0 / np.sqrt(3.0)
    W = jax.random.uniform(k4, (EMBED_DIM, 3), minval=-bound, maxval=bound, dtype=jnp.float32)
    b = jax.random.uniform(k5, (EMBED_DIM,), minval=-bound, maxval=bound, dtype=jnp.float32)
    return {"region_ids": region_ids, "spatial_coords": spatial_coords, "table": table, "W": W, "b": b}

def reference(region_ids, spatial_coords, table, W, b):
    region_emb = jnp.take(table, region_ids, axis=0)
    spatial_emb = spatial_coords @ W.T + b
    combined_emb = region_emb + spatial_emb
    return combined_emb

if __name__ == "__main__":
    import jax
    _d = setup_inputs()
    print(jax.jit(kernel)(*tuple(_d.values())))

</pallas_src>

<mosaic_0001>
#map = affine_map<(d0, d1) -> (0)>
#map1 = affine_map<(d0, d1) -> (0, 0)>
module attributes {stable_mosaic.version = 14 : i64} {
  func.func @_sc_embed(%arg0: i32, %arg1: i32, %arg2: memref<16384xi32, #tpu.memory_space<hbm>>, %arg3: memref<49152xf32, #tpu.memory_space<hbm>>, %arg4: memref<32x1000000xf32, #tpu.memory_space<hbm>>, %arg5: memref<128xf32, #tpu.memory_space<hbm>>, %arg6: memref<4096x128xf32, #tpu.memory_space<hbm>>, %arg7: memref<512xi32, #tpu.memory_space<vmem>>, %arg8: memref<128x512xf32, #tpu.memory_space<vmem>>, %arg9: memref<128x128xf32, #tpu.memory_space<vmem>>, %arg10: memref<1536xf32, #tpu.memory_space<vmem>>, %arg11: memref<128xf32, #tpu.memory_space<vmem>>, %arg12: memref<!tpu.dma_semaphore, #tpu.memory_space<semaphore_mem>>, %arg13: memref<!tpu.dma_semaphore, #tpu.memory_space<semaphore_mem>>, %arg14: memref<!tpu.dma_semaphore, #tpu.memory_space<semaphore_mem>>, %arg15: memref<!tpu.dma_semaphore, #tpu.memory_space<semaphore_mem>>) attributes {dimension_semantics = [#tpu.dimension_semantics<core_parallel>, #tpu.dimension_semantics<subcore_parallel>], iteration_bounds = array<i64: 2, 16>, scalar_prefetch = 0 : i64, scratch_operands = 9 : i64, tpu.core_type = #tpu.core_type<sc_vector_subcore>, window_params = [{transform_indices = #map}, {transform_indices = #map}, {transform_indices = #map1}, {transform_indices = #map}, {transform_indices = #map1}]} {
    %mul3A = arith.constant 2 : i32
    %mul3A_0 = arith.muli %arg1, %mul3A : i32
    %add3A = arith.addi %mul3A_0, %arg0 : i32
    %mul3A_1 = arith.constant 512 : i32
    %mul3A_2 = arith.muli %add3A, %mul3A_1 : i32
    "tpu.region"() ({
      %run_scoped3A = tpu.sem_alloc : memref<!tpu.dma_semaphore, #tpu.memory_space<semaphore_mem>>
      %dma_start3A_262 = tpu.memref_slice %arg2[%mul3A_2] : memref<16384xi32, #tpu.memory_space<hbm>> -> memref<512xi32, #tpu.memory_space<hbm>>
      %dma_start3A_263 = tpu.memref_slice %arg2[%mul3A_2] : memref<16384xi32, #tpu.memory_space<hbm>> -> memref<512xi32, #tpu.memory_space<hbm>>
      tpu.enqueue_dma source(%dma_start3A_263 : memref<512xi32, #tpu.memory_space<hbm>>) target(%arg7 : memref<512xi32, #tpu.memory_space<vmem>>) target_semaphore(%run_scoped3A : memref<!tpu.dma_semaphore, #tpu.memory_space<semaphore_mem>>)
      %dma_wait3A = tpu.memref_slice %arg2[%mul3A_2] : memref<16384xi32, #tpu.memory_space<hbm>> -> memref<512xi32, #tpu.memory_space<hbm>>
      %dma_wait3A_264 = tpu.memref_slice %arg2[%mul3A_2] : memref<16384xi32, #tpu.memory_space<hbm>> -> memref<512xi32, #tpu.memory_space<hbm>>
      tpu.wait_dma2 semaphore(%run_scoped3A : memref<!tpu.dma_semaphore, #tpu.memory_space<semaphore_mem>>) src(%dma_wait3A_264 : memref<512xi32, #tpu.memory_space<hbm>>) dst(%arg7 : memref<512xi32, #tpu.memory_space<vmem>>)
      tpu.yield
    }) : () -> ()
    %mul3A_3 = arith.constant 3 : i32
    %mul3A_4 = arith.muli %mul3A_2, %mul3A_3 : i32
    "tpu.region"() ({
      %run_scoped3A = tpu.sem_alloc : memref<!tpu.dma_semaphore, #tpu.memory_space<semaphore_mem>>
      %dma_start3A_262 = tpu.memref_slice %arg3[%mul3A_4] : memref<49152xf32, #tpu.memory_space<hbm>> -> memref<1536xf32, #tpu.memory_space<hbm>>
      %dma_start3A_263 = tpu.memref_slice %arg3[%mul3A_4] : memref<49152xf32, #tpu.memory_space<hbm>> -> memref<1536xf32, #tpu.memory_space<hbm>>
      tpu.enqueue_dma source(%dma_start3A_263 : memref<1536xf32, #tpu.memory_space<hbm>>) target(%arg10 : memref<1536xf32, #tpu.memory_space<vmem>>) target_semaphore(%run_scoped3A : memref<!tpu.dma_semaphore, #tpu.memory_space<semaphore_mem>>)
      %dma_wait3A = tpu.memref_slice %arg3[%mul3A_4] : memref<49152xf32, #tpu.memory_space<hbm>> -> memref<1536xf32, #tpu.memory_space<hbm>>
      %dma_wait3A_264 = tpu.memref_slice %arg3[%mul3A_4] : memref<49152xf32, #tpu.memory_space<hbm>> -> memref<1536xf32, #tpu.memory_space<hbm>>
      tpu.wait_dma2 semaphore(%run_scoped3A : memref<!tpu.dma_semaphore, #tpu.memory_space<semaphore_mem>>) src(%dma_wait3A_264 : memref<1536xf32, #tpu.memory_space<hbm>>) dst(%arg10 : memref<1536xf32, #tpu.memory_space<vmem>>)
      tpu.yield
    }) : () -> ()
    "tpu.region"() ({
      %run_scoped3A = tpu.sem_alloc : memref<!tpu.dma_semaphore, #tpu.memory_space<semaphore_mem>>
      tpu.enqueue_dma source(%arg5 : memref<128xf32, #tpu.memory_space<hbm>>) target(%arg11 : memref<128xf32, #tpu.memory_space<vmem>>) target_semaphore(%run_scoped3A : memref<!tpu.dma_semaphore, #tpu.memory_space<semaphore_mem>>)
      tpu.wait_dma2 semaphore(%run_scoped3A : memref<!tpu.dma_semaphore, #tpu.memory_space<semaphore_mem>>) src(%arg5 : memref<128xf32, #tpu.memory_space<hbm>>) dst(%arg11 : memref<128xf32, #tpu.memory_space<vmem>>)
      tpu.yield
    }) : () -> ()
    %get3A = arith.constant 0 : index
    %get3A_5 = tpu.vector_load %arg11[%get3A] {strides = array<i32>} : memref<128xf32, #tpu.memory_space<vmem>>, vector<16xf32>,
    %get3A_6 = arith.constant 16 : index
    %get3A_7 = tpu.vector_load %arg11[%get3A_6] {strides = array<i32>} : memref<128xf32, #tpu.memory_space<vmem>>, vector<16xf32>,
    %get3A_8 = arith.constant 32 : index
    %get3A_9 = tpu.vector_load %arg11[%get3A_8] {strides = array<i32>} : memref<128xf32, #tpu.memory_space<vmem>>, vector<16xf32>,
    %get3A_10 = arith.constant 48 : index
    %get3A_11 = tpu.vector_load %arg11[%get3A_10] {strides = array<i32>} : memref<128xf32, #tpu.memory_space<vmem>>, vector<16xf32>,
    %get3A_12 = arith.constant 64 : index
    %get3A_13 = tpu.vector_load %arg11[%get3A_12] {strides = array<i32>} : memref<128xf32, #tpu.memory_space<vmem>>, vector<16xf32>,
    %get3A_14 = arith.constant 80 : index
    %get3A_15 = tpu.vector_load %arg11[%get3A_14] {strides = array<i32>} : memref<128xf32, #tpu.memory_space<vmem>>, vector<16xf32>,
    %get3A_16 = arith.constant 96 : index
    %get3A_17 = tpu.vector_load %arg11[%get3A_16] {strides = array<i32>} : memref<128xf32, #tpu.memory_space<vmem>>, vector<16xf32>,
    %get3A_18 = arith.constant 112 : index
    %get3A_19 = tpu.vector_load %arg11[%get3A_18] {strides = array<i32>} : memref<128xf32, #tpu.memory_space<vmem>>, vector<16xf32>,
    %iota3A = tpu.iota {dimensions = array<i32: 0>} : vector<16xi32>
    %get3A_20 = arith.constant 0 : index
    %get3A_21 = tpu.vector_load %arg7[%get3A_20] {strides = array<i32>} : memref<512xi32, #tpu.memory_space<vmem>>, vector<16xi32>,
    %shift_right_logical3A = arith.constant 7 : i32
    %shift_right_logical3A_22 = vector.broadcast %shift_right_logical3A : i32 to vector<16xi32>
    %shift_right_logical3A_23 = arith.shrui %get3A_21, %shift_right_logical3A_22 : vector<16xi32>
    %shift_left3A = arith.constant 7 : i32
    %shift_left3A_24 = vector.broadcast %shift_left3A : i32 to vector<16xi32>
    %shift_left3A_25 = arith.shli %shift_right_logical3A_23, %shift_left3A_24 : vector<16xi32>
    %slice3A = vector.extract_strided_slice %shift_left3A_25 {offsets = [0], sizes = [1], strides = [1]} : vector<16xi32> to vector<1xi32>
    %squeeze3A = vector.extract %slice3A[0] : i32 from vector<1xi32>
    %multiple_of3A = tpu.assume_multiple %squeeze3A, 128 : i32
    %dma_start3A = arith.constant 0 : i32
    %dma_start3A_26 = arith.constant 0 : i32
    %dma_start3A_27 = tpu.memref_slice %arg8[%dma_start3A, %dma_start3A_26] : memref<128x512xf32, #tpu.memory_space<vmem>> -> memref<32x128xf32, #tpu.memory_space<vmem>>
    %dma_start3A_28 = arith.constant 0 : i32
    %dma_start3A_29 = tpu.memref_slice %arg4[%dma_start3A_28, %multiple_of3A] : memref<32x1000000xf32, #tpu.memory_space<hbm>> -> memref<32x128xf32, #tpu.memory_space<hbm>>
    %dma_start3A_30 = arith.constant 0 : i32
    %dma_start3A_31 = arith.constant 0 : i32
    %dma_start3A_32 = tpu.memref_slice %arg8[%dma_start3A_30, %dma_start3A_31] : memref<128x512xf32, #tpu.memory_space<vmem>> -> memref<32x128xf32, #tpu.memory_space<vmem>>
    %dma_start3A_33 = arith.constant 0 : i32
    %dma_start3A_34 = tpu.memref_slice %arg4[%dma_start3A_33, %multiple_of3A] : memref<32x1000000xf32, #tpu.memory_space<hbm>> -> memref<32x128xf32, #tpu.memory_space<hbm>>
    tpu.enqueue_dma source(%dma_start3A_34 : memref<32x128xf32, #tpu.memory_space<hbm>>) target(%dma_start3A_32 : memref<32x128xf32, #tpu.memory_space<vmem>>) target_semaphore(%arg12 : memref<!tpu.dma_semaphore, #tpu.memory_space<semaphore_mem>>)
    %slice3A_35 = vector.extract_strided_slice %shift_left3A_25 {offsets = [1], sizes = [1], strides = [1]} : vector<16xi32> to vector<1xi32>
    %squeeze3A_36 = vector.extract %slice3A_35[0] : i32 from vector<1xi32>
    %multiple_of3A_37 = tpu.assume_multiple %squeeze3A_36, 128 : i32
    %dma_start3A_38 = arith.constant 0 : i32
    %dma_start3A_39 = arith.constant 128 : i32
    %dma_start3A_40 = tpu.memref_slice %arg8[%dma_start3A_38, %dma_start3A_39] : memref<128x512xf32, #tpu.memory_space<vmem>> -> memref<32x128xf32, #tpu.memory_space<vmem>>
    %dma_start3A_41 = arith.constant 0 : i32
    %dma_start3A_42 = tpu.memref_slice %arg4[%dma_start3A_41, %multiple_of3A_37] : memref<32x1000000xf32, #tpu.memory_space<hbm>> -> memref<32x128xf32, #tpu.memory_space<hbm>>
    %dma_start3A_43 = arith.constant 0 : i32
    %dma_start3A_44 = arith.constant 128 : i32
    %dma_start3A_45 = tpu.memref_slice %arg8[%dma_start3A_43, %dma_start3A_44] : memref<128x512xf32, #tpu.memory_space<vmem>> -> memref<32x128xf32, #tpu.memory_space<vmem>>
    %dma_start3A_46 = arith.constant 0 : i32
    %dma_start3A_47 = tpu.memref_slice %arg4[%dma_start3A_46, %multiple_of3A_37] : memref<32x1000000xf32, #tpu.memory_space<hbm>> -> memref<32x128xf32, #tpu.memory_space<hbm>>
    tpu.enqueue_dma source(%dma_start3A_47 : memref<32x128xf32, #tpu.memory_space<hbm>>) target(%dma_start3A_45 : memref<32x128xf32, #tpu.memory_space<vmem>>) target_semaphore(%arg12 : memref<!tpu.dma_semaphore, #tpu.memory_space<semaphore_mem>>)
    %slice3A_48 = vector.extract_strided_slice %shift_left3A_25 {offsets = [2], sizes = [1], strides = [1]} : vector<16xi32> to vector<1xi32>
    %squeeze3A_49 = vector.extract %slice3A_48[0] : i32 from vector<1xi32>
    %multiple_of3A_50 = tpu.assume_multiple %squeeze3A_49, 128 : i32
    %dma_start3A_51 = arith.constant 0 : i32
    %dma_start3A_52 = arith.constant 256 : i32
    %dma_start3A_53 = tpu.memref_slice %arg8[%dma_start3A_51, %dma_start3A_52] : memref<128x512xf32, #tpu.memory_space<vmem>> -> memref<32x128xf32, #tpu.memory_space<vmem>>
    %dma_start3A_54 = arith.constant 0 : i32
    %dma_start3A_55 = tpu.memref_slice %arg4[%dma_start3A_54, %multiple_of3A_50] : memref<32x1000000xf32, #tpu.memory_space<hbm>> -> memref<32x128xf32, #tpu.memory_space<hbm>>
    %dma_start3A_56 = arith.constant 0 : i32
    %dma_start3A_57 = arith.constant 256 : i32
    %dma_start3A_58 = tpu.memref_slice %arg8[%dma_start3A_56, %dma_start3A_57] : memref<128x512xf32, #tpu.memory_space<vmem>> -> memref<32x128xf32, #tpu.memory_space<vmem>>
    %dma_start3A_59 = arith.constant 0 : i32
    %dma_start3A_60 = tpu.memref_slice %arg4[%dma_start3A_59, %multiple_of3A_50] : memref<32x1000000xf32, #tpu.memory_space<hbm>> -> memref<32x128xf32, #tpu.memory_space<hbm>>
    tpu.enqueue_dma source(%dma_start3A_60 : memref<32x128xf32, #tpu.memory_space<hbm>>) target(%dma_start3A_58 : memref<32x128xf32, #tpu.memory_space<vmem>>) target_semaphore(%arg12 : memref<!tpu.dma_semaphore, #tpu.memory_space<semaphore_mem>>)
    %slice3A_61 = vector.extract_strided_slice %shift_left3A_25 {offsets = [3], sizes = [1], strides = [1]} : vector<16xi32> to vector<1xi32>
    %squeeze3A_62 = vector.extract %slice3A_61[0] : i32 from vector<1xi32>
    %multiple_of3A_63 = tpu.assume_multiple %squeeze3A_62, 128 : i32
    %dma_start3A_64 = arith.constant 0 : i32
    %dma_start3A_65 = arith.constant 384 : i32
    %dma_start3A_66 = tpu.memref_slice %arg8[%dma_start3A_64, %dma_start3A_65] : memref<128x512xf32, #tpu.memory_space<vmem>> -> memref<32x128xf32, #tpu.memory_space<vmem>>
    %dma_start3A_67 = arith.constant 0 : i32
    %dma_start3A_68 = tpu.memref_slice %arg4[%dma_start3A_67, %multiple_of3A_63] : memref<32x1000000xf32, #tpu.memory_space<hbm>> -> memref<32x128xf32, #tpu.memory_space<hbm>>
    %dma_start3A_69 = arith.constant 0 : i32
    %dma_start3A_70 = arith.constant 384 : i32
    %dma_start3A_71 = tpu.memref_slice %arg8[%dma_start3A_69, %dma_start3A_70] : memref<128x512xf32, #tpu.memory_space<vmem>> -> memref<32x128xf32, #tpu.memory_space<vmem>>
    %dma_start3A_72 = arith.constant 0 : i32
    %dma_start3A_73 = tpu.memref_slice %arg4[%dma_start3A_72, %multiple_of3A_63] : memref<32x1000000xf32, #tpu.memory_space<hbm>> -> memref<32x128xf32, #tpu.memory_space<hbm>>
    tpu.enqueue_dma source(%dma_start3A_73 : memref<32x128xf32, #tpu.memory_space<hbm>>) target(%dma_start3A_71 : memref<32x128xf32, #tpu.memory_space<vmem>>) target_semaphore(%arg12 : memref<!tpu.dma_semaphore, #tpu.memory_space<semaphore_mem>>)
    %get3A_74 = arith.constant 0 : index
    %get3A_75 = tpu.vector_load %arg7[%get3A_74] {strides = array<i32>} : memref<512xi32, #tpu.memory_space<vmem>>, vector<16xi32>,
    %shift_right_logical3A_76 = arith.constant 7 : i32
    %shift_right_logical3A_77 = vector.broadcast %shift_right_logical3A_76 : i32 to vector<16xi32>
    %shift_right_logical3A_78 = arith.shrui %get3A_75, %shift_right_logical3A_77 : vector<16xi32>
    %shift_left3A_79 = arith.constant 7 : i32
    %shift_left3A_80 = vector.broadcast %shift_left3A_79 : i32 to vector<16xi32>
    %shift_left3A_81 = arith.shli %shift_right_logical3A_78, %shift_left3A_80 : vector<16xi32>
    %slice3A_82 = vector.extract_strided_slice %shift_left3A_81 {offsets = [4], sizes = [1], strides = [1]} : vector<16xi32> to vector<1xi32>
    %squeeze3A_83 = vector.extract %slice3A_82[0] : i32 from vector<1xi32>
    %multiple_of3A_84 = tpu.assume_multiple %squeeze3A_83, 128 : i32
    %dma_start3A_85 = arith.constant 32 : i32
    %dma_start3A_86 = arith.constant 0 : i32
    %dma_start3A_87 = tpu.memref_slice %arg8[%dma_start3A_85, %dma_start3A_86] : memref<128x512xf32, #tpu.memory_space<vmem>> -> memref<32x128xf32, #tpu.memory_space<vmem>>
    %dma_start3A_88 = arith.constant 0 : i32
    %dma_start3A_89 = tpu.memref_slice %arg4[%dma_start3A_88, %multiple_of3A_84] : memref<32x1000000xf32, #tpu.memory_space<hbm>> -> memref<32x128xf32, #tpu.memory_space<hbm>>
    %dma_start3A_90 = arith.constant 32 : i32
    %dma_start3A_91 = arith.constant 0 : i32
    %dma_start3A_92 = tpu.memref_slice %arg8[%dma_start3A_90, %dma_start3A_91] : memref<128x512xf32, #tpu.memory_space<vmem>> -> memref<32x128xf32, #tpu.memory_space<vmem>>
    %dma_start3A_93 = arith.constant 0 : i32
    %dma_start3A_94 = tpu.memref_slice %arg4[%dma_start3A_93, %multiple_of3A_84] : memref<32x1000000xf32, #tpu.memory_space<hbm>> -> memref<32x128xf32, #tpu.memory_space<hbm>>
    tpu.enqueue_dma source(%dma_start3A_94 : memref<32x128xf32, #tpu.memory_space<hbm>>) target(%dma_start3A_92 : memref<32x128xf32, #tpu.memory_space<vmem>>) target_semaphore(%arg13 : memref<!tpu.dma_semaphore, #tpu.memory_space<semaphore_mem>>)
    %slice3A_95 = vector.extract_strided_slice %shift_left3A_81 {offsets = [5], sizes = [1], strides = [1]} : vector<16xi32> to vector<1xi32>
    %squeeze3A_96 = vector.extract %slice3A_95[0] : i32 from vector<1xi32>
    %multiple_of3A_97 = tpu.assume_multiple %squeeze3A_96, 128 : i32
    %dma_start3A_98 = arith.constant 32 : i32
    %dma_start3A_99 = arith.constant 128 : i32
    %dma_start3A_100 = tpu.memref_slice %arg8[%dma_start3A_98, %dma_start3A_99] : memref<128x512xf32, #tpu.memory_space<vmem>> -> memref<32x128xf32, #tpu.memory_space<vmem>>
    %dma_start3A_101 = arith.constant 0 : i32
    %dma_start3A_102 = tpu.memref_slice %arg4[%dma_start3A_101, %multiple_of3A_97] : memref<32x1000000xf32, #tpu.memory_space<hbm>> -> memref<32x128xf32, #tpu.memory_space<hbm>>
    %dma_start3A_103 = arith.constant 32 : i32
    %dma_start3A_104 = arith.constant 128 : i32
    %dma_start3A_105 = tpu.memref_slice %arg8[%dma_start3A_103, %dma_start3A_104] : memref<128x512xf32, #tpu.memory_space<vmem>> -> memref<32x128xf32, #tpu.memory_space<vmem>>
    %dma_start3A_106 = arith.constant 0 : i32
    %dma_start3A_107 = tpu.memref_slice %arg4[%dma_start3A_106, %multiple_of3A_97] : memref<32x1000000xf32, #tpu.memory_space<hbm>> -> memref<32x128xf32, #tpu.memory_space<hbm>>
    tpu.enqueue_dma source(%dma_start3A_107 : memref<32x128xf32, #tpu.memory_space<hbm>>) target(%dma_start3A_105 : memref<32x128xf32, #tpu.memory_space<vmem>>) target_semaphore(%arg13 : memref<!tpu.dma_semaphore, #tpu.memory_space<semaphore_mem>>)
    %slice3A_108 = vector.extract_strided_slice %shift_left3A_81 {offsets = [6], sizes = [1], strides = [1]} : vector<16xi32> to vector<1xi32>
    %squeeze3A_109 = vector.extract %slice3A_108[0] : i32 from vector<1xi32>
    %multiple_of3A_110 = tpu.assume_multiple %squeeze3A_109, 128 : i32
    %dma_start3A_111 = arith.constant 32 : i32
    %dma_start3A_112 = arith.constant 256 : i32
    %dma_start3A_113 = tpu.memref_slice %arg8[%dma_start3A_111, %dma_start3A_112] : memref<128x512xf32, #tpu.memory_space<vmem>> -> memref<32x128xf32, #tpu.memory_space<vmem>>
    %dma_start3A_114 = arith.constant 0 : i32
    %dma_start3A_115 = tpu.memref_slice %arg4[%dma_start3A_114, %multiple_of3A_110] : memref<32x1000000xf32, #tpu.memory_space<hbm>> -> memref<32x128xf32, #tpu.memory_space<hbm>>
    %dma_start3A_116 = arith.constant 32 : i32
    %dma_start3A_117 = arith.constant 256 : i32
    %dma_start3A_118 = tpu.memref_slice %arg8[%dma_start3A_116, %dma_start3A_117] : memref<128x512xf32, #tpu.memory_space<vmem>> -> memref<32x128xf32, #tpu.memory_space<vmem>>
    %dma_start3A_119 = arith.constant 0 : i32
    %dma_start3A_120 = tpu.memref_slice %arg4[%dma_start3A_119, %multiple_of3A_110] : memref<32x1000000xf32, #tpu.memory_space<hbm>> -> memref<32x128xf32, #tpu.memory_space<hbm>>
    tpu.enqueue_dma source(%dma_start3A_120 : memref<32x128xf32, #tpu.memory_space<hbm>>) target(%dma_start3A_118 : memref<32x128xf32, #tpu.memory_space<vmem>>) target_semaphore(%arg13 : memref<!tpu.dma_semaphore, #tpu.memory_space<semaphore_mem>>)
    %slice3A_121 = vector.extract_strided_slice %shift_left3A_81 {offsets = [7], sizes = [1], strides = [1]} : vector<16xi32> to vector<1xi32>
    %squeeze3A_122 = vector.extract %slice3A_121[0] : i32 from vector<1xi32>
    %multiple_of3A_123 = tpu.assume_multiple %squeeze3A_122, 128 : i32
    %dma_start3A_124 = arith.constant 32 : i32
    %dma_start3A_125 = arith.constant 384 : i32
    %dma_start3A_126 = tpu.memref_slice %arg8[%dma_start3A_124, %dma_start3A_125] : memref<128x512xf32, #tpu.memory_space<vmem>> -> memref<32x128xf32, #tpu.memory_space<vmem>>
    %dma_start3A_127 = arith.constant 0 : i32
    %dma_start3A_128 = tpu.memref_slice %arg4[%dma_start3A_127, %multiple_of3A_123] : memref<32x1000000xf32, #tpu.memory_space<hbm>> -> memref<32x128xf32, #tpu.memory_space<hbm>>
    %dma_start3A_129 = arith.constant 32 : i32
    %dma_start3A_130 = arith.constant 384 : i32
    %dma_start3A_131 = tpu.memref_slice %arg8[%dma_start3A_129, %dma_start3A_130] : memref<128x512xf32, #tpu.memory_space<vmem>> -> memref<32x128xf32, #tpu.memory_space<vmem>>
    %dma_start3A_132 = arith.constant 0 : i32
    %dma_start3A_133 = tpu.memref_slice %arg4[%dma_start3A_132, %multiple_of3A_123] : memref<32x1000000xf32, #tpu.memory_space<hbm>> -> memref<32x128xf32, #tpu.memory_space<hbm>>
    tpu.enqueue_dma source(%dma_start3A_133 : memref<32x128xf32, #tpu.memory_space<hbm>>) target(%dma_start3A_131 : memref<32x128xf32, #tpu.memory_space<vmem>>) target_semaphore(%arg13 : memref<!tpu.dma_semaphore, #tpu.memory_space<semaphore_mem>>)
    %get3A_134 = arith.constant 0 : index
    %get3A_135 = tpu.vector_load %arg7[%get3A_134] {strides = array<i32>} : memref<512xi32, #tpu.memory_space<vmem>>, vector<16xi32>,
    %shift_right_logical3A_136 = arith.constant 7 : i32
    %shift_right_logical3A_137 = vector.broadcast %shift_right_logical3A_136 : i32 to vector<16xi32>
    %shift_right_logical3A_138 = arith.shrui %get3A_135, %shift_right_logical3A_137 : vector<16xi32>
    %shift_left3A_139 = arith.constant 7 : i32
    %shift_left3A_140 = vector.broadcast %shift_left3A_139 : i32 to vector<16xi32>
    %shift_left3A_141 = arith.shli %shift_right_logical3A_138, %shift_left3A_140 : vector<16xi32>
    %slice3A_142 = vector.extract_strided_slice %shift_left3A_141 {offsets = [8], sizes = [1], strides = [1]} : vector<16xi32> to vector<1xi32>
    %squeeze3A_143 = vector.extract %slice3A_142[0] : i32 from vector<1xi32>
    %multiple_of3A_144 = tpu.assume_multiple %squeeze3A_143, 128 : i32
    %dma_start3A_145 = arith.constant 64 : i32
    %dma_start3A_146 = arith.constant 0 : i32
    %dma_start3A_147 = tpu.memref_slice %arg8[%dma_start3A_145, %dma_start3A_146] : memref<128x512xf32, #tpu.memory_space<vmem>> -> memref<32x128xf32, #tpu.memory_space<vmem>>
    %dma_start3A_148 = arith.constant 0 : i32
    %dma_start3A_149 = tpu.memref_slice %arg4[%dma_start3A_148, %multiple_of3A_144] : memref<32x1000000xf32, #tpu.memory_space<hbm>> -> memref<32x128xf32, #tpu.memory_space<hbm>>
    %dma_start3A_150 = arith.constant 64 : i32
    %dma_start3A_151 = arith.constant 0 : i32
    %dma_start3A_152 = tpu.memref_slice %arg8[%dma_start3A_150, %dma_start3A_151] : memref<128x512xf32, #tpu.memory_space<vmem>> -> memref<32x128xf32, #tpu.memory_space<vmem>>
    %dma_start3A_153 = arith.constant 0 : i32
    %dma_start3A_154 = tpu.memref_slice %arg4[%dma_start3A_153, %multiple_of3A_144] : memref<32x1000000xf32, #tpu.memory_space<hbm>> -> memref<32x128xf32, #tpu.memory_space<hbm>>
    tpu.enqueue_dma source(%dma_start3A_154 : memref<32x128xf32, #tpu.memory_space<hbm>>) target(%dma_start3A_152 : memref<32x128xf32, #tpu.memory_space<vmem>>) target_semaphore(%arg14 : memref<!tpu.dma_semaphore, #tpu.memory_space<semaphore_mem>>)
    %slice3A_155 = vector.extract_strided_slice %shift_left3A_141 {offsets = [9], sizes = [1], strides = [1]} : vector<16xi32> to vector<1xi32>
    %squeeze3A_156 = vector.extract %slice3A_155[0] : i32 from vector<1xi32>
    %multiple_of3A_157 = tpu.assume_multiple %squeeze3A_156, 128 : i32
    %dma_start3A_158 = arith.constant 64 : i32
    %dma_start3A_159 = arith.constant 128 : i32
    %dma_start3A_160 = tpu.memref_slice %arg8[%dma_start3A_158, %dma_start3A_159] : memref<128x512xf32, #tpu.memory_space<vmem>> -> memref<32x128xf32, #tpu.memory_space<vmem>>
    %dma_start3A_161 = arith.constant 0 : i32
    %dma_start3A_162 = tpu.memref_slice %arg4[%dma_start3A_161, %multiple_of3A_157] : memref<32x1000000xf32, #tpu.memory_space<hbm>> -> memref<32x128xf32, #tpu.memory_space<hbm>>
    %dma_start3A_163 = arith.constant 64 : i32
    %dma_start3A_164 = arith.constant 128 : i32
    %dma_start3A_165 = tpu.memref_slice %arg8[%dma_start3A_163, %dma_start3A_164] : memref<128x512xf32, #tpu.memory_space<vmem>> -> memref<32x128xf32, #tpu.memory_space<vmem>>
    %dma_start3A_166 = arith.constant 0 : i32
    %dma_start3A_167 = tpu.memref_slice %arg4[%dma_start3A_166, %multiple_of3A_157] : memref<32x1000000xf32, #tpu.memory_space<hbm>> -> memref<32x128xf32, #tpu.memory_space<hbm>>
    tpu.enqueue_dma source(%dma_start3A_167 : memref<32x128xf32, #tpu.memory_space<hbm>>) target(%dma_start3A_165 : memref<32x128xf32, #tpu.memory_space<vmem>>) target_semaphore(%arg14 : memref<!tpu.dma_semaphore, #tpu.memory_space<semaphore_mem>>)
    %slice3A_168 = vector.extract_strided_slice %shift_left3A_141 {offsets = [10], sizes = [1], strides = [1]} : vector<16xi32> to vector<1xi32>
    %squeeze3A_169 = vector.extract %slice3A_168[0] : i32 from vector<1xi32>
    %multiple_of3A_170 = tpu.assume_multiple %squeeze3A_169, 128 : i32
    %dma_start3A_171 = arith.constant 64 : i32
    %dma_start3A_172 = arith.constant 256 : i32
    %dma_start3A_173 = tpu.memref_slice %arg8[%dma_start3A_171, %dma_start3A_172] : memref<128x512xf32, #tpu.memory_space<vmem>> -> memref<32x128xf32, #tpu.memory_space<vmem>>
    %dma_start3A_174 = arith.constant 0 : i32
    %dma_start3A_175 = tpu.memref_slice %arg4[%dma_start3A_174, %multiple_of3A_170] : memref<32x1000000xf32, #tpu.memory_space<hbm>> -> memref<32x128xf32, #tpu.memory_space<hbm>>
    %dma_start3A_176 = arith.constant 64 : i32
    %dma_start3A_177 = arith.constant 256 : i32
    %dma_start3A_178 = tpu.memref_slice %arg8[%dma_start3A_176, %dma_start3A_177] : memref<128x512xf32, #tpu.memory_space<vmem>> -> memref<32x128xf32, #tpu.memory_space<vmem>>
    %dma_start3A_179 = arith.constant 0 : i32
    %dma_start3A_180 = tpu.memref_slice %arg4[%dma_start3A_179, %multiple_of3A_170] : memref<32x1000000xf32, #tpu.memory_space<hbm>> -> memref<32x128xf32, #tpu.memory_space<hbm>>
    tpu.enqueue_dma source(%dma_start3A_180 : memref<32x128xf32, #tpu.memory_space<hbm>>) target(%dma_start3A_178 : memref<32x128xf32, #tpu.memory_space<vmem>>) target_semaphore(%arg14 : memref<!tpu.dma_semaphore, #tpu.memory_space<semaphore_mem>>)
    %slice3A_181 = vector.extract_strided_slice %shift_left3A_141 {offsets = [11], sizes = [1], strides = [1]} : vector<16xi32> to vector<1xi32>
    %squeeze3A_182 = vector.extract %slice3A_181[0] : i32 from vector<1xi32>
    %multiple_of3A_183 = tpu.assume_multiple %squeeze3A_182, 128 : i32
    %dma_start3A_184 = arith.constant 64 : i32
    %dma_start3A_185 = arith.constant 384 : i32
    %dma_start3A_186 = tpu.memref_slice %arg8[%dma_start3A_184, %dma_start3A_185] : memref<128x512xf32, #tpu.memory_space<vmem>> -> memref<32x128xf32, #tpu.memory_space<vmem>>
    %dma_start3A_187 = arith.constant 0 : i32
    %dma_start3A_188 = tpu.memref_slice %arg4[%dma_start3A_187, %multiple_of3A_183] : memref<32x1000000xf32, #tpu.memory_space<hbm>> -> memref<32x128xf32, #tpu.memory_space<hbm>>
    %dma_start3A_189 = arith.constant 64 : i32
    %dma_start3A_190 = arith.constant 384 : i32
    %dma_start3A_191 = tpu.memref_slice %arg8[%dma_start3A_189, %dma_start3A_190] : memref<128x512xf32, #tpu.memory_space<vmem>> -> memref<32x128xf32, #tpu.memory_space<vmem>>
    %dma_start3A_192 = arith.constant 0 : i32
    %dma_start3A_193 = tpu.memref_slice %arg4[%dma_start3A_192, %multiple_of3A_183] : memref<32x1000000xf32, #tpu.memory_space<hbm>> -> memref<32x128xf32, #tpu.memory_space<hbm>>
    tpu.enqueue_dma source(%dma_start3A_193 : memref<32x128xf32, #tpu.memory_space<hbm>>) target(%dma_start3A_191 : memref<32x128xf32, #tpu.memory_space<vmem>>) target_semaphore(%arg14 : memref<!tpu.dma_semaphore, #tpu.memory_space<semaphore_mem>>)
    %get3A_194 = arith.constant 0 : index
    %get3A_195 = tpu.vector_load %arg7[%get3A_194] {strides = array<i32>} : memref<512xi32, #tpu.memory_space<vmem>>, vector<16xi32>,
    %shift_right_logical3A_196 = arith.constant 7 : i32
    %shift_right_logical3A_197 = vector.broadcast %shift_right_logical3A_196 : i32 to vector<16xi32>
    %shift_right_logical3A_198 = arith.shrui %get3A_195, %shift_right_logical3A_197 : vector<16xi32>
    %shift_left3A_199 = arith.constant 7 : i32
    %shift_left3A_200 = vector.broadcast %shift_left3A_199 : i32 to vector<16xi32>
    %shift_left3A_201 = arith.shli %shift_right_logical3A_198, %shift_left3A_200 : vector<16xi32>
    %slice3A_202 = vector.extract_strided_slice %shift_left3A_201 {offsets = [12], sizes = [1], strides = [1]} : vector<16xi32> to vector<1xi32>
    %squeeze3A_203 = vector.extract %slice3A_202[0] : i32 from vector<1xi32>
    %multiple_of3A_204 = tpu.assume_multiple %squeeze3A_203, 128 : i32
    %dma_start3A_205 = arith.constant 96 : i32
    %dma_start3A_206 = arith.constant 0 : i32
    %dma_start3A_207 = tpu.memref_slice %arg8[%dma_start3A_205, %dma_start3A_206] : memref<128x512xf32, #tpu.memory_space<vmem>> -> memref<32x128xf32, #tpu.memory_space<vmem>>
    %dma_start3A_208 = arith.constant 0 : i32
    %dma_start3A_209 = tpu.memref_slice %arg4[%dma_start3A_208, %multiple_of3A_204] : memref<32x1000000xf32, #tpu.memory_space<hbm>> -> memref<32x128xf32, #tpu.memory_space<hbm>>
    %dma_start3A_210 = arith.constant 96 : i32
    %dma_start3A_211 = arith.constant 0 : i32
    %dma_start3A_212 = tpu.memref_slice %arg8[%dma_start3A_210, %dma_start3A_211] : memref<128x512xf32, #tpu.memory_space<vmem>> -> memref<32x128xf32, #tpu.memory_space<vmem>>
    %dma_start3A_213 = arith.constant 0 : i32
    %dma_start3A_214 = tpu.memref_slice %arg4[%dma_start3A_213, %multiple_of3A_204] : memref<32x1000000xf32, #tpu.memory_space<hbm>> -> memref<32x128xf32, #tpu.memory_space<hbm>>
    tpu.enqueue_dma source(%dma_start3A_214 : memref<32x128xf32, #tpu.memory_space<hbm>>) target(%dma_start3A_212 : memref<32x128xf32, #tpu.memory_space<vmem>>) target_semaphore(%arg15 : memref<!tpu.dma_semaphore, #tpu.memory_space<semaphore_mem>>)
    %slice3A_215 = vector.extract_strided_slice %shift_left3A_201 {offsets = [13], sizes = [1], strides = [1]} : vector<16xi32> to vector<1xi32>
    %squeeze3A_216 = vector.extract %slice3A_215[0] : i32 from vector<1xi32>
    %multiple_of3A_217 = tpu.assume_multiple %squeeze3A_216, 128 : i32
    %dma_start3A_218 = arith.constant 96 : i32
    %dma_start3A_219 = arith.constant 128 : i32
    %dma_start3A_220 = tpu.memref_slice %arg8[%dma_start3A_218, %dma_start3A_219] : memref<128x512xf32, #tpu.memory_space<vmem>> -> memref<32x128xf32, #tpu.memory_space<vmem>>
    %dma_start3A_221 = arith.constant 0 : i32
    %dma_start3A_222 = tpu.memref_slice %arg4[%dma_start3A_221, %multiple_of3A_217] : memref<32x1000000xf32, #tpu.memory_space<hbm>> -> memref<32x128xf32, #tpu.memory_space<hbm>>
    %dma_start3A_223 = arith.constant 96 : i32
    %dma_start3A_224 = arith.constant 128 : i32
    %dma_start3A_225 = tpu.memref_slice %arg8[%dma_start3A_223, %dma_start3A_224] : memref<128x512xf32, #tpu.memory_space<vmem>> -> memref<32x128xf32, #tpu.memory_space<vmem>>
    %dma_start3A_226 = arith.constant 0 : i32
    %dma_start3A_227 = tpu.memref_slice %arg4[%dma_start3A_226, %multiple_of3A_217] : memref<32x1000000xf32, #tpu.memory_space<hbm>> -> memref<32x128xf32, #tpu.memory_space<hbm>>
    tpu.enqueue_dma source(%dma_start3A_227 : memref<32x128xf32, #tpu.memory_space<hbm>>) target(%dma_start3A_225 : memref<32x128xf32, #tpu.memory_space<vmem>>) target_semaphore(%arg15 : memref<!tpu.dma_semaphore, #tpu.memory_space<semaphore_mem>>)
    %slice3A_228 = vector.extract_strided_slice %shift_left3A_201 {offsets = [14], sizes = [1], strides = [1]} : vector<16xi32> to vector<1xi32>
    %squeeze3A_229 = vector.extract %slice3A_228[0] : i32 from vector<1xi32>
    %multiple_of3A_230 = tpu.assume_multiple %squeeze3A_229, 128 : i32
    %dma_start3A_231 = arith.constant 96 : i32
    %dma_start3A_232 = arith.constant 256 : i32
    %dma_start3A_233 = tpu.memref_slice %arg8[%dma_start3A_231, %dma_start3A_232] : memref<128x512xf32, #tpu.memory_space<vmem>> -> memref<32x128xf32, #tpu.memory_space<vmem>>
    %dma_start3A_234 = arith.constant 0 : i32
    %dma_start3A_235 = tpu.memref_slice %arg4[%dma_start3A_234, %multiple_of3A_230] : memref<32x1000000xf32, #tpu.memory_space<hbm>> -> memref<32x128xf32, #tpu.memory_space<hbm>>
    %dma_start3A_236 = arith.constant 96 : i32
    %dma_start3A_237 = arith.constant 256 : i32
    %dma_start3A_238 = tpu.memref_slice %arg8[%dma_start3A_236, %dma_start3A_237] : memref<128x512xf32, #tpu.memory_space<vmem>> -> memref<32x128xf32, #tpu.memory_space<vmem>>
    %dma_start3A_239 = arith.constant 0 : i32
    %dma_start3A_240 = tpu.memref_slice %arg4[%dma_start3A_239, %multiple_of3A_230] : memref<32x1000000xf32, #tpu.memory_space<hbm>> -> memref<32x128xf32, #tpu.memory_space<hbm>>
    tpu.enqueue_dma source(%dma_start3A_240 : memref<32x128xf32, #tpu.memory_space<hbm>>) target(%dma_start3A_238 : memref<32x128xf32, #tpu.memory_space<vmem>>) target_semaphore(%arg15 : memref<!tpu.dma_semaphore, #tpu.memory_space<semaphore_mem>>)
    %slice3A_241 = vector.extract_strided_slice %shift_left3A_201 {offsets = [15], sizes = [1], strides = [1]} : vector<16xi32> to vector<1xi32>
    %squeeze3A_242 = vector.extract %slice3A_241[0] : i32 from vector<1xi32>
    %multiple_of3A_243 = tpu.assume_multiple %squeeze3A_242, 128 : i32
    %dma_start3A_244 = arith.constant 96 : i32
    %dma_start3A_245 = arith.constant 384 : i32
    %dma_start3A_246 = tpu.memref_slice %arg8[%dma_start3A_244, %dma_start3A_245] : memref<128x512xf32, #tpu.memory_space<vmem>> -> memref<32x128xf32, #tpu.memory_space<vmem>>
    %dma_start3A_247 = arith.constant 0 : i32
    %dma_start3A_248 = tpu.memref_slice %arg4[%dma_start3A_247, %multiple_of3A_243] : memref<32x1000000xf32, #tpu.memory_space<hbm>> -> memref<32x128xf32, #tpu.memory_space<hbm>>
    %dma_start3A_249 = arith.constant 96 : i32
    %dma_start3A_250 = arith.constant 384 : i32
    %dma_start3A_251 = tpu.memref_slice %arg8[%dma_start3A_249, %dma_start3A_250] : memref<128x512xf32, #tpu.memory_space<vmem>> -> memref<32x128xf32, #tpu.memory_space<vmem>>
    %dma_start3A_252 = arith.constant 0 : i32
    %dma_start3A_253 = tpu.memref_slice %arg4[%dma_start3A_252, %multiple_of3A_243] : memref<32x1000000xf32, #tpu.memory_space<hbm>> -> memref<32x128xf32, #tpu.memory_space<hbm>>
    tpu.enqueue_dma source(%dma_start3A_253 : memref<32x128xf32, #tpu.memory_space<hbm>>) target(%dma_start3A_251 : memref<32x128xf32, #tpu.memory_space<vmem>>) target_semaphore(%arg15 : memref<!tpu.dma_semaphore, #tpu.memory_space<semaphore_mem>>)
    %scan3A = arith.constant 0 : i32
    %scan3A_254 = arith.constant 0 : i32
    %scan3A_255 = arith.constant 32 : i32
    %scan3A_256 = arith.addi %scan3A_254, %scan3A_255 : i32
    %scan3A_257 = arith.constant 1 : i32
    %scan3A_258 = scf.for %scan3A_262 = %scan3A_254 to %scan3A_256 step %scan3A_257 iter_args(%scan3A_263 = %scan3A) -> (i32)  : i32 {
      %mul3A_264 = arith.constant 16 : i32
      %mul3A_265 = arith.muli %scan3A_262, %mul3A_264 : i32
      %get3A_266 = arith.index_cast %mul3A_265 : i32 to index
      %get3A_267 = tpu.vector_load %arg7[%get3A_266] {strides = array<i32>} : memref<512xi32, #tpu.memory_space<vmem>>, vector<16xi32>,
      %and3A = arith.constant 127 : i32
      %and3A_268 = vector.broadcast %and3A : i32 to vector<16xi32>
      %and3A_269 = arith.andi %get3A_267, %and3A_268 : vector<16xi32>
      %mul3A_270 = arith.constant 48 : i32
      %mul3A_271 = arith.muli %scan3A_262, %mul3A_270 : i32
      %get3A_272 = arith.index_cast %mul3A_271 : i32 to index
      %get3A_273 = tpu.vector_load %arg10[%get3A_272] {strides = array<i32>} : memref<1536xf32, #tpu.memory_space<vmem>>, vector<16xf32>,
      %add3A_274 = arith.constant 16 : i32
      %add3A_275 = arith.addi %mul3A_271, %add3A_274 : i32
      %get3A_276 = arith.index_cast %add3A_275 : i32 to index
      %get3A_277 = tpu.vector_load %arg10[%get3A_276] {strides = array<i32>} : memref<1536xf32, #tpu.memory_space<vmem>>, vector<16xf32>,
      %add3A_278 = arith.constant 32 : i32
      %add3A_279 = arith.addi %mul3A_271, %add3A_278 : i32
      %get3A_280 = arith.index_cast %add3A_279 : i32 to index
      %get3A_281 = tpu.vector_load %arg10[%get3A_280] {strides = array<i32>} : memref<1536xf32, #tpu.memory_space<vmem>>, vector<16xf32>,
      %mul3A_282 = arith.constant 4 : i32
      %mul3A_283 = arith.muli %scan3A_262, %mul3A_282 : i32
      %add3A_284 = arith.constant 0 : i32
      %add3A_285 = arith.addi %mul3A_283, %add3A_284 : i32
      %dma_wait3A = arith.constant 0 : i32
      %dma_wait3A_286 = arith.constant 0 : i32
      %dma_wait3A_287 = tpu.memref_slice %arg8[%dma_wait3A, %dma_wait3A_286] : memref<128x512xf32, #tpu.memory_space<vmem>> -> memref<32x512xf32, #tpu.memory_space<vmem>>
      %dma_wait3A_288 = arith.constant 0 : i32
      %dma_wait3A_289 = arith.constant 0 : i32
      %dma_wait3A_290 = tpu.memref_slice %arg4[%dma_wait3A_288, %dma_wait3A_289] : memref<32x1000000xf32, #tpu.memory_space<hbm>> -> memref<32x512xf32, #tpu.memory_space<hbm>>
      %dma_wait3A_291 = arith.constant 0 : i32
      %dma_wait3A_292 = arith.constant 0 : i32
      %dma_wait3A_293 = tpu.memref_slice %arg8[%dma_wait3A_291, %dma_wait3A_292] : memref<128x512xf32, #tpu.memory_space<vmem>> -> memref<32x512xf32, #tpu.memory_space<vmem>>
      %dma_wait3A_294 = arith.constant 0 : i32
      %dma_wait3A_295 = arith.constant 0 : i32
      %dma_wait3A_296 = tpu.memref_slice %arg4[%dma_wait3A_294, %dma_wait3A_295] : memref<32x1000000xf32, #tpu.memory_space<hbm>> -> memref<32x512xf32, #tpu.memory_space<hbm>>
      tpu.wait_dma2 semaphore(%arg12 : memref<!tpu.dma_semaphore, #tpu.memory_space<semaphore_mem>>) src(%dma_wait3A_296 : memref<32x512xf32, #tpu.memory_space<hbm>>) dst(%dma_wait3A_293 : memref<32x512xf32, #tpu.memory_space<vmem>>)
      %add3A_297 = arith.constant 0 : i32
      %add3A_298 = vector.broadcast %add3A_297 : i32 to vector<16xi32>
      %add3A_299 = arith.addi %iota3A, %add3A_298 : vector<16xi32>
      %add3A_300 = arith.constant 16 : i32
      %add3A_301 = vector.broadcast %add3A_300 : i32 to vector<16xi32>
      %add3A_302 = arith.addi %add3A_299, %add3A_301 : vector<16xi32>
      %slice3A_303 = vector.extract_strided_slice %get3A_273 {offsets = [0], sizes = [1], strides = [1]} : vector<16xf32> to vector<1xf32>
      %squeeze3A_304 = vector.extract %slice3A_303[0] : f32 from vector<1xf32>
      %slice3A_305 = vector.extract_strided_slice %get3A_273 {offsets = [1], sizes = [1], strides = [1]} : vector<16xf32> to vector<1xf32>
      %squeeze3A_306 = vector.extract %slice3A_305[0] : f32 from vector<1xf32>
      %slice3A_307 = vector.extract_strided_slice %get3A_273 {offsets = [2], sizes = [1], strides = [1]} : vector<16xf32> to vector<1xf32>
      %squeeze3A_308 = vector.extract %slice3A_307[0] : f32 from vector<1xf32>
      %slice3A_309 = vector.extract_strided_slice %and3A_269 {offsets = [0], sizes = [1], strides = [1]} : vector<16xi32> to vector<1xi32>
      %squeeze3A_310 = vector.extract %slice3A_309[0] : i32 from vector<1xi32>
      %add3A_311 = arith.constant 0 : i32
      %add3A_312 = arith.addi %squeeze3A_310, %add3A_311 : i32
      %broadcast_in_dim3A = vector.broadcast %add3A_312 : i32 to vector<16xi32>
      %gather3A = tpu.vector_load_idx %arg8[%add3A_299, %broadcast_in_dim3A] : memref<128x512xf32, #tpu.memory_space<vmem>>[vector<16xi32>, vector<16xi32>], vector<16xf32>,
      %gather3A_313 = tpu.vector_load_idx %arg8[%add3A_302, %broadcast_in_dim3A] : memref<128x512xf32, #tpu.memory_space<vmem>>[vector<16xi32>, vector<16xi32>], vector<16xf32>,
      %mul3A_314 = vector.broadcast %squeeze3A_304 : f32 to vector<16xf32>
      %mul3A_315 = arith.mulf %mul3A_314, %get3A_5 : vector<16xf32>
      %add3A_316 = arith.addf %gather3A, %mul3A_315 : vector<16xf32>
      %mul3A_317 = vector.broadcast %squeeze3A_306 : f32 to vector<16xf32>
      %mul3A_318 = arith.mulf %mul3A_317, %get3A_9 : vector<16xf32>
      %add3A_319 = arith.addf %add3A_316, %mul3A_318 : vector<16xf32>
      %mul3A_320 = vector.broadcast %squeeze3A_308 : f32 to vector<16xf32>
      %mul3A_321 = arith.mulf %mul3A_320, %get3A_13 : vector<16xf32>
      %add3A_322 = arith.addf %add3A_319, %mul3A_321 : vector<16xf32>
      %add3A_323 = arith.addf %add3A_322, %get3A_17 : vector<16xf32>
      %mul3A_324 = vector.broadcast %squeeze3A_304 : f32 to vector<16xf32>
      %mul3A_325 = arith.mulf %mul3A_324, %get3A_7 : vector<16xf32>
      %add3A_326 = arith.addf %gather3A_313, %mul3A_325 : vector<16xf32>
      %mul3A_327 = vector.broadcast %squeeze3A_306 : f32 to vector<16xf32>
      %mul3A_328 = arith.mulf %mul3A_327, %get3A_11 : vector<16xf32>
      %add3A_329 = arith.addf %add3A_326, %mul3A_328 : vector<16xf32>
      %mul3A_330 = vector.broadcast %squeeze3A_308 : f32 to vector<16xf32>
      %mul3A_331 = arith.mulf %mul3A_330, %get3A_15 : vector<16xf32>
      %add3A_332 = arith.addf %add3A_329, %mul3A_331 : vector<16xf32>
      %add3A_333 = arith.addf %add3A_332, %get3A_19 : vector<16xf32>
      %swap3A = arith.index_cast %add3A_285 : i32 to index
      %swap3A_334 = arith.constant 0 : index
      %swap3A_335 = tpu.vector_load %arg9[%swap3A, %swap3A_334] {strides = array<i32>} : memref<128x128xf32, #tpu.memory_space<vmem>>, vector<16xf32>,
      tpu.vector_store %arg9[%swap3A, %swap3A_334], %add3A_323 {strides = array<i32>} : memref<128x128xf32, #tpu.memory_space<vmem>>, vector<16xf32>,
      %swap3A_336 = arith.index_cast %add3A_285 : i32 to index
      %swap3A_337 = arith.constant 16 : index
      %swap3A_338 = tpu.vector_load %arg9[%swap3A_336, %swap3A_337] {strides = array<i32>} : memref<128x128xf32, #tpu.memory_space<vmem>>, vector<16xf32>,
      tpu.vector_store %arg9[%swap3A_336, %swap3A_337], %add3A_333 {strides = array<i32>} : memref<128x128xf32, #tpu.memory_space<vmem>>, vector<16xf32>,
      %slice3A_339 = vector.extract_strided_slice %get3A_273 {offsets = [3], sizes = [1], strides = [1]} : vector<16xf32> to vector<1xf32>
      %squeeze3A_340 = vector.extract %slice3A_339[0] : f32 from vector<1xf32>
      %slice3A_341 = vector.extract_strided_slice %get3A_273 {offsets = [4], sizes = [1], strides = [1]} : vector<16xf32> to vector<1xf32>
      %squeeze3A_342 = vector.extract %slice3A_341[0] : f32 from vector<1xf32>
      %slice3A_343 = vector.extract_strided_slice %get3A_273 {offsets = [5], sizes = [1], strides = [1]} : vector<16xf32> to vector<1xf32>
      %squeeze3A_344 = vector.extract %slice3A_343[0] : f32 from vector<1xf32>
      %slice3A_345 = vector.extract_strided_slice %and3A_269 {offsets = [1], sizes = [1], strides = [1]} : vector<16xi32> to vector<1xi32>
      %squeeze3A_346 = vector.extract %slice3A_345[0] : i32 from vector<1xi32>
      %add3A_347 = arith.constant 128 : i32
      %add3A_348 = arith.addi %squeeze3A_346, %add3A_347 : i32
      %broadcast_in_dim3A_349 = vector.broadcast %add3A_348 : i32 to vector<16xi32>
      %gather3A_350 = tpu.vector_load_idx %arg8[%add3A_299, %broadcast_in_dim3A_349] : memref<128x512xf32, #tpu.memory_space<vmem>>[vector<16xi32>, vector<16xi32>], vector<16xf32>,
      %gather3A_351 = tpu.vector_load_idx %arg8[%add3A_302, %broadcast_in_dim3A_349] : memref<128x512xf32, #tpu.memory_space<vmem>>[vector<16xi32>, vector<16xi32>], vector<16xf32>,
      %mul3A_352 = vector.broadcast %squeeze3A_340 : f32 to vector<16xf32>
      %mul3A_353 = arith.mulf %mul3A_352, %get3A_5 : vector<16xf32>
      %add3A_354 = arith.addf %gather3A_350, %mul3A_353 : vector<16xf32>
      %mul3A_355 = vector.broadcast %squeeze3A_342 : f32 to vector<16xf32>
      %mul3A_356 = arith.mulf %mul3A_355, %get3A_9 : vector<16xf32>
      %add3A_357 = arith.addf %add3A_354, %mul3A_356 : vector<16xf32>
      %mul3A_358 = vector.broadcast %squeeze3A_344 : f32 to vector<16xf32>
      %mul3A_359 = arith.mulf %mul3A_358, %get3A_13 : vector<16xf32>
      %add3A_360 = arith.addf %add3A_357, %mul3A_359 : vector<16xf32>
      %add3A_361 = arith.addf %add3A_360, %get3A_17 : vector<16xf32>
      %mul3A_362 = vector.broadcast %squeeze3A_340 : f32 to vector<16xf32>
      %mul3A_363 = arith.mulf %mul3A_362, %get3A_7 : vector<16xf32>
      %add3A_364 = arith.addf %gather3A_351, %mul3A_363 : vector<16xf32>
      %mul3A_365 = vector.broadcast %squeeze3A_342 : f32 to vector<16xf32>
      %mul3A_366 = arith.mulf %mul3A_365, %get3A_11 : vector<16xf32>
      %add3A_367 = arith.addf %add3A_364, %mul3A_366 : vector<16xf32>
      %mul3A_368 = vector.broadcast %squeeze3A_344 : f32 to vector<16xf32>
      %mul3A_369 = arith.mulf %mul3A_368, %get3A_15 : vector<16xf32>
      %add3A_370 = arith.addf %add3A_367, %mul3A_369 : vector<16xf32>
      %add3A_371 = arith.addf %add3A_370, %get3A_19 : vector<16xf32>
      %swap3A_372 = arith.index_cast %add3A_285 : i32 to index
      %swap3A_373 = arith.constant 32 : index
      %swap3A_374 = tpu.vector_load %arg9[%swap3A_372, %swap3A_373] {strides = array<i32>} : memref<128x128xf32, #tpu.memory_space<vmem>>, vector<16xf32>,
      tpu.vector_store %arg9[%swap3A_372, %swap3A_373], %add3A_361 {strides = array<i32>} : memref<128x128xf32, #tpu.memory_space<vmem>>, vector<16xf32>,
      %swap3A_375 = arith.index_cast %add3A_285 : i32 to index
      %swap3A_376 = arith.constant 48 : index
      %swap3A_377 = tpu.vector_load %arg9[%swap3A_375, %swap3A_376] {strides = array<i32>} : memref<128x128xf32, #tpu.memory_space<vmem>>, vector<16xf32>,
      tpu.vector_store %arg9[%swap3A_375, %swap3A_376], %add3A_371 {strides = array<i32>} : memref<128x128xf32, #tpu.memory_space<vmem>>, vector<16xf32>,
      %slice3A_378 = vector.extract_strided_slice %get3A_273 {offsets = [6], sizes = [1], strides = [1]} : vector<16xf32> to vector<1xf32>
      %squeeze3A_379 = vector.extract %slice3A_378[0] : f32 from vector<1xf32>
      %slice3A_380 = vector.extract_strided_slice %get3A_273 {offsets = [7], sizes = [1], strides = [1]} : vector<16xf32> to vector<1xf32>
      %squeeze3A_381 = vector.extract %slice3A_380[0] : f32 from vector<1xf32>
      %slice3A_382 = vector.extract_strided_slice %get3A_273 {offsets = [8], sizes = [1], strides = [1]} : vector<16xf32> to vector<1xf32>
      %squeeze3A_383 = vector.extract %slice3A_382[0] : f32 from vector<1xf32>
      %slice3A_384 = vector.extract_strided_slice %and3A_269 {offsets = [2], sizes = [1], strides = [1]} : vector<16xi32> to vector<1xi32>
      %squeeze3A_385 = vector.extract %slice3A_384[0] : i32 from vector<1xi32>
      %add3A_386 = arith.constant 256 : i32
      %add3A_387 = arith.addi %squeeze3A_385, %add3A_386 : i32
      %broadcast_in_dim3A_388 = vector.broadcast %add3A_387 : i32 to vector<16xi32>
      %gather3A_389 = tpu.vector_load_idx %arg8[%add3A_299, %broadcast_in_dim3A_388] : memref<128x512xf32, #tpu.memory_space<vmem>>[vector<16xi32>, vector<16xi32>], vector<16xf32>,
      %gather3A_390 = tpu.vector_load_idx %arg8[%add3A_302, %broadcast_in_dim3A_388] : memref<128x512xf32, #tpu.memory_space<vmem>>[vector<16xi32>, vector<16xi32>], vector<16xf32>,
      %mul3A_391 = vector.broadcast %squeeze3A_379 : f32 to vector<16xf32>
      %mul3A_392 = arith.mulf %mul3A_391, %get3A_5 : vector<16xf32>
      %add3A_393 = arith.addf %gather3A_389, %mul3A_392 : vector<16xf32>
      %mul3A_394 = vector.broadcast %squeeze3A_381 : f32 to vector<16xf32>
      %mul3A_395 = arith.mulf %mul3A_394, %get3A_9 : vector<16xf32>
      %add3A_396 = arith.addf %add3A_393, %mul3A_395 : vector<16xf32>
      %mul3A_397 = vector.broadcast %squeeze3A_383 : f32 to vector<16xf32>
      %mul3A_398 = arith.mulf %mul3A_397, %get3A_13 : vector<16xf32>
      %add3A_399 = arith.addf %add3A_396, %mul3A_398 : vector<16xf32>
      %add3A_400 = arith.addf %add3A_399, %get3A_17 : vector<16xf32>
      %mul3A_401 = vector.broadcast %squeeze3A_379 : f32 to vector<16xf32>
      %mul3A_402 = arith.mulf %mul3A_401, %get3A_7 : vector<16xf32>
      %add3A_403 = arith.addf %gather3A_390, %mul3A_402 : vector<16xf32>
      %mul3A_404 = vector.broadcast %squeeze3A_381 : f32 to vector<16xf32>
      %mul3A_405 = arith.mulf %mul3A_404, %get3A_11 : vector<16xf32>
      %add3A_406 = arith.addf %add3A_403, %mul3A_405 : vector<16xf32>
      %mul3A_407 = vector.broadcast %squeeze3A_383 : f32 to vector<16xf32>
      %mul3A_408 = arith.mulf %mul3A_407, %get3A_15 : vector<16xf32>
      %add3A_409 = arith.addf %add3A_406, %mul3A_408 : vector<16xf32>
      %add3A_410 = arith.addf %add3A_409, %get3A_19 : vector<16xf32>
      %swap3A_411 = arith.index_cast %add3A_285 : i32 to index
      %swap3A_412 = arith.constant 64 : index
      %swap3A_413 = tpu.vector_load %arg9[%swap3A_411, %swap3A_412] {strides = array<i32>} : memref<128x128xf32, #tpu.memory_space<vmem>>, vector<16xf32>,
      tpu.vector_store %arg9[%swap3A_411, %swap3A_412], %add3A_400 {strides = array<i32>} : memref<128x128xf32, #tpu.memory_space<vmem>>, vector<16xf32>,
      %swap3A_414 = arith.index_cast %add3A_285 : i32 to index
      %swap3A_415 = arith.constant 80 : index
      %swap3A_416 = tpu.vector_load %arg9[%swap3A_414, %swap3A_415] {strides = array<i32>} : memref<128x128xf32, #tpu.memory_space<vmem>>, vector<16xf32>,
      tpu.vector_store %arg9[%swap3A_414, %swap3A_415], %add3A_410 {strides = array<i32>} : memref<128x128xf32, #tpu.memory_space<vmem>>, vector<16xf32>,
      %slice3A_417 = vector.extract_strided_slice %get3A_273 {offsets = [9], sizes = [1], strides = [1]} : vector<16xf32> to vector<1xf32>
      %squeeze3A_418 = vector.extract %slice3A_417[0] : f32 from vector<1xf32>
      %slice3A_419 = vector.extract_strided_slice %get3A_273 {offsets = [10], sizes = [1], strides = [1]} : vector<16xf32> to vector<1xf32>
      %squeeze3A_420 = vector.extract %slice3A_419[0] : f32 from vector<1xf32>
      %slice3A_421 = vector.extract_strided_slice %get3A_273 {offsets = [11], sizes = [1], strides = [1]} : vector<16xf32> to vector<1xf32>
      %squeeze3A_422 = vector.extract %slice3A_421[0] : f32 from vector<1xf32>
      %slice3A_423 = vector.extract_strided_slice %and3A_269 {offsets = [3], sizes = [1], strides = [1]} : vector<16xi32> to vector<1xi32>
      %squeeze3A_424 = vector.extract %slice3A_423[0] : i32 from vector<1xi32>
      %add3A_425 = arith.constant 384 : i32
      %add3A_426 = arith.addi %squeeze3A_424, %add3A_425 : i32
      %broadcast_in_dim3A_427 = vector.broadcast %add3A_426 : i32 to vector<16xi32>
      %gather3A_428 = tpu.vector_load_idx %arg8[%add3A_299, %broadcast_in_dim3A_427] : memref<128x512xf32, #tpu.memory_space<vmem>>[vector<16xi32>, vector<16xi32>], vector<16xf32>,
      %gather3A_429 = tpu.vector_load_idx %arg8[%add3A_302, %broadcast_in_dim3A_427] : memref<128x512xf32, #tpu.memory_space<vmem>>[vector<16xi32>, vector<16xi32>], vector<16xf32>,
      %mul3A_430 = vector.broadcast %squeeze3A_418 : f32 to vector<16xf32>
      %mul3A_431 = arith.mulf %mul3A_430, %get3A_5 : vector<16xf32>
      %add3A_432 = arith.addf %gather3A_428, %mul3A_431 : vector<16xf32>
      %mul3A_433 = vector.broadcast %squeeze3A_420 : f32 to vector<16xf32>
      %mul3A_434 = arith.mulf %mul3A_433, %get3A_9 : vector<16xf32>
      %add3A_435 = arith.addf %add3A_432, %mul3A_434 : vector<16xf32>
      %mul3A_436 = vector.broadcast %squeeze3A_422 : f32 to vector<16xf32>
      %mul3A_437 = arith.mulf %mul3A_436, %get3A_13 : vector<16xf32>
      %add3A_438 = arith.addf %add3A_435, %mul3A_437 : vector<16xf32>
      %add3A_439 = arith.addf %add3A_438, %get3A_17 : vector<16xf32>
      %mul3A_440 = vector.broadcast %squeeze3A_418 : f32 to vector<16xf32>
      %mul3A_441 = arith.mulf %mul3A_440, %get3A_7 : vector<16xf32>
      %add3A_442 = arith.addf %gather3A_429, %mul3A_441 : vector<16xf32>
      %mul3A_443 = vector.broadcast %squeeze3A_420 : f32 to vector<16xf32>
      %mul3A_444 = arith.mulf %mul3A_443, %get3A_11 : vector<16xf32>
      %add3A_445 = arith.addf %add3A_442, %mul3A_444 : vector<16xf32>
      %mul3A_446 = vector.broadcast %squeeze3A_422 : f32 to vector<16xf32>
      %mul3A_447 = arith.mulf %mul3A_446, %get3A_15 : vector<16xf32>
      %add3A_448 = arith.addf %add3A_445, %mul3A_447 : vector<16xf32>
      %add3A_449 = arith.addf %add3A_448, %get3A_19 : vector<16xf32>
      %swap3A_450 = arith.index_cast %add3A_285 : i32 to index
      %swap3A_451 = arith.constant 96 : index
      %swap3A_452 = tpu.vector_load %arg9[%swap3A_450, %swap3A_451] {strides = array<i32>} : memref<128x128xf32, #tpu.memory_space<vmem>>, vector<16xf32>,
      tpu.vector_store %arg9[%swap3A_450, %swap3A_451], %add3A_439 {strides = array<i32>} : memref<128x128xf32, #tpu.memory_space<vmem>>, vector<16xf32>,
      %swap3A_453 = arith.index_cast %add3A_285 : i32 to index
      %swap3A_454 = arith.constant 112 : index
      %swap3A_455 = tpu.vector_load %arg9[%swap3A_453, %swap3A_454] {strides = array<i32>} : memref<128x128xf32, #tpu.memory_space<vmem>>, vector<16xf32>,
      tpu.vector_store %arg9[%swap3A_453, %swap3A_454], %add3A_449 {strides = array<i32>} : memref<128x128xf32, #tpu.memory_space<vmem>>, vector<16xf32>,
      %add3A_456 = arith.constant 4 : i32
      %add3A_457 = arith.addi %add3A_285, %add3A_456 : i32
      %lt3A = arith.constant 128 : i32
      %lt3A_458 = arith.cmpi slt, %add3A_457, %lt3A : i32
      %convert_element_type3A = arith.extui %lt3A_458 : i1 to i32
      %cond3A = arith.constant 0 : i32
      %cond3A_459 = arith.cmpi ne, %convert_element_type3A, %cond3A : i32
      scf.if %cond3A_459 {
        %add3A_1016 = arith.constant 1 : i32
        %add3A_1017 = arith.addi %scan3A_262, %add3A_1016 : i32
        %mul3A_1018 = arith.constant 16 : i32
        %mul3A_1019 = arith.muli %add3A_1017, %mul3A_1018 : i32
        %get3A_1020 = arith.index_cast %mul3A_1019 : i32 to index
        %get3A_1021 = tpu.vector_load %arg7[%get3A_1020] {strides = array<i32>} : memref<512xi32, #tpu.memory_space<vmem>>, vector<16xi32>,
        %shift_right_logical3A_1022 = arith.constant 7 : i32
        %shift_right_logical3A_1023 = vector.broadcast %shift_right_logical3A_1022 : i32 to vector<16xi32>
        %shift_right_logical3A_1024 = arith.shrui %get3A_1021, %shift_right_logical3A_1023 : vector<16xi32>
        %shift_left3A_1025 = arith.constant 7 : i32
        %shift_left3A_1026 = vector.broadcast %shift_left3A_1025 : i32 to vector<16xi32>
        %shift_left3A_1027 = arith.shli %shift_right_logical3A_1024, %shift_left3A_1026 : vector<16xi32>
        %slice3A_1028 = vector.extract_strided_slice %shift_left3A_1027 {offsets = [0], sizes = [1], strides = [1]} : vector<16xi32> to vector<1xi32>
        %squeeze3A_1029 = vector.extract %slice3A_1028[0] : i32 from vector<1xi32>
        %multiple_of3A_1030 = tpu.assume_multiple %squeeze3A_1029, 128 : i32
        %dma_start3A_1031 = arith.constant 0 : i32
        %dma_start3A_1032 = arith.constant 0 : i32
        %dma_start3A_1033 = tpu.memref_slice %arg8[%dma_start3A_1031, %dma_start3A_1032] : memref<128x512xf32, #tpu.memory_space<vmem>> -> memref<32x128xf32, #tpu.memory_space<vmem>>
        %dma_start3A_1034 = arith.constant 0 : i32
        %dma_start3A_1035 = tpu.memref_slice %arg4[%dma_start3A_1034, %multiple_of3A_1030] : memref<32x1000000xf32, #tpu.memory_space<hbm>> -> memref<32x128xf32, #tpu.memory_space<hbm>>
        %dma_start3A_1036 = arith.constant 0 : i32
        %dma_start3A_1037 = arith.constant 0 : i32
        %dma_start3A_1038 = tpu.memref_slice %arg8[%dma_start3A_1036, %dma_start3A_1037] : memref<128x512xf32, #tpu.memory_space<vmem>> -> memref<32x128xf32, #tpu.memory_space<vmem>>
        %dma_start3A_1039 = arith.constant 0 : i32
        %dma_start3A_1040 = tpu.memref_slice %arg4[%dma_start3A_1039, %multiple_of3A_1030] : memref<32x1000000xf32, #tpu.memory_space<hbm>> -> memref<32x128xf32, #tpu.memory_space<hbm>>
        tpu.enqueue_dma source(%dma_start3A_1040 : memref<32x128xf32, #tpu.memory_space<hbm>>) target(%dma_start3A_1038 : memref<32x128xf32, #tpu.memory_space<vmem>>) target_semaphore(%arg12 : memref<!tpu.dma_semaphore, #tpu.memory_space<semaphore_mem>>)
        %slice3A_1041 = vector.extract_strided_slice %shift_left3A_1027 {offsets = [1], sizes = [1], strides = [1]} : vector<16xi32> to vector<1xi32>
        %squeeze3A_1042 = vector.extract %slice3A_1041[0] : i32 from vector<1xi32>
        %multiple_of3A_1043 = tpu.assume_multiple %squeeze3A_1042, 128 : i32
        %dma_start3A_1044 = arith.constant 0 : i32
        %dma_start3A_1045 = arith.constant 128 : i32
        %dma_start3A_1046 = tpu.memref_slice %arg8[%dma_start3A_1044, %dma_start3A_1045] : memref<128x512xf32, #tpu.memory_space<vmem>> -> memref<32x128xf32, #tpu.memory_space<vmem>>
        %dma_start3A_1047 = arith.constant 0 : i32
        %dma_start3A_1048 = tpu.memref_slice %arg4[%dma_start3A_1047, %multiple_of3A_1043] : memref<32x1000000xf32, #tpu.memory_space<hbm>> -> memref<32x128xf32, #tpu.memory_space<hbm>>
        %dma_start3A_1049 = arith.constant 0 : i32
        %dma_start3A_1050 = arith.constant 128 : i32
        %dma_start3A_1051 = tpu.memref_slice %arg8[%dma_start3A_1049, %dma_start3A_1050] : memref<128x512xf32, #tpu.memory_space<vmem>> -> memref<32x128xf32, #tpu.memory_space<vmem>>
        %dma_start3A_1052 = arith.constant 0 : i32
        %dma_start3A_1053 = tpu.memref_slice %arg4[%dma_start3A_1052, %multiple_of3A_1043] : memref<32x1000000xf32, #tpu.memory_space<hbm>> -> memref<32x128xf32, #tpu.memory_space<hbm>>
        tpu.enqueue_dma source(%dma_start3A_1053 : memref<32x128xf32, #tpu.memory_space<hbm>>) target(%dma_start3A_1051 : memref<32x128xf32, #tpu.memory_space<vmem>>) target_semaphore(%arg12 : memref<!tpu.dma_semaphore, #tpu.memory_space<semaphore_mem>>)
        %slice3A_1054 = vector.extract_strided_slice %shift_left3A_1027 {offsets = [2], sizes = [1], strides = [1]} : vector<16xi32> to vector<1xi32>
        %squeeze3A_1055 = vector.extract %slice3A_1054[0] : i32 from vector<1xi32>
        %multiple_of3A_1056 = tpu.assume_multiple %squeeze3A_1055, 128 : i32
        %dma_start3A_1057 = arith.constant 0 : i32
        %dma_start3A_1058 = arith.constant 256 : i32
        %dma_start3A_1059 = tpu.memref_slice %arg8[%dma_start3A_1057, %dma_start3A_1058] : memref<128x512xf32, #tpu.memory_space<vmem>> -> memref<32x128xf32, #tpu.memory_space<vmem>>
        %dma_start3A_1060 = arith.constant 0 : i32
        %dma_start3A_1061 = tpu.memref_slice %arg4[%dma_start3A_1060, %multiple_of3A_1056] : memref<32x1000000xf32, #tpu.memory_space<hbm>> -> memref<32x128xf32, #tpu.memory_space<hbm>>
        %dma_start3A_1062 = arith.constant 0 : i32
        %dma_start3A_1063 = arith.constant 256 : i32
        %dma_start3A_1064 = tpu.memref_slice %arg8[%dma_start3A_1062, %dma_start3A_1063] : memref<128x512xf32, #tpu.memory_space<vmem>> -> memref<32x128xf32, #tpu.memory_space<vmem>>
        %dma_start3A_1065 = arith.constant 0 : i32
        %dma_start3A_1066 = tpu.memref_slice %arg4[%dma_start3A_1065, %multiple_of3A_1056] : memref<32x1000000xf32, #tpu.memory_space<hbm>> -> memref<32x128xf32, #tpu.memory_space<hbm>>
        tpu.enqueue_dma source(%dma_start3A_1066 : memref<32x128xf32, #tpu.memory_space<hbm>>) target(%dma_start3A_1064 : memref<32x128xf32, #tpu.memory_space<vmem>>) target_semaphore(%arg12 : memref<!tpu.dma_semaphore, #tpu.memory_space<semaphore_mem>>)
        %slice3A_1067 = vector.extract_strided_slice %shift_left3A_1027 {offsets = [3], sizes = [1], strides = [1]} : vector<16xi32> to vector<1xi32>
        %squeeze3A_1068 = vector.extract %slice3A_1067[0] : i32 from vector<1xi32>
        %multiple_of3A_1069 = tpu.assume_multiple %squeeze3A_1068, 128 : i32
        %dma_start3A_1070 = arith.constant 0 : i32
        %dma_start3A_1071 = arith.constant 384 : i32
        %dma_start3A_1072 = tpu.memref_slice %arg8[%dma_start3A_1070, %dma_start3A_1071] : memref<128x512xf32, #tpu.memory_space<vmem>> -> memref<32x128xf32, #tpu.memory_space<vmem>>
        %dma_start3A_1073 = arith.constant 0 : i32
        %dma_start3A_1074 = tpu.memref_slice %arg4[%dma_start3A_1073, %multiple_of3A_1069] : memref<32x1000000xf32, #tpu.memory_space<hbm>> -> memref<32x128xf32, #tpu.memory_space<hbm>>
        %dma_start3A_1075 = arith.constant 0 : i32
        %dma_start3A_1076 = arith.constant 384 : i32
        %dma_start3A_1077 = tpu.memref_slice %arg8[%dma_start3A_1075, %dma_start3A_1076] : memref<128x512xf32, #tpu.memory_space<vmem>> -> memref<32x128xf32, #tpu.memory_space<vmem>>
        %dma_start3A_1078 = arith.constant 0 : i32
        %dma_start3A_1079 = tpu.memref_slice %arg4[%dma_start3A_1078, %multiple_of3A_1069] : memref<32x1000000xf32, #tpu.memory_space<hbm>> -> memref<32x128xf32, #tpu.memory_space<hbm>>
        tpu.enqueue_dma source(%dma_start3A_1079 : memref<32x128xf32, #tpu.memory_space<hbm>>) target(%dma_start3A_1077 : memref<32x128xf32, #tpu.memory_space<vmem>>) target_semaphore(%arg12 : memref<!tpu.dma_semaphore, #tpu.memory_space<semaphore_mem>>)
      } else {
      }
      %mul3A_460 = arith.constant 4 : i32
      %mul3A_461 = arith.muli %scan3A_262, %mul3A_460 : i32
      %add3A_462 = arith.constant 1 : i32
      %add3A_463 = arith.addi %mul3A_461, %add3A_462 : i32
      %dma_wait3A_464 = arith.constant 32 : i32
      %dma_wait3A_465 = arith.constant 0 : i32
      %dma_wait3A_466 = tpu.memref_slice %arg8[%dma_wait3A_464, %dma_wait3A_465] : memref<128x512xf32, #tpu.memory_space<vmem>> -> memref<32x512xf32, #tpu.memory_space<vmem>>
      %dma_wait3A_467 = arith.constant 0 : i32
      %dma_wait3A_468 = arith.constant 0 : i32
      %dma_wait3A_469 = tpu.memref_slice %arg4[%dma_wait3A_467, %dma_wait3A_468] : memref<32x1000000xf32, #tpu.memory_space<hbm>> -> memref<32x512xf32, #tpu.memory_space<hbm>>
      %dma_wait3A_470 = arith.constant 32 : i32
      %dma_wait3A_471 = arith.constant 0 : i32
      %dma_wait3A_472 = tpu.memref_slice %arg8[%dma_wait3A_470, %dma_wait3A_471] : memref<128x512xf32, #tpu.memory_space<vmem>> -> memref<32x512xf32, #tpu.memory_space<vmem>>
      %dma_wait3A_473 = arith.constant 0 : i32
      %dma_wait3A_474 = arith.constant 0 : i32
      %dma_wait3A_475 = tpu.memref_slice %arg4[%dma_wait3A_473, %dma_wait3A_474] : memref<32x1000000xf32, #tpu.memory_space<hbm>> -> memref<32x512xf32, #tpu.memory_space<hbm>>
      tpu.wait_dma2 semaphore(%arg13 : memref<!tpu.dma_semaphore, #tpu.memory_space<semaphore_mem>>) src(%dma_wait3A_475 : memref<32x512xf32, #tpu.memory_space<hbm>>) dst(%dma_wait3A_472 : memref<32x512xf32, #tpu.memory_space<vmem>>)
      %add3A_476 = arith.constant 32 : i32
      %add3A_477 = vector.broadcast %add3A_476 : i32 to vector<16xi32>
      %add3A_478 = arith.addi %iota3A, %add3A_477 : vector<16xi32>
      %add3A_479 = arith.constant 16 : i32
      %add3A_480 = vector.broadcast %add3A_479 : i32 to vector<16xi32>
      %add3A_481 = arith.addi %add3A_478, %add3A_480 : vector<16xi32>
      %slice3A_482 = vector.extract_strided_slice %get3A_273 {offsets = [12], sizes = [1], strides = [1]} : vector<16xf32> to vector<1xf32>
      %squeeze3A_483 = vector.extract %slice3A_482[0] : f32 from vector<1xf32>
      %slice3A_484 = vector.extract_strided_slice %get3A_273 {offsets = [13], sizes = [1], strides = [1]} : vector<16xf32> to vector<1xf32>
      %squeeze3A_485 = vector.extract %slice3A_484[0] : f32 from vector<1xf32>
      %slice3A_486 = vector.extract_strided_slice %get3A_273 {offsets = [14], sizes = [1], strides = [1]} : vector<16xf32> to vector<1xf32>
      %squeeze3A_487 = vector.extract %slice3A_486[0] : f32 from vector<1xf32>
      %slice3A_488 = vector.extract_strided_slice %and3A_269 {offsets = [4], sizes = [1], strides = [1]} : vector<16xi32> to vector<1xi32>
      %squeeze3A_489 = vector.extract %slice3A_488[0] : i32 from vector<1xi32>
      %add3A_490 = arith.constant 0 : i32
      %add3A_491 = arith.addi %squeeze3A_489, %add3A_490 : i32
      %broadcast_in_dim3A_492 = vector.broadcast %add3A_491 : i32 to vector<16xi32>
      %gather3A_493 = tpu.vector_load_idx %arg8[%add3A_478, %broadcast_in_dim3A_492] : memref<128x512xf32, #tpu.memory_space<vmem>>[vector<16xi32>, vector<16xi32>], vector<16xf32>,
      %gather3A_494 = tpu.vector_load_idx %arg8[%add3A_481, %broadcast_in_dim3A_492] : memref<128x512xf32, #tpu.memory_space<vmem>>[vector<16xi32>, vector<16xi32>], vector<16xf32>,
      %mul3A_495 = vector.broadcast %squeeze3A_483 : f32 to vector<16xf32>
      %mul3A_496 = arith.mulf %mul3A_495, %get3A_5 : vector<16xf32>
      %add3A_497 = arith.addf %gather3A_493, %mul3A_496 : vector<16xf32>
      %mul3A_498 = vector.broadcast %squeeze3A_485 : f32 to vector<16xf32>
      %mul3A_499 = arith.mulf %mul3A_498, %get3A_9 : vector<16xf32>
      %add3A_500 = arith.addf %add3A_497, %mul3A_499 : vector<16xf32>
      %mul3A_501 = vector.broadcast %squeeze3A_487 : f32 to vector<16xf32>
      %mul3A_502 = arith.mulf %mul3A_501, %get3A_13 : vector<16xf32>
      %add3A_503 = arith.addf %add3A_500, %mul3A_502 : vector<16xf32>
      %add3A_504 = arith.addf %add3A_503, %get3A_17 : vector<16xf32>
      %mul3A_505 = vector.broadcast %squeeze3A_483 : f32 to vector<16xf32>
      %mul3A_506 = arith.mulf %mul3A_505, %get3A_7 : vector<16xf32>
      %add3A_507 = arith.addf %gather3A_494, %mul3A_506 : vector<16xf32>
      %mul3A_508 = vector.broadcast %squeeze3A_485 : f32 to vector<16xf32>
      %mul3A_509 = arith.mulf %mul3A_508, %get3A_11 : vector<16xf32>
      %add3A_510 = arith.addf %add3A_507, %mul3A_509 : vector<16xf32>
      %mul3A_511 = vector.broadcast %squeeze3A_487 : f32 to vector<16xf32>
      %mul3A_512 = arith.mulf %mul3A_511, %get3A_15 : vector<16xf32>
      %add3A_513 = arith.addf %add3A_510, %mul3A_512 : vector<16xf32>
      %add3A_514 = arith.addf %add3A_513, %get3A_19 : vector<16xf32>
      %swap3A_515 = arith.index_cast %add3A_463 : i32 to index
      %swap3A_516 = arith.constant 0 : index
      %swap3A_517 = tpu.vector_load %arg9[%swap3A_515, %swap3A_516] {strides = array<i32>} : memref<128x128xf32, #tpu.memory_space<vmem>>, vector<16xf32>,
      tpu.vector_store %arg9[%swap3A_515, %swap3A_516], %add3A_504 {strides = array<i32>} : memref<128x128xf32, #tpu.memory_space<vmem>>, vector<16xf32>,
      %swap3A_518 = arith.index_cast %add3A_463 : i32 to index
      %swap3A_519 = arith.constant 16 : index
      %swap3A_520 = tpu.vector_load %arg9[%swap3A_518, %swap3A_519] {strides = array<i32>} : memref<128x128xf32, #tpu.memory_space<vmem>>, vector<16xf32>,
      tpu.vector_store %arg9[%swap3A_518, %swap3A_519], %add3A_514 {strides = array<i32>} : memref<128x128xf32, #tpu.memory_space<vmem>>, vector<16xf32>,
      %slice3A_521 = vector.extract_strided_slice %get3A_273 {offsets = [15], sizes = [1], strides = [1]} : vector<16xf32> to vector<1xf32>
      %squeeze3A_522 = vector.extract %slice3A_521[0] : f32 from vector<1xf32>
      %slice3A_523 = vector.extract_strided_slice %get3A_277 {offsets = [0], sizes = [1], strides = [1]} : vector<16xf32> to vector<1xf32>
      %squeeze3A_524 = vector.extract %slice3A_523[0] : f32 from vector<1xf32>
      %slice3A_525 = vector.extract_strided_slice %get3A_277 {offsets = [1], sizes = [1], strides = [1]} : vector<16xf32> to vector<1xf32>
      %squeeze3A_526 = vector.extract %slice3A_525[0] : f32 from vector<1xf32>
      %slice3A_527 = vector.extract_strided_slice %and3A_269 {offsets = [5], sizes = [1], strides = [1]} : vector<16xi32> to vector<1xi32>
      %squeeze3A_528 = vector.extract %slice3A_527[0] : i32 from vector<1xi32>
      %add3A_529 = arith.constant 128 : i32
      %add3A_530 = arith.addi %squeeze3A_528, %add3A_529 : i32
      %broadcast_in_dim3A_531 = vector.broadcast %add3A_530 : i32 to vector<16xi32>
      %gather3A_532 = tpu.vector_load_idx %arg8[%add3A_478, %broadcast_in_dim3A_531] : memref<128x512xf32, #tpu.memory_space<vmem>>[vector<16xi32>, vector<16xi32>], vector<16xf32>,
      %gather3A_533 = tpu.vector_load_idx %arg8[%add3A_481, %broadcast_in_dim3A_531] : memref<128x512xf32, #tpu.memory_space<vmem>>[vector<16xi32>, vector<16xi32>], vector<16xf32>,
      %mul3A_534 = vector.broadcast %squeeze3A_522 : f32 to vector<16xf32>
      %mul3A_535 = arith.mulf %mul3A_534, %get3A_5 : vector<16xf32>
      %add3A_536 = arith.addf %gather3A_532, %mul3A_535 : vector<16xf32>
      %mul3A_537 = vector.broadcast %squeeze3A_524 : f32 to vector<16xf32>
      %mul3A_538 = arith.mulf %mul3A_537, %get3A_9 : vector<16xf32>
      %add3A_539 = arith.addf %add3A_536, %mul3A_538 : vector<16xf32>
      %mul3A_540 = vector.broadcast %squeeze3A_526 : f32 to vector<16xf32>
      %mul3A_541 = arith.mulf %mul3A_540, %get3A_13 : vector<16xf32>
      %add3A_542 = arith.addf %add3A_539, %mul3A_541 : vector<16xf32>
      %add3A_543 = arith.addf %add3A_542, %get3A_17 : vector<16xf32>
      %mul3A_544 = vector.broadcast %squeeze3A_522 : f32 to vector<16xf32>
      %mul3A_545 = arith.mulf %mul3A_544, %get3A_7 : vector<16xf32>
      %add3A_546 = arith.addf %gather3A_533, %mul3A_545 : vector<16xf32>
      %mul3A_547 = vector.broadcast %squeeze3A_524 : f32 to vector<16xf32>
      %mul3A_548 = arith.mulf %mul3A_547, %get3A_11 : vector<16xf32>
      %add3A_549 = arith.addf %add3A_546, %mul3A_548 : vector<16xf32>
      %mul3A_550 = vector.broadcast %squeeze3A_526 : f32 to vector<16xf32>
      %mul3A_551 = arith.mulf %mul3A_550, %get3A_15 : vector<16xf32>
      %add3A_552 = arith.addf %add3A_549, %mul3A_551 : vector<16xf32>
      %add3A_553 = arith.addf %add3A_552, %get3A_19 : vector<16xf32>
      %swap3A_554 = arith.index_cast %add3A_463 : i32 to index
      %swap3A_555 = arith.constant 32 : index
      %swap3A_556 = tpu.vector_load %arg9[%swap3A_554, %swap3A_555] {strides = array<i32>} : memref<128x128xf32, #tpu.memory_space<vmem>>, vector<16xf32>,
      tpu.vector_store %arg9[%swap3A_554, %swap3A_555], %add3A_543 {strides = array<i32>} : memref<128x128xf32, #tpu.memory_space<vmem>>, vector<16xf32>,
      %swap3A_557 = arith.index_cast %add3A_463 : i32 to index
      %swap3A_558 = arith.constant 48 : index
      %swap3A_559 = tpu.vector_load %arg9[%swap3A_557, %swap3A_558] {strides = array<i32>} : memref<128x128xf32, #tpu.memory_space<vmem>>, vector<16xf32>,
      tpu.vector_store %arg9[%swap3A_557, %swap3A_558], %add3A_553 {strides = array<i32>} : memref<128x128xf32, #tpu.memory_space<vmem>>, vector<16xf32>,
      %slice3A_560 = vector.extract_strided_slice %get3A_277 {offsets = [2], sizes = [1], strides = [1]} : vector<16xf32> to vector<1xf32>
      %squeeze3A_561 = vector.extract %slice3A_560[0] : f32 from vector<1xf32>
      %slice3A_562 = vector.extract_strided_slice %get3A_277 {offsets = [3], sizes = [1], strides = [1]} : vector<16xf32> to vector<1xf32>
      %squeeze3A_563 = vector.extract %slice3A_562[0] : f32 from vector<1xf32>
      %slice3A_564 = vector.extract_strided_slice %get3A_277 {offsets = [4], sizes = [1], strides = [1]} : vector<16xf32> to vector<1xf32>
      %squeeze3A_565 = vector.extract %slice3A_564[0] : f32 from vector<1xf32>
      %slice3A_566 = vector.extract_strided_slice %and3A_269 {offsets = [6], sizes = [1], strides = [1]} : vector<16xi32> to vector<1xi32>
      %squeeze3A_567 = vector.extract %slice3A_566[0] : i32 from vector<1xi32>
      %add3A_568 = arith.constant 256 : i32
      %add3A_569 = arith.addi %squeeze3A_567, %add3A_568 : i32
      %broadcast_in_dim3A_570 = vector.broadcast %add3A_569 : i32 to vector<16xi32>
      %gather3A_571 = tpu.vector_load_idx %arg8[%add3A_478, %broadcast_in_dim3A_570] : memref<128x512xf32, #tpu.memory_space<vmem>>[vector<16xi32>, vector<16xi32>], vector<16xf32>,
      %gather3A_572 = tpu.vector_load_idx %arg8[%add3A_481, %broadcast_in_dim3A_570] : memref<128x512xf32, #tpu.memory_space<vmem>>[vector<16xi32>, vector<16xi32>], vector<16xf32>,
      %mul3A_573 = vector.broadcast %squeeze3A_561 : f32 to vector<16xf32>
      %mul3A_574 = arith.mulf %mul3A_573, %get3A_5 : vector<16xf32>
      %add3A_575 = arith.addf %gather3A_571, %mul3A_574 : vector<16xf32>
      %mul3A_576 = vector.broadcast %squeeze3A_563 : f32 to vector<16xf32>
      %mul3A_577 = arith.mulf %mul3A_576, %get3A_9 : vector<16xf32>
      %add3A_578 = arith.addf %add3A_575, %mul3A_577 : vector<16xf32>
      %mul3A_579 = vector.broadcast %squeeze3A_565 : f32 to vector<16xf32>
      %mul3A_580 = arith.mulf %mul3A_579, %get3A_13 : vector<16xf32>
      %add3A_581 = arith.addf %add3A_578, %mul3A_580 : vector<16xf32>
      %add3A_582 = arith.addf %add3A_581, %get3A_17 : vector<16xf32>
      %mul3A_583 = vector.broadcast %squeeze3A_561 : f32 to vector<16xf32>
      %mul3A_584 = arith.mulf %mul3A_583, %get3A_7 : vector<16xf32>
      %add3A_585 = arith.addf %gather3A_572, %mul3A_584 : vector<16xf32>
      %mul3A_586 = vector.broadcast %squeeze3A_563 : f32 to vector<16xf32>
      %mul3A_587 = arith.mulf %mul3A_586, %get3A_11 : vector<16xf32>
      %add3A_588 = arith.addf %add3A_585, %mul3A_587 : vector<16xf32>
      %mul3A_589 = vector.broadcast %squeeze3A_565 : f32 to vector<16xf32>
      %mul3A_590 = arith.mulf %mul3A_589, %get3A_15 : vector<16xf32>
      %add3A_591 = arith.addf %add3A_588, %mul3A_590 : vector<16xf32>
      %add3A_592 = arith.addf %add3A_591, %get3A_19 : vector<16xf32>
      %swap3A_593 = arith.index_cast %add3A_463 : i32 to index
      %swap3A_594 = arith.constant 64 : index
      %swap3A_595 = tpu.vector_load %arg9[%swap3A_593, %swap3A_594] {strides = array<i32>} : memref<128x128xf32, #tpu.memory_space<vmem>>, vector<16xf32>,
      tpu.vector_store %arg9[%swap3A_593, %swap3A_594], %add3A_582 {strides = array<i32>} : memref<128x128xf32, #tpu.memory_space<vmem>>, vector<16xf32>,
      %swap3A_596 = arith.index_cast %add3A_463 : i32 to index
      %swap3A_597 = arith.constant 80 : index
      %swap3A_598 = tpu.vector_load %arg9[%swap3A_596, %swap3A_597] {strides = array<i32>} : memref<128x128xf32, #tpu.memory_space<vmem>>, vector<16xf32>,
      tpu.vector_store %arg9[%swap3A_596, %swap3A_597], %add3A_592 {strides = array<i32>} : memref<128x128xf32, #tpu.memory_space<vmem>>, vector<16xf32>,
      %slice3A_599 = vector.extract_strided_slice %get3A_277 {offsets = [5], sizes = [1], strides = [1]} : vector<16xf32> to vector<1xf32>
      %squeeze3A_600 = vector.extract %slice3A_599[0] : f32 from vector<1xf32>
      %slice3A_601 = vector.extract_strided_slice %get3A_277 {offsets = [6], sizes = [1], strides = [1]} : vector<16xf32> to vector<1xf32>
      %squeeze3A_602 = vector.extract %slice3A_601[0] : f32 from vector<1xf32>
      %slice3A_603 = vector.extract_strided_slice %get3A_277 {offsets = [7], sizes = [1], strides = [1]} : vector<16xf32> to vector<1xf32>
      %squeeze3A_604 = vector.extract %slice3A_603[0] : f32 from vector<1xf32>
      %slice3A_605 = vector.extract_strided_slice %and3A_269 {offsets = [7], sizes = [1], strides = [1]} : vector<16xi32> to vector<1xi32>
      %squeeze3A_606 = vector.extract %slice3A_605[0] : i32 from vector<1xi32>
      %add3A_607 = arith.constant 384 : i32
      %add3A_608 = arith.addi %squeeze3A_606, %add3A_607 : i32
      %broadcast_in_dim3A_609 = vector.broadcast %add3A_608 : i32 to vector<16xi32>
      %gather3A_610 = tpu.vector_load_idx %arg8[%add3A_478, %broadcast_in_dim3A_609] : memref<128x512xf32, #tpu.memory_space<vmem>>[vector<16xi32>, vector<16xi32>], vector<16xf32>,
      %gather3A_611 = tpu.vector_load_idx %arg8[%add3A_481, %broadcast_in_dim3A_609] : memref<128x512xf32, #tpu.memory_space<vmem>>[vector<16xi32>, vector<16xi32>], vector<16xf32>,
      %mul3A_612 = vector.broadcast %squeeze3A_600 : f32 to vector<16xf32>
      %mul3A_613 = arith.mulf %mul3A_612, %get3A_5 : vector<16xf32>
      %add3A_614 = arith.addf %gather3A_610, %mul3A_613 : vector<16xf32>
      %mul3A_615 = vector.broadcast %squeeze3A_602 : f32 to vector<16xf32>
      %mul3A_616 = arith.mulf %mul3A_615, %get3A_9 : vector<16xf32>
      %add3A_617 = arith.addf %add3A_614, %mul3A_616 : vector<16xf32>
      %mul3A_618 = vector.broadcast %squeeze3A_604 : f32 to vector<16xf32>
      %mul3A_619 = arith.mulf %mul3A_618, %get3A_13 : vector<16xf32>
      %add3A_620 = arith.addf %add3A_617, %mul3A_619 : vector<16xf32>
      %add3A_621 = arith.addf %add3A_620, %get3A_17 : vector<16xf32>
      %mul3A_622 = vector.broadcast %squeeze3A_600 : f32 to vector<16xf32>
      %mul3A_623 = arith.mulf %mul3A_622, %get3A_7 : vector<16xf32>
      %add3A_624 = arith.addf %gather3A_611, %mul3A_623 : vector<16xf32>
      %mul3A_625 = vector.broadcast %squeeze3A_602 : f32 to vector<16xf32>
      %mul3A_626 = arith.mulf %mul3A_625, %get3A_11 : vector<16xf32>
      %add3A_627 = arith.addf %add3A_624, %mul3A_626 : vector<16xf32>
      %mul3A_628 = vector.broadcast %squeeze3A_604 : f32 to vector<16xf32>
      %mul3A_629 = arith.mulf %mul3A_628, %get3A_15 : vector<16xf32>
      %add3A_630 = arith.addf %add3A_627, %mul3A_629 : vector<16xf32>
      %add3A_631 = arith.addf %add3A_630, %get3A_19 : vector<16xf32>
      %swap3A_632 = arith.index_cast %add3A_463 : i32 to index
      %swap3A_633 = arith.constant 96 : index
      %swap3A_634 = tpu.vector_load %arg9[%swap3A_632, %swap3A_633] {strides = array<i32>} : memref<128x128xf32, #tpu.memory_space<vmem>>, vector<16xf32>,
      tpu.vector_store %arg9[%swap3A_632, %swap3A_633], %add3A_621 {strides = array<i32>} : memref<128x128xf32, #tpu.memory_space<vmem>>, vector<16xf32>,
      %swap3A_635 = arith.index_cast %add3A_463 : i32 to index
      %swap3A_636 = arith.constant 112 : index
      %swap3A_637 = tpu.vector_load %arg9[%swap3A_635, %swap3A_636] {strides = array<i32>} : memref<128x128xf32, #tpu.memory_space<vmem>>, vector<16xf32>,
      tpu.vector_store %arg9[%swap3A_635, %swap3A_636], %add3A_631 {strides = array<i32>} : memref<128x128xf32, #tpu.memory_space<vmem>>, vector<16xf32>,
      %add3A_638 = arith.constant 4 : i32
      %add3A_639 = arith.addi %add3A_463, %add3A_638 : i32
      %lt3A_640 = arith.constant 128 : i32
      %lt3A_641 = arith.cmpi slt, %add3A_639, %lt3A_640 : i32
      %convert_element_type3A_642 = arith.extui %lt3A_641 : i1 to i32
      %cond3A_643 = arith.constant 0 : i32
      %cond3A_644 = arith.cmpi ne, %convert_element_type3A_642, %cond3A_643 : i32
      scf.if %cond3A_644 {
        %add3A_1016 = arith.constant 1 : i32
        %add3A_1017 = arith.addi %scan3A_262, %add3A_1016 : i32
        %mul3A_1018 = arith.constant 16 : i32
        %mul3A_1019 = arith.muli %add3A_1017, %mul3A_1018 : i32
        %get3A_1020 = arith.index_cast %mul3A_1019 : i32 to index
        %get3A_1021 = tpu.vector_load %arg7[%get3A_1020] {strides = array<i32>} : memref<512xi32, #tpu.memory_space<vmem>>, vector<16xi32>,
        %shift_right_logical3A_1022 = arith.constant 7 : i32
        %shift_right_logical3A_1023 = vector.broadcast %shift_right_logical3A_1022 : i32 to vector<16xi32>
        %shift_right_logical3A_1024 = arith.shrui %get3A_1021, %shift_right_logical3A_1023 : vector<16xi32>
        %shift_left3A_1025 = arith.constant 7 : i32
        %shift_left3A_1026 = vector.broadcast %shift_left3A_1025 : i32 to vector<16xi32>
        %shift_left3A_1027 = arith.shli %shift_right_logical3A_1024, %shift_left3A_1026 : vector<16xi32>
        %slice3A_1028 = vector.extract_strided_slice %shift_left3A_1027 {offsets = [4], sizes = [1], strides = [1]} : vector<16xi32> to vector<1xi32>
        %squeeze3A_1029 = vector.extract %slice3A_1028[0] : i32 from vector<1xi32>
        %multiple_of3A_1030 = tpu.assume_multiple %squeeze3A_1029, 128 : i32
        %dma_start3A_1031 = arith.constant 32 : i32
        %dma_start3A_1032 = arith.constant 0 : i32
        %dma_start3A_1033 = tpu.memref_slice %arg8[%dma_start3A_1031, %dma_start3A_1032] : memref<128x512xf32, #tpu.memory_space<vmem>> -> memref<32x128xf32, #tpu.memory_space<vmem>>
        %dma_start3A_1034 = arith.constant 0 : i32
        %dma_start3A_1035 = tpu.memref_slice %arg4[%dma_start3A_1034, %multiple_of3A_1030] : memref<32x1000000xf32, #tpu.memory_space<hbm>> -> memref<32x128xf32, #tpu.memory_space<hbm>>
        %dma_start3A_1036 = arith.constant 32 : i32
        %dma_start3A_1037 = arith.constant 0 : i32
        %dma_start3A_1038 = tpu.memref_slice %arg8[%dma_start3A_1036, %dma_start3A_1037] : memref<128x512xf32, #tpu.memory_space<vmem>> -> memref<32x128xf32, #tpu.memory_space<vmem>>
        %dma_start3A_1039 = arith.constant 0 : i32
        %dma_start3A_1040 = tpu.memref_slice %arg4[%dma_start3A_1039, %multiple_of3A_1030] : memref<32x1000000xf32, #tpu.memory_space<hbm>> -> memref<32x128xf32, #tpu.memory_space<hbm>>
        tpu.enqueue_dma source(%dma_start3A_1040 : memref<32x128xf32, #tpu.memory_space<hbm>>) target(%dma_start3A_1038 : memref<32x128xf32, #tpu.memory_space<vmem>>) target_semaphore(%arg13 : memref<!tpu.dma_semaphore, #tpu.memory_space<semaphore_mem>>)
        %slice3A_1041 = vector.extract_strided_slice %shift_left3A_1027 {offsets = [5], sizes = [1], strides = [1]} : vector<16xi32> to vector<1xi32>
        %squeeze3A_1042 = vector.extract %slice3A_1041[0] : i32 from vector<1xi32>
        %multiple_of3A_1043 = tpu.assume_multiple %squeeze3A_1042, 128 : i32
        %dma_start3A_1044 = arith.constant 32 : i32
        %dma_start3A_1045 = arith.constant 128 : i32
        %dma_start3A_1046 = tpu.memref_slice %arg8[%dma_start3A_1044, %dma_start3A_1045] : memref<128x512xf32, #tpu.memory_space<vmem>> -> memref<32x128xf32, #tpu.memory_space<vmem>>
        %dma_start3A_1047 = arith.constant 0 : i32
        %dma_start3A_1048 = tpu.memref_slice %arg4[%dma_start3A_1047, %multiple_of3A_1043] : memref<32x1000000xf32, #tpu.memory_space<hbm>> -> memref<32x128xf32, #tpu.memory_space<hbm>>
        %dma_start3A_1049 = arith.constant 32 : i32
        %dma_start3A_1050 = arith.constant 128 : i32
        %dma_start3A_1051 = tpu.memref_slice %arg8[%dma_start3A_1049, %dma_start3A_1050] : memref<128x512xf32, #tpu.memory_space<vmem>> -> memref<32x128xf32, #tpu.memory_space<vmem>>
        %dma_start3A_1052 = arith.constant 0 : i32
        %dma_start3A_1053 = tpu.memref_slice %arg4[%dma_start3A_1052, %multiple_of3A_1043] : memref<32x1000000xf32, #tpu.memory_space<hbm>> -> memref<32x128xf32, #tpu.memory_space<hbm>>
        tpu.enqueue_dma source(%dma_start3A_1053 : memref<32x128xf32, #tpu.memory_space<hbm>>) target(%dma_start3A_1051 : memref<32x128xf32, #tpu.memory_space<vmem>>) target_semaphore(%arg13 : memref<!tpu.dma_semaphore, #tpu.memory_space<semaphore_mem>>)
        %slice3A_1054 = vector.extract_strided_slice %shift_left3A_1027 {offsets = [6], sizes = [1], strides = [1]} : vector<16xi32> to vector<1xi32>
        %squeeze3A_1055 = vector.extract %slice3A_1054[0] : i32 from vector<1xi32>
        %multiple_of3A_1056 = tpu.assume_multiple %squeeze3A_1055, 128 : i32
        %dma_start3A_1057 = arith.constant 32 : i32
        %dma_start3A_1058 = arith.constant 256 : i32
        %dma_start3A_1059 = tpu.memref_slice %arg8[%dma_start3A_1057, %dma_start3A_1058] : memref<128x512xf32, #tpu.memory_space<vmem>> -> memref<32x128xf32, #tpu.memory_space<vmem>>
        %dma_start3A_1060 = arith.constant 0 : i32
        %dma_start3A_1061 = tpu.memref_slice %arg4[%dma_start3A_1060, %multiple_of3A_1056] : memref<32x1000000xf32, #tpu.memory_space<hbm>> -> memref<32x128xf32, #tpu.memory_space<hbm>>
        %dma_start3A_1062 = arith.constant 32 : i32
        %dma_start3A_1063 = arith.constant 256 : i32
        %dma_start3A_1064 = tpu.memref_slice %arg8[%dma_start3A_1062, %dma_start3A_1063] : memref<128x512xf32, #tpu.memory_space<vmem>> -> memref<32x128xf32, #tpu.memory_space<vmem>>
        %dma_start3A_1065 = arith.constant 0 : i32
        %dma_start3A_1066 = tpu.memref_slice %arg4[%dma_start3A_1065, %multiple_of3A_1056] : memref<32x1000000xf32, #tpu.memory_space<hbm>> -> memref<32x128xf32, #tpu.memory_space<hbm>>
        tpu.enqueue_dma source(%dma_start3A_1066 : memref<32x128xf32, #tpu.memory_space<hbm>>) target(%dma_start3A_1064 : memref<32x128xf32, #tpu.memory_space<vmem>>) target_semaphore(%arg13 : memref<!tpu.dma_semaphore, #tpu.memory_space<semaphore_mem>>)
        %slice3A_1067 = vector.extract_strided_slice %shift_left3A_1027 {offsets = [7], sizes = [1], strides = [1]} : vector<16xi32> to vector<1xi32>
        %squeeze3A_1068 = vector.extract %slice3A_1067[0] : i32 from vector<1xi32>
        %multiple_of3A_1069 = tpu.assume_multiple %squeeze3A_1068, 128 : i32
        %dma_start3A_1070 = arith.constant 32 : i32
        %dma_start3A_1071 = arith.constant 384 : i32
        %dma_start3A_1072 = tpu.memref_slice %arg8[%dma_start3A_1070, %dma_start3A_1071] : memref<128x512xf32, #tpu.memory_space<vmem>> -> memref<32x128xf32, #tpu.memory_space<vmem>>
        %dma_start3A_1073 = arith.constant 0 : i32
        %dma_start3A_1074 = tpu.memref_slice %arg4[%dma_start3A_1073, %multiple_of3A_1069] : memref<32x1000000xf32, #tpu.memory_space<hbm>> -> memref<32x128xf32, #tpu.memory_space<hbm>>
        %dma_start3A_1075 = arith.constant 32 : i32
        %dma_start3A_1076 = arith.constant 384 : i32
        %dma_start3A_1077 = tpu.memref_slice %arg8[%dma_start3A_1075, %dma_start3A_1076] : memref<128x512xf32, #tpu.memory_space<vmem>> -> memref<32x128xf32, #tpu.memory_space<vmem>>
        %dma_start3A_1078 = arith.constant 0 : i32
        %dma_start3A_1079 = tpu.memref_slice %arg4[%dma_start3A_1078, %multiple_of3A_1069] : memref<32x1000000xf32, #tpu.memory_space<hbm>> -> memref<32x128xf32, #tpu.memory_space<hbm>>
        tpu.enqueue_dma source(%dma_start3A_1079 : memref<32x128xf32, #tpu.memory_space<hbm>>) target(%dma_start3A_1077 : memref<32x128xf32, #tpu.memory_space<vmem>>) target_semaphore(%arg13 : memref<!tpu.dma_semaphore, #tpu.memory_space<semaphore_mem>>)
      } else {
      }
      %mul3A_645 = arith.constant 4 : i32
      %mul3A_646 = arith.muli %scan3A_262, %mul3A_645 : i32
      %add3A_647 = arith.constant 2 : i32
      %add3A_648 = arith.addi %mul3A_646, %add3A_647 : i32
      %dma_wait3A_649 = arith.constant 64 : i32
      %dma_wait3A_650 = arith.constant 0 : i32
      %dma_wait3A_651 = tpu.memref_slice %arg8[%dma_wait3A_649, %dma_wait3A_650] : memref<128x512xf32, #tpu.memory_space<vmem>> -> memref<32x512xf32, #tpu.memory_space<vmem>>
      %dma_wait3A_652 = arith.constant 0 : i32
      %dma_wait3A_653 = arith.constant 0 : i32
      %dma_wait3A_654 = tpu.memref_slice %arg4[%dma_wait3A_652, %dma_wait3A_653] : memref<32x1000000xf32, #tpu.memory_space<hbm>> -> memref<32x512xf32, #tpu.memory_space<hbm>>
      %dma_wait3A_655 = arith.constant 64 : i32
      %dma_wait3A_656 = arith.constant 0 : i32
      %dma_wait3A_657 = tpu.memref_slice %arg8[%dma_wait3A_655, %dma_wait3A_656] : memref<128x512xf32, #tpu.memory_space<vmem>> -> memref<32x512xf32, #tpu.memory_space<vmem>>
      %dma_wait3A_658 = arith.constant 0 : i32
      %dma_wait3A_659 = arith.constant 0 : i32
      %dma_wait3A_660 = tpu.memref_slice %arg4[%dma_wait3A_658, %dma_wait3A_659] : memref<32x1000000xf32, #tpu.memory_space<hbm>> -> memref<32x512xf32, #tpu.memory_space<hbm>>
      tpu.wait_dma2 semaphore(%arg14 : memref<!tpu.dma_semaphore, #tpu.memory_space<semaphore_mem>>) src(%dma_wait3A_660 : memref<32x512xf32, #tpu.memory_space<hbm>>) dst(%dma_wait3A_657 : memref<32x512xf32, #tpu.memory_space<vmem>>)
      %add3A_661 = arith.constant 64 : i32
      %add3A_662 = vector.broadcast %add3A_661 : i32 to vector<16xi32>
      %add3A_663 = arith.addi %iota3A, %add3A_662 : vector<16xi32>
      %add3A_664 = arith.constant 16 : i32
      %add3A_665 = vector.broadcast %add3A_664 : i32 to vector<16xi32>
      %add3A_666 = arith.addi %add3A_663, %add3A_665 : vector<16xi32>
      %slice3A_667 = vector.extract_strided_slice %get3A_277 {offsets = [8], sizes = [1], strides = [1]} : vector<16xf32> to vector<1xf32>
      %squeeze3A_668 = vector.extract %slice3A_667[0] : f32 from vector<1xf32>
      %slice3A_669 = vector.extract_strided_slice %get3A_277 {offsets = [9], sizes = [1], strides = [1]} : vector<16xf32> to vector<1xf32>
      %squeeze3A_670 = vector.extract %slice3A_669[0] : f32 from vector<1xf32>
      %slice3A_671 = vector.extract_strided_slice %get3A_277 {offsets = [10], sizes = [1], strides = [1]} : vector<16xf32> to vector<1xf32>
      %squeeze3A_672 = vector.extract %slice3A_671[0] : f32 from vector<1xf32>
      %slice3A_673 = vector.extract_strided_slice %and3A_269 {offsets = [8], sizes = [1], strides = [1]} : vector<16xi32> to vector<1xi32>
      %squeeze3A_674 = vector.extract %slice3A_673[0] : i32 from vector<1xi32>
      %add3A_675 = arith.constant 0 : i32
      %add3A_676 = arith.addi %squeeze3A_674, %add3A_675 : i32
      %broadcast_in_dim3A_677 = vector.broadcast %add3A_676 : i32 to vector<16xi32>
      %gather3A_678 = tpu.vector_load_idx %arg8[%add3A_663, %broadcast_in_dim3A_677] : memref<128x512xf32, #tpu.memory_space<vmem>>[vector<16xi32>, vector<16xi32>], vector<16xf32>,
      %gather3A_679 = tpu.vector_load_idx %arg8[%add3A_666, %broadcast_in_dim3A_677] : memref<128x512xf32, #tpu.memory_space<vmem>>[vector<16xi32>, vector<16xi32>], vector<16xf32>,
      %mul3A_680 = vector.broadcast %squeeze3A_668 : f32 to vector<16xf32>
      %mul3A_681 = arith.mulf %mul3A_680, %get3A_5 : vector<16xf32>
      %add3A_682 = arith.addf %gather3A_678, %mul3A_681 : vector<16xf32>
      %mul3A_683 = vector.broadcast %squeeze3A_670 : f32 to vector<16xf32>
      %mul3A_684 = arith.mulf %mul3A_683, %get3A_9 : vector<16xf32>
      %add3A_685 = arith.addf %add3A_682, %mul3A_684 : vector<16xf32>
      %mul3A_686 = vector.broadcast %squeeze3A_672 : f32 to vector<16xf32>
      %mul3A_687 = arith.mulf %mul3A_686, %get3A_13 : vector<16xf32>
      %add3A_688 = arith.addf %add3A_685, %mul3A_687 : vector<16xf32>
      %add3A_689 = arith.addf %add3A_688, %get3A_17 : vector<16xf32>
      %mul3A_690 = vector.broadcast %squeeze3A_668 : f32 to vector<16xf32>
      %mul3A_691 = arith.mulf %mul3A_690, %get3A_7 : vector<16xf32>
      %add3A_692 = arith.addf %gather3A_679, %mul3A_691 : vector<16xf32>
      %mul3A_693 = vector.broadcast %squeeze3A_670 : f32 to vector<16xf32>
      %mul3A_694 = arith.mulf %mul3A_693, %get3A_11 : vector<16xf32>
      %add3A_695 = arith.addf %add3A_692, %mul3A_694 : vector<16xf32>
      %mul3A_696 = vector.broadcast %squeeze3A_672 : f32 to vector<16xf32>
      %mul3A_697 = arith.mulf %mul3A_696, %get3A_15 : vector<16xf32>
      %add3A_698 = arith.addf %add3A_695, %mul3A_697 : vector<16xf32>
      %add3A_699 = arith.addf %add3A_698, %get3A_19 : vector<16xf32>
      %swap3A_700 = arith.index_cast %add3A_648 : i32 to index
      %swap3A_701 = arith.constant 0 : index
      %swap3A_702 = tpu.vector_load %arg9[%swap3A_700, %swap3A_701] {strides = array<i32>} : memref<128x128xf32, #tpu.memory_space<vmem>>, vector<16xf32>,
      tpu.vector_store %arg9[%swap3A_700, %swap3A_701], %add3A_689 {strides = array<i32>} : memref<128x128xf32, #tpu.memory_space<vmem>>, vector<16xf32>,
      %swap3A_703 = arith.index_cast %add3A_648 : i32 to index
      %swap3A_704 = arith.constant 16 : index
      %swap3A_705 = tpu.vector_load %arg9[%swap3A_703, %swap3A_704] {strides = array<i32>} : memref<128x128xf32, #tpu.memory_space<vmem>>, vector<16xf32>,
      tpu.vector_store %arg9[%swap3A_703, %swap3A_704], %add3A_699 {strides = array<i32>} : memref<128x128xf32, #tpu.memory_space<vmem>>, vector<16xf32>,
      %slice3A_706 = vector.extract_strided_slice %get3A_277 {offsets = [11], sizes = [1], strides = [1]} : vector<16xf32> to vector<1xf32>
      %squeeze3A_707 = vector.extract %slice3A_706[0] : f32 from vector<1xf32>
      %slice3A_708 = vector.extract_strided_slice %get3A_277 {offsets = [12], sizes = [1], strides = [1]} : vector<16xf32> to vector<1xf32>
      %squeeze3A_709 = vector.extract %slice3A_708[0] : f32 from vector<1xf32>
      %slice3A_710 = vector.extract_strided_slice %get3A_277 {offsets = [13], sizes = [1], strides = [1]} : vector<16xf32> to vector<1xf32>
      %squeeze3A_711 = vector.extract %slice3A_710[0] : f32 from vector<1xf32>
      %slice3A_712 = vector.extract_strided_slice %and3A_269 {offsets = [9], sizes = [1], strides = [1]} : vector<16xi32> to vector<1xi32>
      %squeeze3A_713 = vector.extract %slice3A_712[0] : i32 from vector<1xi32>
      %add3A_714 = arith.constant 128 : i32
      %add3A_715 = arith.addi %squeeze3A_713, %add3A_714 : i32
      %broadcast_in_dim3A_716 = vector.broadcast %add3A_715 : i32 to vector<16xi32>
      %gather3A_717 = tpu.vector_load_idx %arg8[%add3A_663, %broadcast_in_dim3A_716] : memref<128x512xf32, #tpu.memory_space<vmem>>[vector<16xi32>, vector<16xi32>], vector<16xf32>,
      %gather3A_718 = tpu.vector_load_idx %arg8[%add3A_666, %broadcast_in_dim3A_716] : memref<128x512xf32, #tpu.memory_space<vmem>>[vector<16xi32>, vector<16xi32>], vector<16xf32>,
      %mul3A_719 = vector.broadcast %squeeze3A_707 : f32 to vector<16xf32>
      %mul3A_720 = arith.mulf %mul3A_719, %get3A_5 : vector<16xf32>
      %add3A_721 = arith.addf %gather3A_717, %mul3A_720 : vector<16xf32>
      %mul3A_722 = vector.broadcast %squeeze3A_709 : f32 to vector<16xf32>
      %mul3A_723 = arith.mulf %mul3A_722, %get3A_9 : vector<16xf32>
      %add3A_724 = arith.addf %add3A_721, %mul3A_723 : vector<16xf32>
      %mul3A_725 = vector.broadcast %squeeze3A_711 : f32 to vector<16xf32>
      %mul3A_726 = arith.mulf %mul3A_725, %get3A_13 : vector<16xf32>
      %add3A_727 = arith.addf %add3A_724, %mul3A_726 : vector<16xf32>
      %add3A_728 = arith.addf %add3A_727, %get3A_17 : vector<16xf32>
      %mul3A_729 = vector.broadcast %squeeze3A_707 : f32 to vector<16xf32>
      %mul3A_730 = arith.mulf %mul3A_729, %get3A_7 : vector<16xf32>
      %add3A_731 = arith.addf %gather3A_718, %mul3A_730 : vector<16xf32>
      %mul3A_732 = vector.broadcast %squeeze3A_709 : f32 to vector<16xf32>
      %mul3A_733 = arith.mulf %mul3A_732, %get3A_11 : vector<16xf32>
      %add3A_734 = arith.addf %add3A_731, %mul3A_733 : vector<16xf32>
      %mul3A_735 = vector.broadcast %squeeze3A_711 : f32 to vector<16xf32>
      %mul3A_736 = arith.mulf %mul3A_735, %get3A_15 : vector<16xf32>
      %add3A_737 = arith.addf %add3A_734, %mul3A_736 : vector<16xf32>
      %add3A_738 = arith.addf %add3A_737, %get3A_19 : vector<16xf32>
      %swap3A_739 = arith.index_cast %add3A_648 : i32 to index
      %swap3A_740 = arith.constant 32 : index
      %swap3A_741 = tpu.vector_load %arg9[%swap3A_739, %swap3A_740] {strides = array<i32>} : memref<128x128xf32, #tpu.memory_space<vmem>>, vector<16xf32>,
      tpu.vector_store %arg9[%swap3A_739, %swap3A_740], %add3A_728 {strides = array<i32>} : memref<128x128xf32, #tpu.memory_space<vmem>>, vector<16xf32>,
      %swap3A_742 = arith.index_cast %add3A_648 : i32 to index
      %swap3A_743 = arith.constant 48 : index
      %swap3A_744 = tpu.vector_load %arg9[%swap3A_742, %swap3A_743] {strides = array<i32>} : memref<128x128xf32, #tpu.memory_space<vmem>>, vector<16xf32>,
      tpu.vector_store %arg9[%swap3A_742, %swap3A_743], %add3A_738 {strides = array<i32>} : memref<128x128xf32, #tpu.memory_space<vmem>>, vector<16xf32>,
      %slice3A_745 = vector.extract_strided_slice %get3A_277 {offsets = [14], sizes = [1], strides = [1]} : vector<16xf32> to vector<1xf32>
      %squeeze3A_746 = vector.extract %slice3A_745[0] : f32 from vector<1xf32>
      %slice3A_747 = vector.extract_strided_slice %get3A_277 {offsets = [15], sizes = [1], strides = [1]} : vector<16xf32> to vector<1xf32>
      %squeeze3A_748 = vector.extract %slice3A_747[0] : f32 from vector<1xf32>
      %slice3A_749 = vector.extract_strided_slice %get3A_281 {offsets = [0], sizes = [1], strides = [1]} : vector<16xf32> to vector<1xf32>
      %squeeze3A_750 = vector.extract %slice3A_749[0] : f32 from vector<1xf32>
      %slice3A_751 = vector.extract_strided_slice %and3A_269 {offsets = [10], sizes = [1], strides = [1]} : vector<16xi32> to vector<1xi32>
      %squeeze3A_752 = vector.extract %slice3A_751[0] : i32 from vector<1xi32>
      %add3A_753 = arith.constant 256 : i32
      %add3A_754 = arith.addi %squeeze3A_752, %add3A_753 : i32
      %broadcast_in_dim3A_755 = vector.broadcast %add3A_754 : i32 to vector<16xi32>
      %gather3A_756 = tpu.vector_load_idx %arg8[%add3A_663, %broadcast_in_dim3A_755] : memref<128x512xf32, #tpu.memory_space<vmem>>[vector<16xi32>, vector<16xi32>], vector<16xf32>,
      %gather3A_757 = tpu.vector_load_idx %arg8[%add3A_666, %broadcast_in_dim3A_755] : memref<128x512xf32, #tpu.memory_space<vmem>>[vector<16xi32>, vector<16xi32>], vector<16xf32>,
      %mul3A_758 = vector.broadcast %squeeze3A_746 : f32 to vector<16xf32>
      %mul3A_759 = arith.mulf %mul3A_758, %get3A_5 : vector<16xf32>
      %add3A_760 = arith.addf %gather3A_756, %mul3A_759 : vector<16xf32>
      %mul3A_761 = vector.broadcast %squeeze3A_748 : f32 to vector<16xf32>
      %mul3A_762 = arith.mulf %mul3A_761, %get3A_9 : vector<16xf32>
      %add3A_763 = arith.addf %add3A_760, %mul3A_762 : vector<16xf32>
      %mul3A_764 = vector.broadcast %squeeze3A_750 : f32 to vector<16xf32>
      %mul3A_765 = arith.mulf %mul3A_764, %get3A_13 : vector<16xf32>
      %add3A_766 = arith.addf %add3A_763, %mul3A_765 : vector<16xf32>
      %add3A_767 = arith.addf %add3A_766, %get3A_17 : vector<16xf32>
      %mul3A_768 = vector.broadcast %squeeze3A_746 : f32 to vector<16xf32>
      %mul3A_769 = arith.mulf %mul3A_768, %get3A_7 : vector<16xf32>
      %add3A_770 = arith.addf %gather3A_757, %mul3A_769 : vector<16xf32>
      %mul3A_771 = vector.broadcast %squeeze3A_748 : f32 to vector<16xf32>
      %mul3A_772 = arith.mulf %mul3A_771, %get3A_11 : vector<16xf32>
      %add3A_773 = arith.addf %add3A_770, %mul3A_772 : vector<16xf32>
      %mul3A_774 = vector.broadcast %squeeze3A_750 : f32 to vector<16xf32>
      %mul3A_775 = arith.mulf %mul3A_774, %get3A_15 : vector<16xf32>
      %add3A_776 = arith.addf %add3A_773, %mul3A_775 : vector<16xf32>
      %add3A_777 = arith.addf %add3A_776, %get3A_19 : vector<16xf32>
      %swap3A_778 = arith.index_cast %add3A_648 : i32 to index
      %swap3A_779 = arith.constant 64 : index
      %swap3A_780 = tpu.vector_load %arg9[%swap3A_778, %swap3A_779] {strides = array<i32>} : memref<128x128xf32, #tpu.memory_space<vmem>>, vector<16xf32>,
      tpu.vector_store %arg9[%swap3A_778, %swap3A_779], %add3A_767 {strides = array<i32>} : memref<128x128xf32, #tpu.memory_space<vmem>>, vector<16xf32>,
      %swap3A_781 = arith.index_cast %add3A_648 : i32 to index
      %swap3A_782 = arith.constant 80 : index
      %swap3A_783 = tpu.vector_load %arg9[%swap3A_781, %swap3A_782] {strides = array<i32>} : memref<128x128xf32, #tpu.memory_space<vmem>>, vector<16xf32>,
      tpu.vector_store %arg9[%swap3A_781, %swap3A_782], %add3A_777 {strides = array<i32>} : memref<128x128xf32, #tpu.memory_space<vmem>>, vector<16xf32>,
      %slice3A_784 = vector.extract_strided_slice %get3A_281 {offsets = [1], sizes = [1], strides = [1]} : vector<16xf32> to vector<1xf32>
      %squeeze3A_785 = vector.extract %slice3A_784[0] : f32 from vector<1xf32>
      %slice3A_786 = vector.extract_strided_slice %get3A_281 {offsets = [2], sizes = [1], strides = [1]} : vector<16xf32> to vector<1xf32>
      %squeeze3A_787 = vector.extract %slice3A_786[0] : f32 from vector<1xf32>
      %slice3A_788 = vector.extract_strided_slice %get3A_281 {offsets = [3], sizes = [1], strides = [1]} : vector<16xf32> to vector<1xf32>
      %squeeze3A_789 = vector.extract %slice3A_788[0] : f32 from vector<1xf32>
      %slice3A_790 = vector.extract_strided_slice %and3A_269 {offsets = [11], sizes = [1], strides = [1]} : vector<16xi32> to vector<1xi32>
      %squeeze3A_791 = vector.extract %slice3A_790[0] : i32 from vector<1xi32>
      %add3A_792 = arith.constant 384 : i32
      %add3A_793 = arith.addi %squeeze3A_791, %add3A_792 : i32
      %broadcast_in_dim3A_794 = vector.broadcast %add3A_793 : i32 to vector<16xi32>
      %gather3A_795 = tpu.vector_load_idx %arg8[%add3A_663, %broadcast_in_dim3A_794] : memref<128x512xf32, #tpu.memory_space<vmem>>[vector<16xi32>, vector<16xi32>], vector<16xf32>,
      %gather3A_796 = tpu.vector_load_idx %arg8[%add3A_666, %broadcast_in_dim3A_794] : memref<128x512xf32, #tpu.memory_space<vmem>>[vector<16xi32>, vector<16xi32>], vector<16xf32>,
      %mul3A_797 = vector.broadcast %squeeze3A_785 : f32 to vector<16xf32>
      %mul3A_798 = arith.mulf %mul3A_797, %get3A_5 : vector<16xf32>
      %add3A_799 = arith.addf %gather3A_795, %mul3A_798 : vector<16xf32>
      %mul3A_800 = vector.broadcast %squeeze3A_787 : f32 to vector<16xf32>
      %mul3A_801 = arith.mulf %mul3A_800, %get3A_9 : vector<16xf32>
      %add3A_802 = arith.addf %add3A_799, %mul3A_801 : vector<16xf32>
      %mul3A_803 = vector.broadcast %squeeze3A_789 : f32 to vector<16xf32>
      %mul3A_804 = arith.mulf %mul3A_803, %get3A_13 : vector<16xf32>
      %add3A_805 = arith.addf %add3A_802, %mul3A_804 : vector<16xf32>
      %add3A_806 = arith.addf %add3A_805, %get3A_17 : vector<16xf32>
      %mul3A_807 = vector.broadcast %squeeze3A_785 : f32 to vector<16xf32>
      %mul3A_808 = arith.mulf %mul3A_807, %get3A_7 : vector<16xf32>
      %add3A_809 = arith.addf %gather3A_796, %mul3A_808 : vector<16xf32>
      %mul3A_810 = vector.broadcast %squeeze3A_787 : f32 to vector<16xf32>
      %mul3A_811 = arith.mulf %mul3A_810, %get3A_11 : vector<16xf32>
      %add3A_812 = arith.addf %add3A_809, %mul3A_811 : vector<16xf32>
      %mul3A_813 = vector.broadcast %squeeze3A_789 : f32 to vector<16xf32>
      %mul3A_814 = arith.mulf %mul3A_813, %get3A_15 : vector<16xf32>
      %add3A_815 = arith.addf %add3A_812, %mul3A_814 : vector<16xf32>
      %add3A_816 = arith.addf %add3A_815, %get3A_19 : vector<16xf32>
      %swap3A_817 = arith.index_cast %add3A_648 : i32 to index
      %swap3A_818 = arith.constant 96 : index
      %swap3A_819 = tpu.vector_load %arg9[%swap3A_817, %swap3A_818] {strides = array<i32>} : memref<128x128xf32, #tpu.memory_space<vmem>>, vector<16xf32>,
      tpu.vector_store %arg9[%swap3A_817, %swap3A_818], %add3A_806 {strides = array<i32>} : memref<128x128xf32, #tpu.memory_space<vmem>>, vector<16xf32>,
      %swap3A_820 = arith.index_cast %add3A_648 : i32 to index
      %swap3A_821 = arith.constant 112 : index
      %swap3A_822 = tpu.vector_load %arg9[%swap3A_820, %swap3A_821] {strides = array<i32>} : memref<128x128xf32, #tpu.memory_space<vmem>>, vector<16xf32>,
      tpu.vector_store %arg9[%swap3A_820, %swap3A_821], %add3A_816 {strides = array<i32>} : memref<128x128xf32, #tpu.memory_space<vmem>>, vector<16xf32>,
      %add3A_823 = arith.constant 4 : i32
      %add3A_824 = arith.addi %add3A_648, %add3A_823 : i32
      %lt3A_825 = arith.constant 128 : i32
      %lt3A_826 = arith.cmpi slt, %add3A_824, %lt3A_825 : i32
      %convert_element_type3A_827 = arith.extui %lt3A_826 : i1 to i32
      %cond3A_828 = arith.constant 0 : i32
      %cond3A_829 = arith.cmpi ne, %convert_element_type3A_827, %cond3A_828 : i32
      scf.if %cond3A_829 {
        %add3A_1016 = arith.constant 1 : i32
        %add3A_1017 = arith.addi %scan3A_262, %add3A_1016 : i32
        %mul3A_1018 = arith.constant 16 : i32
        %mul3A_1019 = arith.muli %add3A_1017, %mul3A_1018 : i32
        %get3A_1020 = arith.index_cast %mul3A_1019 : i32 to index
        %get3A_1021 = tpu.vector_load %arg7[%get3A_1020] {strides = array<i32>} : memref<512xi32, #tpu.memory_space<vmem>>, vector<16xi32>,
        %shift_right_logical3A_1022 = arith.constant 7 : i32
        %shift_right_logical3A_1023 = vector.broadcast %shift_right_logical3A_1022 : i32 to vector<16xi32>
        %shift_right_logical3A_1024 = arith.shrui %get3A_1021, %shift_right_logical3A_1023 : vector<16xi32>
        %shift_left3A_1025 = arith.constant 7 : i32
        %shift_left3A_1026 = vector.broadcast %shift_left3A_1025 : i32 to vector<16xi32>
        %shift_left3A_1027 = arith.shli %shift_right_logical3A_1024, %shift_left3A_1026 : vector<16xi32>
        %slice3A_1028 = vector.extract_strided_slice %shift_left3A_1027 {offsets = [8], sizes = [1], strides = [1]} : vector<16xi32> to vector<1xi32>
        %squeeze3A_1029 = vector.extract %slice3A_1028[0] : i32 from vector<1xi32>
        %multiple_of3A_1030 = tpu.assume_multiple %squeeze3A_1029, 128 : i32
        %dma_start3A_1031 = arith.constant 64 : i32
        %dma_start3A_1032 = arith.constant 0 : i32
        %dma_start3A_1033 = tpu.memref_slice %arg8[%dma_start3A_1031, %dma_start3A_1032] : memref<128x512xf32, #tpu.memory_space<vmem>> -> memref<32x128xf32, #tpu.memory_space<vmem>>
        %dma_start3A_1034 = arith.constant 0 : i32
        %dma_start3A_1035 = tpu.memref_slice %arg4[%dma_start3A_1034, %multiple_of3A_1030] : memref<32x1000000xf32, #tpu.memory_space<hbm>> -> memref<32x128xf32, #tpu.memory_space<hbm>>
        %dma_start3A_1036 = arith.constant 64 : i32
        %dma_start3A_1037 = arith.constant 0 : i32
        %dma_start3A_1038 = tpu.memref_slice %arg8[%dma_start3A_1036, %dma_start3A_1037] : memref<128x512xf32, #tpu.memory_space<vmem>> -> memref<32x128xf32, #tpu.memory_space<vmem>>
        %dma_start3A_1039 = arith.constant 0 : i32
        %dma_start3A_1040 = tpu.memref_slice %arg4[%dma_start3A_1039, %multiple_of3A_1030] : memref<32x1000000xf32, #tpu.memory_space<hbm>> -> memref<32x128xf32, #tpu.memory_space<hbm>>
        tpu.enqueue_dma source(%dma_start3A_1040 : memref<32x128xf32, #tpu.memory_space<hbm>>) target(%dma_start3A_1038 : memref<32x128xf32, #tpu.memory_space<vmem>>) target_semaphore(%arg14 : memref<!tpu.dma_semaphore, #tpu.memory_space<semaphore_mem>>)
        %slice3A_1041 = vector.extract_strided_slice %shift_left3A_1027 {offsets = [9], sizes = [1], strides = [1]} : vector<16xi32> to vector<1xi32>
        %squeeze3A_1042 = vector.extract %slice3A_1041[0] : i32 from vector<1xi32>
        %multiple_of3A_1043 = tpu.assume_multiple %squeeze3A_1042, 128 : i32
        %dma_start3A_1044 = arith.constant 64 : i32
        %dma_start3A_1045 = arith.constant 128 : i32
        %dma_start3A_1046 = tpu.memref_slice %arg8[%dma_start3A_1044, %dma_start3A_1045] : memref<128x512xf32, #tpu.memory_space<vmem>> -> memref<32x128xf32, #tpu.memory_space<vmem>>
        %dma_start3A_1047 = arith.constant 0 : i32
        %dma_start3A_1048 = tpu.memref_slice %arg4[%dma_start3A_1047, %multiple_of3A_1043] : memref<32x1000000xf32, #tpu.memory_space<hbm>> -> memref<32x128xf32, #tpu.memory_space<hbm>>
        %dma_start3A_1049 = arith.constant 64 : i32
        %dma_start3A_1050 = arith.constant 128 : i32
        %dma_start3A_1051 = tpu.memref_slice %arg8[%dma_start3A_1049, %dma_start3A_1050] : memref<128x512xf32, #tpu.memory_space<vmem>> -> memref<32x128xf32, #tpu.memory_space<vmem>>
        %dma_start3A_1052 = arith.constant 0 : i32
        %dma_start3A_1053 = tpu.memref_slice %arg4[%dma_start3A_1052, %multiple_of3A_1043] : memref<32x1000000xf32, #tpu.memory_space<hbm>> -> memref<32x128xf32, #tpu.memory_space<hbm>>
        tpu.enqueue_dma source(%dma_start3A_1053 : memref<32x128xf32, #tpu.memory_space<hbm>>) target(%dma_start3A_1051 : memref<32x128xf32, #tpu.memory_space<vmem>>) target_semaphore(%arg14 : memref<!tpu.dma_semaphore, #tpu.memory_space<semaphore_mem>>)
        %slice3A_1054 = vector.extract_strided_slice %shift_left3A_1027 {offsets = [10], sizes = [1], strides = [1]} : vector<16xi32> to vector<1xi32>
        %squeeze3A_1055 = vector.extract %slice3A_1054[0] : i32 from vector<1xi32>
        %multiple_of3A_1056 = tpu.assume_multiple %squeeze3A_1055, 128 : i32
        %dma_start3A_1057 = arith.constant 64 : i32
        %dma_start3A_1058 = arith.constant 256 : i32
        %dma_start3A_1059 = tpu.memref_slice %arg8[%dma_start3A_1057, %dma_start3A_1058] : memref<128x512xf32, #tpu.memory_space<vmem>> -> memref<32x128xf32, #tpu.memory_space<vmem>>
        %dma_start3A_1060 = arith.constant 0 : i32
        %dma_start3A_1061 = tpu.memref_slice %arg4[%dma_start3A_1060, %multiple_of3A_1056] : memref<32x1000000xf32, #tpu.memory_space<hbm>> -> memref<32x128xf32, #tpu.memory_space<hbm>>
        %dma_start3A_1062 = arith.constant 64 : i32
        %dma_start3A_1063 = arith.constant 256 : i32
        %dma_start3A_1064 = tpu.memref_slice %arg8[%dma_start3A_1062, %dma_start3A_1063] : memref<128x512xf32, #tpu.memory_space<vmem>> -> memref<32x128xf32, #tpu.memory_space<vmem>>
        %dma_start3A_1065 = arith.constant 0 : i32
        %dma_start3A_1066 = tpu.memref_slice %arg4[%dma_start3A_1065, %multiple_of3A_1056] : memref<32x1000000xf32, #tpu.memory_space<hbm>> -> memref<32x128xf32, #tpu.memory_space<hbm>>
        tpu.enqueue_dma source(%dma_start3A_1066 : memref<32x128xf32, #tpu.memory_space<hbm>>) target(%dma_start3A_1064 : memref<32x128xf32, #tpu.memory_space<vmem>>) target_semaphore(%arg14 : memref<!tpu.dma_semaphore, #tpu.memory_space<semaphore_mem>>)
        %slice3A_1067 = vector.extract_strided_slice %shift_left3A_1027 {offsets = [11], sizes = [1], strides = [1]} : vector<16xi32> to vector<1xi32>
        %squeeze3A_1068 = vector.extract %slice3A_1067[0] : i32 from vector<1xi32>
        %multiple_of3A_1069 = tpu.assume_multiple %squeeze3A_1068, 128 : i32
        %dma_start3A_1070 = arith.constant 64 : i32
        %dma_start3A_1071 = arith.constant 384 : i32
        %dma_start3A_1072 = tpu.memref_slice %arg8[%dma_start3A_1070, %dma_start3A_1071] : memref<128x512xf32, #tpu.memory_space<vmem>> -> memref<32x128xf32, #tpu.memory_space<vmem>>
        %dma_start3A_1073 = arith.constant 0 : i32
        %dma_start3A_1074 = tpu.memref_slice %arg4[%dma_start3A_1073, %multiple_of3A_1069] : memref<32x1000000xf32, #tpu.memory_space<hbm>> -> memref<32x128xf32, #tpu.memory_space<hbm>>
        %dma_start3A_1075 = arith.constant 64 : i32
        %dma_start3A_1076 = arith.constant 384 : i32
        %dma_start3A_1077 = tpu.memref_slice %arg8[%dma_start3A_1075, %dma_start3A_1076] : memref<128x512xf32, #tpu.memory_space<vmem>> -> memref<32x128xf32, #tpu.memory_space<vmem>>
        %dma_start3A_1078 = arith.constant 0 : i32
        %dma_start3A_1079 = tpu.memref_slice %arg4[%dma_start3A_1078, %multiple_of3A_1069] : memref<32x1000000xf32, #tpu.memory_space<hbm>> -> memref<32x128xf32, #tpu.memory_space<hbm>>
        tpu.enqueue_dma source(%dma_start3A_1079 : memref<32x128xf32, #tpu.memory_space<hbm>>) target(%dma_start3A_1077 : memref<32x128xf32, #tpu.memory_space<vmem>>) target_semaphore(%arg14 : memref<!tpu.dma_semaphore, #tpu.memory_space<semaphore_mem>>)
      } else {
      }
      %mul3A_830 = arith.constant 4 : i32
      %mul3A_831 = arith.muli %scan3A_262, %mul3A_830 : i32
      %add3A_832 = arith.constant 3 : i32
      %add3A_833 = arith.addi %mul3A_831, %add3A_832 : i32
      %dma_wait3A_834 = arith.constant 96 : i32
      %dma_wait3A_835 = arith.constant 0 : i32
      %dma_wait3A_836 = tpu.memref_slice %arg8[%dma_wait3A_834, %dma_wait3A_835] : memref<128x512xf32, #tpu.memory_space<vmem>> -> memref<32x512xf32, #tpu.memory_space<vmem>>
      %dma_wait3A_837 = arith.constant 0 : i32
      %dma_wait3A_838 = arith.constant 0 : i32
      %dma_wait3A_839 = tpu.memref_slice %arg4[%dma_wait3A_837, %dma_wait3A_838] : memref<32x1000000xf32, #tpu.memory_space<hbm>> -> memref<32x512xf32, #tpu.memory_space<hbm>>
      %dma_wait3A_840 = arith.constant 96 : i32
      %dma_wait3A_841 = arith.constant 0 : i32
      %dma_wait3A_842 = tpu.memref_slice %arg8[%dma_wait3A_840, %dma_wait3A_841] : memref<128x512xf32, #tpu.memory_space<vmem>> -> memref<32x512xf32, #tpu.memory_space<vmem>>
      %dma_wait3A_843 = arith.constant 0 : i32
      %dma_wait3A_844 = arith.constant 0 : i32
      %dma_wait3A_845 = tpu.memref_slice %arg4[%dma_wait3A_843, %dma_wait3A_844] : memref<32x1000000xf32, #tpu.memory_space<hbm>> -> memref<32x512xf32, #tpu.memory_space<hbm>>
      tpu.wait_dma2 semaphore(%arg15 : memref<!tpu.dma_semaphore, #tpu.memory_space<semaphore_mem>>) src(%dma_wait3A_845 : memref<32x512xf32, #tpu.memory_space<hbm>>) dst(%dma_wait3A_842 : memref<32x512xf32, #tpu.memory_space<vmem>>)
      %add3A_846 = arith.constant 96 : i32
      %add3A_847 = vector.broadcast %add3A_846 : i32 to vector<16xi32>
      %add3A_848 = arith.addi %iota3A, %add3A_847 : vector<16xi32>
      %add3A_849 = arith.constant 16 : i32
      %add3A_850 = vector.broadcast %add3A_849 : i32 to vector<16xi32>
      %add3A_851 = arith.addi %add3A_848, %add3A_850 : vector<16xi32>
      %slice3A_852 = vector.extract_strided_slice %get3A_281 {offsets = [4], sizes = [1], strides = [1]} : vector<16xf32> to vector<1xf32>
      %squeeze3A_853 = vector.extract %slice3A_852[0] : f32 from vector<1xf32>
      %slice3A_854 = vector.extract_strided_slice %get3A_281 {offsets = [5], sizes = [1], strides = [1]} : vector<16xf32> to vector<1xf32>
      %squeeze3A_855 = vector.extract %slice3A_854[0] : f32 from vector<1xf32>
      %slice3A_856 = vector.extract_strided_slice %get3A_281 {offsets = [6], sizes = [1], strides = [1]} : vector<16xf32> to vector<1xf32>
      %squeeze3A_857 = vector.extract %slice3A_856[0] : f32 from vector<1xf32>
      %slice3A_858 = vector.extract_strided_slice %and3A_269 {offsets = [12], sizes = [1], strides = [1]} : vector<16xi32> to vector<1xi32>
      %squeeze3A_859 = vector.extract %slice3A_858[0] : i32 from vector<1xi32>
      %add3A_860 = arith.constant 0 : i32
      %add3A_861 = arith.addi %squeeze3A_859, %add3A_860 : i32
      %broadcast_in_dim3A_862 = vector.broadcast %add3A_861 : i32 to vector<16xi32>
      %gather3A_863 = tpu.vector_load_idx %arg8[%add3A_848, %broadcast_in_dim3A_862] : memref<128x512xf32, #tpu.memory_space<vmem>>[vector<16xi32>, vector<16xi32>], vector<16xf32>,
      %gather3A_864 = tpu.vector_load_idx %arg8[%add3A_851, %broadcast_in_dim3A_862] : memref<128x512xf32, #tpu.memory_space<vmem>>[vector<16xi32>, vector<16xi32>], vector<16xf32>,
      %mul3A_865 = vector.broadcast %squeeze3A_853 : f32 to vector<16xf32>
      %mul3A_866 = arith.mulf %mul3A_865, %get3A_5 : vector<16xf32>
      %add3A_867 = arith.addf %gather3A_863, %mul3A_866 : vector<16xf32>
      %mul3A_868 = vector.broadcast %squeeze3A_855 : f32 to vector<16xf32>
      %mul3A_869 = arith.mulf %mul3A_868, %get3A_9 : vector<16xf32>
      %add3A_870 = arith.addf %add3A_867, %mul3A_869 : vector<16xf32>
      %mul3A_871 = vector.broadcast %squeeze3A_857 : f32 to vector<16xf32>
      %mul3A_872 = arith.mulf %mul3A_871, %get3A_13 : vector<16xf32>
      %add3A_873 = arith.addf %add3A_870, %mul3A_872 : vector<16xf32>
      %add3A_874 = arith.addf %add3A_873, %get3A_17 : vector<16xf32>
      %mul3A_875 = vector.broadcast %squeeze3A_853 : f32 to vector<16xf32>
      %mul3A_876 = arith.mulf %mul3A_875, %get3A_7 : vector<16xf32>
      %add3A_877 = arith.addf %gather3A_864, %mul3A_876 : vector<16xf32>
      %mul3A_878 = vector.broadcast %squeeze3A_855 : f32 to vector<16xf32>
      %mul3A_879 = arith.mulf %mul3A_878, %get3A_11 : vector<16xf32>
      %add3A_880 = arith.addf %add3A_877, %mul3A_879 : vector<16xf32>
      %mul3A_881 = vector.broadcast %squeeze3A_857 : f32 to vector<16xf32>
      %mul3A_882 = arith.mulf %mul3A_881, %get3A_15 : vector<16xf32>
      %add3A_883 = arith.addf %add3A_880, %mul3A_882 : vector<16xf32>
      %add3A_884 = arith.addf %add3A_883, %get3A_19 : vector<16xf32>
      %swap3A_885 = arith.index_cast %add3A_833 : i32 to index
      %swap3A_886 = arith.constant 0 : index
      %swap3A_887 = tpu.vector_load %arg9[%swap3A_885, %swap3A_886] {strides = array<i32>} : memref<128x128xf32, #tpu.memory_space<vmem>>, vector<16xf32>,
      tpu.vector_store %arg9[%swap3A_885, %swap3A_886], %add3A_874 {strides = array<i32>} : memref<128x128xf32, #tpu.memory_space<vmem>>, vector<16xf32>,
      %swap3A_888 = arith.index_cast %add3A_833 : i32 to index
      %swap3A_889 = arith.constant 16 : index
      %swap3A_890 = tpu.vector_load %arg9[%swap3A_888, %swap3A_889] {strides = array<i32>} : memref<128x128xf32, #tpu.memory_space<vmem>>, vector<16xf32>,
      tpu.vector_store %arg9[%swap3A_888, %swap3A_889], %add3A_884 {strides = array<i32>} : memref<128x128xf32, #tpu.memory_space<vmem>>, vector<16xf32>,
      %slice3A_891 = vector.extract_strided_slice %get3A_281 {offsets = [7], sizes = [1], strides = [1]} : vector<16xf32> to vector<1xf32>
      %squeeze3A_892 = vector.extract %slice3A_891[0] : f32 from vector<1xf32>
      %slice3A_893 = vector.extract_strided_slice %get3A_281 {offsets = [8], sizes = [1], strides = [1]} : vector<16xf32> to vector<1xf32>
      %squeeze3A_894 = vector.extract %slice3A_893[0] : f32 from vector<1xf32>
      %slice3A_895 = vector.extract_strided_slice %get3A_281 {offsets = [9], sizes = [1], strides = [1]} : vector<16xf32> to vector<1xf32>
      %squeeze3A_896 = vector.extract %slice3A_895[0] : f32 from vector<1xf32>
      %slice3A_897 = vector.extract_strided_slice %and3A_269 {offsets = [13], sizes = [1], strides = [1]} : vector<16xi32> to vector<1xi32>
      %squeeze3A_898 = vector.extract %slice3A_897[0] : i32 from vector<1xi32>
      %add3A_899 = arith.constant 128 : i32
      %add3A_900 = arith.addi %squeeze3A_898, %add3A_899 : i32
      %broadcast_in_dim3A_901 = vector.broadcast %add3A_900 : i32 to vector<16xi32>
      %gather3A_902 = tpu.vector_load_idx %arg8[%add3A_848, %broadcast_in_dim3A_901] : memref<128x512xf32, #tpu.memory_space<vmem>>[vector<16xi32>, vector<16xi32>], vector<16xf32>,
      %gather3A_903 = tpu.vector_load_idx %arg8[%add3A_851, %broadcast_in_dim3A_901] : memref<128x512xf32, #tpu.memory_space<vmem>>[vector<16xi32>, vector<16xi32>], vector<16xf32>,
      %mul3A_904 = vector.broadcast %squeeze3A_892 : f32 to vector<16xf32>
      %mul3A_905 = arith.mulf %mul3A_904, %get3A_5 : vector<16xf32>
      %add3A_906 = arith.addf %gather3A_902, %mul3A_905 : vector<16xf32>
      %mul3A_907 = vector.broadcast %squeeze3A_894 : f32 to vector<16xf32>
      %mul3A_908 = arith.mulf %mul3A_907, %get3A_9 : vector<16xf32>
      %add3A_909 = arith.addf %add3A_906, %mul3A_908 : vector<16xf32>
      %mul3A_910 = vector.broadcast %squeeze3A_896 : f32 to vector<16xf32>
      %mul3A_911 = arith.mulf %mul3A_910, %get3A_13 : vector<16xf32>
      %add3A_912 = arith.addf %add3A_909, %mul3A_911 : vector<16xf32>
      %add3A_913 = arith.addf %add3A_912, %get3A_17 : vector<16xf32>
      %mul3A_914 = vector.broadcast %squeeze3A_892 : f32 to vector<16xf32>
      %mul3A_915 = arith.mulf %mul3A_914, %get3A_7 : vector<16xf32>
      %add3A_916 = arith.addf %gather3A_903, %mul3A_915 : vector<16xf32>
      %mul3A_917 = vector.broadcast %squeeze3A_894 : f32 to vector<16xf32>
      %mul3A_918 = arith.mulf %mul3A_917, %get3A_11 : vector<16xf32>
      %add3A_919 = arith.addf %add3A_916, %mul3A_918 : vector<16xf32>
      %mul3A_920 = vector.broadcast %squeeze3A_896 : f32 to vector<16xf32>
      %mul3A_921 = arith.mulf %mul3A_920, %get3A_15 : vector<16xf32>
      %add3A_922 = arith.addf %add3A_919, %mul3A_921 : vector<16xf32>
      %add3A_923 = arith.addf %add3A_922, %get3A_19 : vector<16xf32>
      %swap3A_924 = arith.index_cast %add3A_833 : i32 to index
      %swap3A_925 = arith.constant 32 : index
      %swap3A_926 = tpu.vector_load %arg9[%swap3A_924, %swap3A_925] {strides = array<i32>} : memref<128x128xf32, #tpu.memory_space<vmem>>, vector<16xf32>,
      tpu.vector_store %arg9[%swap3A_924, %swap3A_925], %add3A_913 {strides = array<i32>} : memref<128x128xf32, #tpu.memory_space<vmem>>, vector<16xf32>,
      %swap3A_927 = arith.index_cast %add3A_833 : i32 to index
      %swap3A_928 = arith.constant 48 : index
      %swap3A_929 = tpu.vector_load %arg9[%swap3A_927, %swap3A_928] {strides = array<i32>} : memref<128x128xf32, #tpu.memory_space<vmem>>, vector<16xf32>,
      tpu.vector_store %arg9[%swap3A_927, %swap3A_928], %add3A_923 {strides = array<i32>} : memref<128x128xf32, #tpu.memory_space<vmem>>, vector<16xf32>,
      %slice3A_930 = vector.extract_strided_slice %get3A_281 {offsets = [10], sizes = [1], strides = [1]} : vector<16xf32> to vector<1xf32>
      %squeeze3A_931 = vector.extract %slice3A_930[0] : f32 from vector<1xf32>
      %slice3A_932 = vector.extract_strided_slice %get3A_281 {offsets = [11], sizes = [1], strides = [1]} : vector<16xf32> to vector<1xf32>
      %squeeze3A_933 = vector.extract %slice3A_932[0] : f32 from vector<1xf32>
      %slice3A_934 = vector.extract_strided_slice %get3A_281 {offsets = [12], sizes = [1], strides = [1]} : vector<16xf32> to vector<1xf32>
      %squeeze3A_935 = vector.extract %slice3A_934[0] : f32 from vector<1xf32>
      %slice3A_936 = vector.extract_strided_slice %and3A_269 {offsets = [14], sizes = [1], strides = [1]} : vector<16xi32> to vector<1xi32>
      %squeeze3A_937 = vector.extract %slice3A_936[0] : i32 from vector<1xi32>
      %add3A_938 = arith.constant 256 : i32
      %add3A_939 = arith.addi %squeeze3A_937, %add3A_938 : i32
      %broadcast_in_dim3A_940 = vector.broadcast %add3A_939 : i32 to vector<16xi32>
      %gather3A_941 = tpu.vector_load_idx %arg8[%add3A_848, %broadcast_in_dim3A_940] : memref<128x512xf32, #tpu.memory_space<vmem>>[vector<16xi32>, vector<16xi32>], vector<16xf32>,
      %gather3A_942 = tpu.vector_load_idx %arg8[%add3A_851, %broadcast_in_dim3A_940] : memref<128x512xf32, #tpu.memory_space<vmem>>[vector<16xi32>, vector<16xi32>], vector<16xf32>,
      %mul3A_943 = vector.broadcast %squeeze3A_931 : f32 to vector<16xf32>
      %mul3A_944 = arith.mulf %mul3A_943, %get3A_5 : vector<16xf32>
      %add3A_945 = arith.addf %gather3A_941, %mul3A_944 : vector<16xf32>
      %mul3A_946 = vector.broadcast %squeeze3A_933 : f32 to vector<16xf32>
      %mul3A_947 = arith.mulf %mul3A_946, %get3A_9 : vector<16xf32>
      %add3A_948 = arith.addf %add3A_945, %mul3A_947 : vector<16xf32>
      %mul3A_949 = vector.broadcast %squeeze3A_935 : f32 to vector<16xf32>
      %mul3A_950 = arith.mulf %mul3A_949, %get3A_13 : vector<16xf32>
      %add3A_951 = arith.addf %add3A_948, %mul3A_950 : vector<16xf32>
      %add3A_952 = arith.addf %add3A_951, %get3A_17 : vector<16xf32>
      %mul3A_953 = vector.broadcast %squeeze3A_931 : f32 to vector<16xf32>
      %mul3A_954 = arith.mulf %mul3A_953, %get3A_7 : vector<16xf32>
      %add3A_955 = arith.addf %gather3A_942, %mul3A_954 : vector<16xf32>
      %mul3A_956 = vector.broadcast %squeeze3A_933 : f32 to vector<16xf32>
      %mul3A_957 = arith.mulf %mul3A_956, %get3A_11 : vector<16xf32>
      %add3A_958 = arith.addf %add3A_955, %mul3A_957 : vector<16xf32>
      %mul3A_959 = vector.broadcast %squeeze3A_935 : f32 to vector<16xf32>
      %mul3A_960 = arith.mulf %mul3A_959, %get3A_15 : vector<16xf32>
      %add3A_961 = arith.addf %add3A_958, %mul3A_960 : vector<16xf32>
      %add3A_962 = arith.addf %add3A_961, %get3A_19 : vector<16xf32>
      %swap3A_963 = arith.index_cast %add3A_833 : i32 to index
      %swap3A_964 = arith.constant 64 : index
      %swap3A_965 = tpu.vector_load %arg9[%swap3A_963, %swap3A_964] {strides = array<i32>} : memref<128x128xf32, #tpu.memory_space<vmem>>, vector<16xf32>,
      tpu.vector_store %arg9[%swap3A_963, %swap3A_964], %add3A_952 {strides = array<i32>} : memref<128x128xf32, #tpu.memory_space<vmem>>, vector<16xf32>,
      %swap3A_966 = arith.index_cast %add3A_833 : i32 to index
      %swap3A_967 = arith.constant 80 : index
      %swap3A_968 = tpu.vector_load %arg9[%swap3A_966, %swap3A_967] {strides = array<i32>} : memref<128x128xf32, #tpu.memory_space<vmem>>, vector<16xf32>,
      tpu.vector_store %arg9[%swap3A_966, %swap3A_967], %add3A_962 {strides = array<i32>} : memref<128x128xf32, #tpu.memory_space<vmem>>, vector<16xf32>,
      %slice3A_969 = vector.extract_strided_slice %get3A_281 {offsets = [13], sizes = [1], strides = [1]} : vector<16xf32> to vector<1xf32>
      %squeeze3A_970 = vector.extract %slice3A_969[0] : f32 from vector<1xf32>
      %slice3A_971 = vector.extract_strided_slice %get3A_281 {offsets = [14], sizes = [1], strides = [1]} : vector<16xf32> to vector<1xf32>
      %squeeze3A_972 = vector.extract %slice3A_971[0] : f32 from vector<1xf32>
      %slice3A_973 = vector.extract_strided_slice %get3A_281 {offsets = [15], sizes = [1], strides = [1]} : vector<16xf32> to vector<1xf32>
      %squeeze3A_974 = vector.extract %slice3A_973[0] : f32 from vector<1xf32>
      %slice3A_975 = vector.extract_strided_slice %and3A_269 {offsets = [15], sizes = [1], strides = [1]} : vector<16xi32> to vector<1xi32>
      %squeeze3A_976 = vector.extract %slice3A_975[0] : i32 from vector<1xi32>
      %add3A_977 = arith.constant 384 : i32
      %add3A_978 = arith.addi %squeeze3A_976, %add3A_977 : i32
      %broadcast_in_dim3A_979 = vector.broadcast %add3A_978 : i32 to vector<16xi32>
      %gather3A_980 = tpu.vector_load_idx %arg8[%add3A_848, %broadcast_in_dim3A_979] : memref<128x512xf32, #tpu.memory_space<vmem>>[vector<16xi32>, vector<16xi32>], vector<16xf32>,
      %gather3A_981 = tpu.vector_load_idx %arg8[%add3A_851, %broadcast_in_dim3A_979] : memref<128x512xf32, #tpu.memory_space<vmem>>[vector<16xi32>, vector<16xi32>], vector<16xf32>,
      %mul3A_982 = vector.broadcast %squeeze3A_970 : f32 to vector<16xf32>
      %mul3A_983 = arith.mulf %mul3A_982, %get3A_5 : vector<16xf32>
      %add3A_984 = arith.addf %gather3A_980, %mul3A_983 : vector<16xf32>
      %mul3A_985 = vector.broadcast %squeeze3A_972 : f32 to vector<16xf32>
      %mul3A_986 = arith.mulf %mul3A_985, %get3A_9 : vector<16xf32>
      %add3A_987 = arith.addf %add3A_984, %mul3A_986 : vector<16xf32>
      %mul3A_988 = vector.broadcast %squeeze3A_974 : f32 to vector<16xf32>
      %mul3A_989 = arith.mulf %mul3A_988, %get3A_13 : vector<16xf32>
      %add3A_990 = arith.addf %add3A_987, %mul3A_989 : vector<16xf32>
      %add3A_991 = arith.addf %add3A_990, %get3A_17 : vector<16xf32>
      %mul3A_992 = vector.broadcast %squeeze3A_970 : f32 to vector<16xf32>
      %mul3A_993 = arith.mulf %mul3A_992, %get3A_7 : vector<16xf32>
      %add3A_994 = arith.addf %gather3A_981, %mul3A_993 : vector<16xf32>
      %mul3A_995 = vector.broadcast %squeeze3A_972 : f32 to vector<16xf32>
      %mul3A_996 = arith.mulf %mul3A_995, %get3A_11 : vector<16xf32>
      %add3A_997 = arith.addf %add3A_994, %mul3A_996 : vector<16xf32>
      %mul3A_998 = vector.broadcast %squeeze3A_974 : f32 to vector<16xf32>
      %mul3A_999 = arith.mulf %mul3A_998, %get3A_15 : vector<16xf32>
      %add3A_1000 = arith.addf %add3A_997, %mul3A_999 : vector<16xf32>
      %add3A_1001 = arith.addf %add3A_1000, %get3A_19 : vector<16xf32>
      %swap3A_1002 = arith.index_cast %add3A_833 : i32 to index
      %swap3A_1003 = arith.constant 96 : index
      %swap3A_1004 = tpu.vector_load %arg9[%swap3A_1002, %swap3A_1003] {strides = array<i32>} : memref<128x128xf32, #tpu.memory_space<vmem>>, vector<16xf32>,
      tpu.vector_store %arg9[%swap3A_1002, %swap3A_1003], %add3A_991 {strides = array<i32>} : memref<128x128xf32, #tpu.memory_space<vmem>>, vector<16xf32>,
      %swap3A_1005 = arith.index_cast %add3A_833 : i32 to index
      %swap3A_1006 = arith.constant 112 : index
      %swap3A_1007 = tpu.vector_load %arg9[%swap3A_1005, %swap3A_1006] {strides = array<i32>} : memref<128x128xf32, #tpu.memory_space<vmem>>, vector<16xf32>,
      tpu.vector_store %arg9[%swap3A_1005, %swap3A_1006], %add3A_1001 {strides = array<i32>} : memref<128x128xf32, #tpu.memory_space<vmem>>, vector<16xf32>,
      %add3A_1008 = arith.constant 4 : i32
      %add3A_1009 = arith.addi %add3A_833, %add3A_1008 : i32
      %lt3A_1010 = arith.constant 128 : i32
      %lt3A_1011 = arith.cmpi slt, %add3A_1009, %lt3A_1010 : i32
      %convert_element_type3A_1012 = arith.extui %lt3A_1011 : i1 to i32
      %cond3A_1013 = arith.constant 0 : i32
      %cond3A_1014 = arith.cmpi ne, %convert_element_type3A_1012, %cond3A_1013 : i32
      scf.if %cond3A_1014 {
        %add3A_1016 = arith.constant 1 : i32
        %add3A_1017 = arith.addi %scan3A_262, %add3A_1016 : i32
        %mul3A_1018 = arith.constant 16 : i32
        %mul3A_1019 = arith.muli %add3A_1017, %mul3A_1018 : i32
        %get3A_1020 = arith.index_cast %mul3A_1019 : i32 to index
        %get3A_1021 = tpu.vector_load %arg7[%get3A_1020] {strides = array<i32>} : memref<512xi32, #tpu.memory_space<vmem>>, vector<16xi32>,
        %shift_right_logical3A_1022 = arith.constant 7 : i32
        %shift_right_logical3A_1023 = vector.broadcast %shift_right_logical3A_1022 : i32 to vector<16xi32>
        %shift_right_logical3A_1024 = arith.shrui %get3A_1021, %shift_right_logical3A_1023 : vector<16xi32>
        %shift_left3A_1025 = arith.constant 7 : i32
        %shift_left3A_1026 = vector.broadcast %shift_left3A_1025 : i32 to vector<16xi32>
        %shift_left3A_1027 = arith.shli %shift_right_logical3A_1024, %shift_left3A_1026 : vector<16xi32>
        %slice3A_1028 = vector.extract_strided_slice %shift_left3A_1027 {offsets = [12], sizes = [1], strides = [1]} : vector<16xi32> to vector<1xi32>
        %squeeze3A_1029 = vector.extract %slice3A_1028[0] : i32 from vector<1xi32>
        %multiple_of3A_1030 = tpu.assume_multiple %squeeze3A_1029, 128 : i32
        %dma_start3A_1031 = arith.constant 96 : i32
        %dma_start3A_1032 = arith.constant 0 : i32
        %dma_start3A_1033 = tpu.memref_slice %arg8[%dma_start3A_1031, %dma_start3A_1032] : memref<128x512xf32, #tpu.memory_space<vmem>> -> memref<32x128xf32, #tpu.memory_space<vmem>>
        %dma_start3A_1034 = arith.constant 0 : i32
        %dma_start3A_1035 = tpu.memref_slice %arg4[%dma_start3A_1034, %multiple_of3A_1030] : memref<32x1000000xf32, #tpu.memory_space<hbm>> -> memref<32x128xf32, #tpu.memory_space<hbm>>
        %dma_start3A_1036 = arith.constant 96 : i32
        %dma_start3A_1037 = arith.constant 0 : i32
        %dma_start3A_1038 = tpu.memref_slice %arg8[%dma_start3A_1036, %dma_start3A_1037] : memref<128x512xf32, #tpu.memory_space<vmem>> -> memref<32x128xf32, #tpu.memory_space<vmem>>
        %dma_start3A_1039 = arith.constant 0 : i32
        %dma_start3A_1040 = tpu.memref_slice %arg4[%dma_start3A_1039, %multiple_of3A_1030] : memref<32x1000000xf32, #tpu.memory_space<hbm>> -> memref<32x128xf32, #tpu.memory_space<hbm>>
        tpu.enqueue_dma source(%dma_start3A_1040 : memref<32x128xf32, #tpu.memory_space<hbm>>) target(%dma_start3A_1038 : memref<32x128xf32, #tpu.memory_space<vmem>>) target_semaphore(%arg15 : memref<!tpu.dma_semaphore, #tpu.memory_space<semaphore_mem>>)
        %slice3A_1041 = vector.extract_strided_slice %shift_left3A_1027 {offsets = [13], sizes = [1], strides = [1]} : vector<16xi32> to vector<1xi32>
        %squeeze3A_1042 = vector.extract %slice3A_1041[0] : i32 from vector<1xi32>
        %multiple_of3A_1043 = tpu.assume_multiple %squeeze3A_1042, 128 : i32
        %dma_start3A_1044 = arith.constant 96 : i32
        %dma_start3A_1045 = arith.constant 128 : i32
        %dma_start3A_1046 = tpu.memref_slice %arg8[%dma_start3A_1044, %dma_start3A_1045] : memref<128x512xf32, #tpu.memory_space<vmem>> -> memref<32x128xf32, #tpu.memory_space<vmem>>
        %dma_start3A_1047 = arith.constant 0 : i32
        %dma_start3A_1048 = tpu.memref_slice %arg4[%dma_start3A_1047, %multiple_of3A_1043] : memref<32x1000000xf32, #tpu.memory_space<hbm>> -> memref<32x128xf32, #tpu.memory_space<hbm>>
        %dma_start3A_1049 = arith.constant 96 : i32
        %dma_start3A_1050 = arith.constant 128 : i32
        %dma_start3A_1051 = tpu.memref_slice %arg8[%dma_start3A_1049, %dma_start3A_1050] : memref<128x512xf32, #tpu.memory_space<vmem>> -> memref<32x128xf32, #tpu.memory_space<vmem>>
        %dma_start3A_1052 = arith.constant 0 : i32
        %dma_start3A_1053 = tpu.memref_slice %arg4[%dma_start3A_1052, %multiple_of3A_1043] : memref<32x1000000xf32, #tpu.memory_space<hbm>> -> memref<32x128xf32, #tpu.memory_space<hbm>>
        tpu.enqueue_dma source(%dma_start3A_1053 : memref<32x128xf32, #tpu.memory_space<hbm>>) target(%dma_start3A_1051 : memref<32x128xf32, #tpu.memory_space<vmem>>) target_semaphore(%arg15 : memref<!tpu.dma_semaphore, #tpu.memory_space<semaphore_mem>>)
        %slice3A_1054 = vector.extract_strided_slice %shift_left3A_1027 {offsets = [14], sizes = [1], strides = [1]} : vector<16xi32> to vector<1xi32>
        %squeeze3A_1055 = vector.extract %slice3A_1054[0] : i32 from vector<1xi32>
        %multiple_of3A_1056 = tpu.assume_multiple %squeeze3A_1055, 128 : i32
        %dma_start3A_1057 = arith.constant 96 : i32
        %dma_start3A_1058 = arith.constant 256 : i32
        %dma_start3A_1059 = tpu.memref_slice %arg8[%dma_start3A_1057, %dma_start3A_1058] : memref<128x512xf32, #tpu.memory_space<vmem>> -> memref<32x128xf32, #tpu.memory_space<vmem>>
        %dma_start3A_1060 = arith.constant 0 : i32
        %dma_start3A_1061 = tpu.memref_slice %arg4[%dma_start3A_1060, %multiple_of3A_1056] : memref<32x1000000xf32, #tpu.memory_space<hbm>> -> memref<32x128xf32, #tpu.memory_space<hbm>>
        %dma_start3A_1062 = arith.constant 96 : i32
        %dma_start3A_1063 = arith.constant 256 : i32
        %dma_start3A_1064 = tpu.memref_slice %arg8[%dma_start3A_1062, %dma_start3A_1063] : memref<128x512xf32, #tpu.memory_space<vmem>> -> memref<32x128xf32, #tpu.memory_space<vmem>>
        %dma_start3A_1065 = arith.constant 0 : i32
        %dma_start3A_1066 = tpu.memref_slice %arg4[%dma_start3A_1065, %multiple_of3A_1056] : memref<32x1000000xf32, #tpu.memory_space<hbm>> -> memref<32x128xf32, #tpu.memory_space<hbm>>
        tpu.enqueue_dma source(%dma_start3A_1066 : memref<32x128xf32, #tpu.memory_space<hbm>>) target(%dma_start3A_1064 : memref<32x128xf32, #tpu.memory_space<vmem>>) target_semaphore(%arg15 : memref<!tpu.dma_semaphore, #tpu.memory_space<semaphore_mem>>)
        %slice3A_1067 = vector.extract_strided_slice %shift_left3A_1027 {offsets = [15], sizes = [1], strides = [1]} : vector<16xi32> to vector<1xi32>
        %squeeze3A_1068 = vector.extract %slice3A_1067[0] : i32 from vector<1xi32>
        %multiple_of3A_1069 = tpu.assume_multiple %squeeze3A_1068, 128 : i32
        %dma_start3A_1070 = arith.constant 96 : i32
        %dma_start3A_1071 = arith.constant 384 : i32
        %dma_start3A_1072 = tpu.memref_slice %arg8[%dma_start3A_1070, %dma_start3A_1071] : memref<128x512xf32, #tpu.memory_space<vmem>> -> memref<32x128xf32, #tpu.memory_space<vmem>>
        %dma_start3A_1073 = arith.constant 0 : i32
        %dma_start3A_1074 = tpu.memref_slice %arg4[%dma_start3A_1073, %multiple_of3A_1069] : memref<32x1000000xf32, #tpu.memory_space<hbm>> -> memref<32x128xf32, #tpu.memory_space<hbm>>
        %dma_start3A_1075 = arith.constant 96 : i32
        %dma_start3A_1076 = arith.constant 384 : i32
        %dma_start3A_1077 = tpu.memref_slice %arg8[%dma_start3A_1075, %dma_start3A_1076] : memref<128x512xf32, #tpu.memory_space<vmem>> -> memref<32x128xf32, #tpu.memory_space<vmem>>
        %dma_start3A_1078 = arith.constant 0 : i32
        %dma_start3A_1079 = tpu.memref_slice %arg4[%dma_start3A_1078, %multiple_of3A_1069] : memref<32x1000000xf32, #tpu.memory_space<hbm>> -> memref<32x128xf32, #tpu.memory_space<hbm>>
        tpu.enqueue_dma source(%dma_start3A_1079 : memref<32x128xf32, #tpu.memory_space<hbm>>) target(%dma_start3A_1077 : memref<32x128xf32, #tpu.memory_space<vmem>>) target_semaphore(%arg15 : memref<!tpu.dma_semaphore, #tpu.memory_space<semaphore_mem>>)
      } else {
      }
      %scan3A_1015 = arith.constant 0 : i32
      scf.yield %scan3A_1015 : i32
    }
    %scan3A_259 = arith.constant 32 : i32
    %mul3A_260 = arith.constant 128 : i32
    %mul3A_261 = arith.muli %add3A, %mul3A_260 : i32
    "tpu.region"() ({
      %run_scoped3A = tpu.sem_alloc : memref<!tpu.dma_semaphore, #tpu.memory_space<semaphore_mem>>
      %dma_start3A_262 = arith.constant 0 : i32
      %dma_start3A_263 = tpu.memref_slice %arg6[%mul3A_261, %dma_start3A_262] : memref<4096x128xf32, #tpu.memory_space<hbm>> -> memref<128x128xf32, #tpu.memory_space<hbm>>
      %dma_start3A_264 = arith.constant 0 : i32
      %dma_start3A_265 = tpu.memref_slice %arg6[%mul3A_261, %dma_start3A_264] : memref<4096x128xf32, #tpu.memory_space<hbm>> -> memref<128x128xf32, #tpu.memory_space<hbm>>
      tpu.enqueue_dma source(%arg9 : memref<128x128xf32, #tpu.memory_space<vmem>>) target(%dma_start3A_265 : memref<128x128xf32, #tpu.memory_space<hbm>>) target_semaphore(%run_scoped3A : memref<!tpu.dma_semaphore, #tpu.memory_space<semaphore_mem>>)
      %dma_wait3A = arith.constant 0 : i32
      %dma_wait3A_266 = tpu.memref_slice %arg6[%mul3A_261, %dma_wait3A] : memref<4096x128xf32, #tpu.memory_space<hbm>> -> memref<128x128xf32, #tpu.memory_space<hbm>>
      %dma_wait3A_267 = arith.constant 0 : i32
      %dma_wait3A_268 = tpu.memref_slice %arg6[%mul3A_261, %dma_wait3A_267] : memref<4096x128xf32, #tpu.memory_space<hbm>> -> memref<128x128xf32, #tpu.memory_space<hbm>>
      tpu.wait_dma2 semaphore(%run_scoped3A : memref<!tpu.dma_semaphore, #tpu.memory_space<semaphore_mem>>) src(%arg9 : memref<128x128xf32, #tpu.memory_space<vmem>>) dst(%dma_wait3A_268 : memref<128x128xf32, #tpu.memory_space<hbm>>)
      tpu.yield
    }) : () -> ()
    return
  }
}

</mosaic_0001>

<sc_bundles>
// kernel: kernel.3.cloned.1.call-start
scs
__scs_entry_jumppad:
0x0: {  	(pc) =	sbr.rel $0x88, $3  }
0x1: {  	(tag) =	ssettag $0x0;
	lr =	simm.s32 $0x1  }
0x2: {  	[smem:$0x3F9C] =	sst lr;
	_ =	strace $0xD0000000  }
0x3: {  	_ = 	snop  }
0x4: {  	_ = 	snop  }
0x5: {  	_ = 	snop  }
0x6: {  	_ = 	snop  }
0x7: {  	_ = 	snop  }
__scs_overlays_trampoline_lowered:
0x8: {  	[smem:$0x3FAB] =	sst s0  }
0x9: {  	[smem:$0x3FAC] =	sst s1  }
0xa: {  	[smem:$0x3FAD] =	sst s2  }
0xb: {  	[smem:$0x3FAE] =	sst s3  }
0xc: {  	[smem:$0x3FAF] =	sst s4  }
0xd: {  	[smem:$0x3FB0] =	sst s5  }
0xe: {  	[smem:$0x3FB1] =	sst s6  }
0xf: {  	[smem:$0x3FB2] =	sst s7  }
0x10: {  	[smem:$0x3FB3] =	sst s8  }
0x11: {  	[smem:$0x3FB4] =	sst s9;
	s0 =	simm.s32 @!p0 $0x0  }
0x12: {  	s1 =	sld [smem:$0x3F9A];
	s0 =	simm.s32 @p0 $0x1  }
0x13: {  	[smem:$0x3FB5] =	sst s0;
	s0 =	simm.s32 @!p1 $0x0  }
0x14: {  	s2 =	sld [smem:$0x3F99];
	s0 =	simm.s32 @p1 $0x1  }
0x15: {  	[smem:$0x3FB6] =	sst s0;
	s0 =	simm.s32 @!p2 $0x0  }
0x16: {  	s3 =	sld [smem:$0x3FDB];
	s0 =	simm.s32 @p2 $0x1  }
0x17: {  	s4 =	simm.s32 $0x1BF5;
	[smem:$0x3FB8] =	sst s0  }
0x18: {  	s0 =	sld [smem:$0x3F9B];
	_ =	swait.ge [sflag:s4], $0x0  }
0x19: {  	s7 =	sld [smem:$0x3F9C]  }
0x1a: {  	s8 =	sadd.s32 $0xFFFFE003, lr  }
0x1b: {  	s9 =	sadd.s32 $0xFFFFFEF7, lr;
	s5 =	simm.s32 $0xFFFFFFFF;
	p2 =	slt.u32 s8, $0xFFFFF086  }
0x1c: {  	p1 =	slt.u32 s9, $0xF7A;
	s5 =	simm.s32 @!p2 $0x0  }
0x1d: {  	s5 =	simm.s32 @p1 $0x1;
	p0 =	seq.s32 s7, s2  }
0x1e: {  	s7 =	smul.u32 @!p0 $0xF7A, s2;
	p2 =	seq.s32 @!p0 s5, $0x0  }
0x1f: {  	s9 =	smul.u32 $0xF7A, s1;
	s8 =	simm.s32 @!p0 $0x1BF5;
	p2 =	por !p2, p0  }
0x20: {  	[sflag:s8] =	ssyncset.s32 @!p0 $0xFFFFF086;
	s6 =	sadd.s32 @!p0 s3, s7;
	s7 =	simm.s32 @!p0 $0x108  }
0x21: {  	s3 =	sadd.s32 s3, s9;
	s6 =	sadd.s32 @!p0 $0x88, s6;
	s7 =	simm.s32 @p2 $0x1082  }
0x22: {  	[simem:s7], [sflag:s8] =	dma.local @!p0 [hbm:s6], $0xF7A  }
0x23: {  	s9 =	sor.u32 $0xD0000000, s2;
	s6 =	simm.s32 $0x108;
	_ =	swait.ge @!p0 [sflag:s8], $0x0  }
0x24: {  	s3 =	sadd.s32 $0x88, s3;
	s6 =	simm.s32 @!p1 $0x1082;
	[sflag:s4] =	ssyncset.s32 $0xFFFFF086  }
0x25: {  	[simem:s6], [sflag:s4] =	dma.local [hbm:s3], $0xF7A  }
0x26: {  	[smem:$0x3F9C] =	sst s1;
	(tag) =	ssettag s2;
	_ =	strace s9  }
0x27: {  	s1 =	sld [smem:$0x3FAC]  }
0x28: {  	s2 =	sld [smem:$0x3FAD]  }
0x29: {  	s4 =	sld [smem:$0x3FAF]  }
0x2a: {  	p0 =	seq.s32 s5, $0x0;
	s5 =	sld [smem:$0x3FB0]  }
0x2b: {  	s6 =	sld [smem:$0x3FB1]  }
0x2c: {  	s7 =	sld [smem:$0x3FB2]  }
0x2d: {  	s3 =	simm.s32 $0x108;
	s8 =	sld [smem:$0x3FB3]  }
0x2e: {  	s3 =	simm.s32 @!p0 $0x1082;
	s9 =	sld [smem:$0x3FB4]  }
0x2f: {  	lr =	sadd.s32 s0, s3;
	s0 =	sld [smem:$0x3FAB]  }
0x30: {  	s3 =	sld [smem:$0x3FAE]  }
0x31: {  	[smem:$0x3FB7] =	sst s10  }
0x32: {  	s10 =	sld [smem:$0x3FB5];
	_ =	sdelay $0x3  }
0x33: {  	p0 =	seq.s32 s10, $0x1;
	s10 =	sld [smem:$0x3FB7];
	_ =	sdelay $0x3  }
0x34: {  	[smem:$0x3FB7] =	sst s10  }
0x35: {  	s10 =	sld [smem:$0x3FB6];
	_ =	sdelay $0x3  }
0x36: {  	p1 =	seq.s32 s10, $0x1;
	s10 =	sld [smem:$0x3FB7];
	_ =	sdelay $0x3  }
0x37: {  	[smem:$0x3FB7] =	sst s10  }
0x38: {  	s10 =	sld [smem:$0x3FB8]  }
0x39: {  	_ = 	snop;
	(pc) =	sbr.ind lr, $3  }
0x3a: {  	_ = 	snop  }
0x3b: {  	_ = 	snop  }
0x3c: {  	p2 =	seq.s32 s10, $0x1;
	s10 =	sld [smem:$0x3FB7]  }
0x3d: {  	_ =	shalt  }
0x3e: {  	_ =	shalt  }
0x3f: {  	_ =	shalt  }
0x40: {  	_ =	shalt  }
0x41: {  	_ =	shalt  }
0x42: {  	_ =	shalt  }
0x43: {  	_ =	shalt  }
0x44: {  	_ =	shalt  }
0x45: {  	_ =	shalt  }
0x46: {  	_ =	shalt  }
0x47: {  	_ =	shalt  }
0x48: {  	_ =	shalt  }
0x49: {  	_ =	shalt  }
0x4a: {  	_ =	shalt  }
0x4b: {  	_ =	shalt  }
0x4c: {  	_ =	shalt  }
0x4d: {  	_ =	shalt  }
0x4e: {  	_ =	shalt  }
0x4f: {  	_ =	shalt  }
0x50: {  	_ =	shalt  }
0x51: {  	_ =	shalt  }
0x52: {  	_ =	shalt  }
0x53: {  	_ =	shalt  }
0x54: {  	_ =	shalt  }
0x55: {  	_ =	shalt  }
0x56: {  	_ =	shalt  }
0x57: {  	_ =	shalt  }
0x58: {  	_ =	shalt  }
0x59: {  	_ =	shalt  }
0x5a: {  	_ =	shalt  }
0x5b: {  	_ =	shalt  }
0x5c: {  	_ =	shalt  }
0x5d: {  	_ =	shalt  }
0x5e: {  	_ =	shalt  }
0x5f: {  	_ =	shalt  }
0x60: {  	_ =	shalt  }
0x61: {  	_ =	shalt  }
0x62: {  	_ =	shalt  }
0x63: {  	_ =	shalt  }
0x64: {  	_ =	shalt  }
0x65: {  	_ =	shalt  }
0x66: {  	_ =	shalt  }
0x67: {  	_ =	shalt  }
0x68: {  	_ =	shalt  }
0x69: {  	_ =	shalt  }
0x6a: {  	_ =	shalt  }
0x6b: {  	_ =	shalt  }
0x6c: {  	_ =	shalt  }
0x6d: {  	_ =	shalt  }
0x6e: {  	_ =	shalt  }
0x6f: {  	_ =	shalt  }
0x70: {  	_ =	shalt  }
0x71: {  	_ =	shalt  }
0x72: {  	_ =	shalt  }
0x73: {  	_ =	shalt  }
0x74: {  	_ =	shalt  }
0x75: {  	_ =	shalt  }
0x76: {  	_ =	shalt  }
0x77: {  	_ =	shalt  }
0x78: {  	_ =	shalt  }
0x79: {  	_ =	shalt  }
0x7a: {  	_ =	shalt  }
0x7b: {  	_ =	shalt  }
0x7c: {  	_ =	shalt  }
0x7d: {  	_ =	shalt  }
0x7e: {  	_ =	shalt  }
0x7f: {  	_ =	shalt  }
0x80: {  	_ =	shalt  }
0x81: {  	_ =	shalt  }
0x82: {  	_ =	shalt  }
0x83: {  	_ =	shalt  }
0x84: {  	_ =	shalt  }
0x85: {  	_ =	shalt  }
0x86: {  	_ =	shalt  }
0x87: {  	_ =	shalt  }
.Lfunc_end0:
.L_simem_size_0:
called_computation_lowered:
.L_overlay_start_0:
0x88: {  	s2 =	sld [smem:$0x3FD9]  }
0x89: {  	s3 =	sld [smem:$0x3FFE];
	_ =	sdelay $0x1  }
0x8a: {  	s1 =	srdreg.scid  }
0x8b: {  	s0 =	sand.u32 $0x1, s1  }
0x8c: {  	s17 =	sshll.u32 s0, $0xA;
	s2 =	sadd.s32 s3, s2  }
0x8d: {  	s2 =	sadd.s32 s2, s17  }
0x8e: {  	[smem:$0x3FC3] =	sst s2  }
0x8f: {  	_ = 	snop  }
0x90: {  	s2 =	sld [smem:$0x3FC9]  }
0x91: {  	s18 =	sld [smem:$0x3FC7]  }
0x92: {  	s4 =	sld [smem:$0x3FD0];
	(tm) =	ssettm $0x1  }
0x93: {  	s5 =	sld [smem:$0x3FFB];
	_ =	sdelay $0x3  }
0x94: {  	_ =	strace s5  }
0x95: {  	s5 =	sld [smem:$0x3FFC];
	_ =	sdelay $0x3  }
0x96: {  	_ =	strace s5  }
0x97: {  	s5 =	sld [smem:$0x3FFD];
	_ =	sdelay $0x3  }
0x98: {  	_ =	strace s5  }
0x99: {  	_ =	strace $0x8FFFFFFF  }
0x9a: {  	s19 =	sld [smem:$0x3FDB];
	_ =	sdelay $0x1  }
0x9b: {  	s6 =	simm.s32 $_scs_section_size  }
0x9c: {  	s7 =	simm.s32 $_size__tile_overlayer_lowered;
	s8 =	simm.s32 $_tile_overlayer_lowered  }
0x9d: {  	s22 =	simm.s32 $0x1BFF;
	s21 =	sshll.u32 s8, $0x1;
	s5 =	sadd.s32 s6, s19  }
0x9e: {  	s9 =	simm.s32 $0x0;
	s20 =	sshll.u32 s7, $0x1;
	s7 =	sadd.s32 s21, s5  }
0x9f: {  	[timem:s9], [sflag:s22] =	dma.local [hbm:s7], s20  }
0xa0: {  	_ =	swait.ge [sflag:s22], s20  }
0xa1: {  	s6 =	ssub.s32 $0x0, s20;
	[sflag:s22] =	ssyncset.done $0x0  }
0xa2: {  	[sflag:s22] =	ssyncadd.s32 s6;
	_ =	sdelay $0x1  }
0xa3: {  	s23 =	simm.s32 $0x1B8B  }
0xa4: {  	_ =	swait.ge [sflag:s23], $0x1  }
0xa5: {  	[sflag:s23] =	ssyncset.done $0x0  }
0xa6: {  	s25 =	simm.s32 $0x1B8E;
	s24 =	sld [smem:$0x3FFE];
	[sflag:s23] =	ssyncadd.s32 $0xFFFFFFFF  }
0xa7: {  	s26 =	simm.s32 $execute0_lowered;
	[smem:$0x3FD2] =	sst s25  }
0xa8: {  	s7 =	sshll.u32 s26, $0x1;
	_ =	strace $0x80000046;
	[dreg:$0x1] =	wrdreg $0xFFFFFFFF  }
0xa9: {  	s28 =	simm.s32 $_size_execute0_lowered;
	s5 =	sadd.s32 s5, s7;
	[dreg:$0x0] =	wrdreg $0x0  }
0xaa: {  	s7 =	sshll.u32 s28, $0x1;
	[dreg:$0x2] =	wrdreg s5  }
0xab: {  	[dreg:$0x3] =	wrdreg s7  }
0xac: {  	[dreg:$0x4] =	wrdreg $0xC0  }
0xad: {  	_ =	task [dreg:s9], $0x5FFFF  }
0xae: {  	[dreg:$0x1] =	wrdreg $0xFFFFFFFF  }
0xaf: {  	[dreg:$0x0] =	wrdreg $0x60  }
0xb0: {  	[dreg:$0x2] =	wrdreg s2  }
0xb1: {  	[dreg:$0x3] =	wrdreg s24  }
0xb2: {  	[dreg:$0x4] =	wrdreg s18  }
0xb3: {  	[dreg:$0x5] =	wrdreg s4  }
0xb4: {  	[dreg:$0x6] =	wrdreg $0x9  }
0xb5: {  	_ =	task.clear_ibuf [dreg:s9], $0x7FFFF;
	_ =	strace $0x90000046  }
0xb6: {  	s29 =	simm.s32 $0x9;
	_ =	strace $0x80000048  }
0xb7: {  	_ =	swait.ge [sflag:s29], $0x1  }
0xb8: {  	[sflag:s29] =	ssyncadd.s32 $0xFFFFFFFF  }
0xb9: {  	_ =	strace $0x90000048  }
0xba: {  	_ =	sfence  }
0xbb: {  	s30 =	sld [smem:$0x0];
	_ =	sdelay $0x2  }
0xbc: {  	s31 =	sshll.u32 s1, $0xD;
	s1 =	sshrl.u32 s1, $0x2  }
0xbd: {  	s3 =	sand.u32 $0x4000, s31;
	s1 =	sadd.s32 s1, s30  }
0xbe: {  	s0 =	sor.u32 s3, s0;
	s1 =	sshll.u32 s1, $0x11  }
0xbf: {  	s0 =	sor.u32 s1, s0  }
0xc0: {  	s0 =	sadd.s32 $0x8F2B, s0  }
0xc1: {  	[sflag:s0] =	ssyncadd.remote.s32 $0x1  }
0xc2: {  	_ =	sfence.sel $0xFFFF  }
0xc3: {  	[dreg:$0x0] =	wrdreg $0xFFFFFFFF;
	(pc) =	sbr.abs _section_cstart, $3  }
0xc4: {  	[dreg:$0x1] =	wrdreg $0xFFFFFFFF  }
0xc5: {  	_ =	task.clear_ibuf [dreg:s9], $0x2FFFF;
	_ =	strace $0x9FFFFFFF  }
0xc6: {  	(tm) =	ssettm $0x7FFFFFFF  }
0xc7: {  	_ =	shalt  }
tec
execute0_lowered:
.L_overlay_start_1:
0x0: {  	(tag) =	ssettag $0x1  }
0x1: {  	v0 =	vimm.s32 $0x1380;
	vm14 =	vcmask $0x300  }
0x2: {  	v1 =	vimm.s32 $0x3380;
	vm13 =	vcmask $0x704;
	vm12 =	vcmask $0xB08  }
0x3: {  	vm11 =	vcmask $0xF0C;
	vm10 =	vcmask $0x1310;
	vm9 =	vcmask $0x1714  }
0x4: {  	vm8 =	vcmask $0x1B18;
	vm7 =	vcmask $0x1F1C;
	vm6 =	vcmask $0x2320  }
0x5: {  	vm5 =	vcmask $0x2724;
	vm4 =	vcmask $0x2B28;
	vm3 =	vcmask $0x2F2C  }
0x6: {  	vm2 =	vcmask $0x3330;
	vm1 =	vcmask $0x3734;
	vm0 =	vcmask $0x3B38  }
0x7: {  	v2 =	vimm.s32 $0x1780;
	v3 =	vimm.s32 $0x3780;
	v4 =	vimm.s32 $0x1B80  }
0x8: {  	v5 =	vimm.s32 $0x3B80;
	v6 =	vimm.s32 $0x1F80;
	v7 =	vimm.s32 $0x3F80  }
0x9: {  	v8 =	vimm.s32 $0x5380;
	v9 =	vimm.s32 $0x7380;
	v10 =	vimm.s32 $0x5780  }
0xa: {  	v11 =	vimm.s32 $0x7780;
	v12 =	vimm.s32 $0x5B80;
	v13 =	vimm.s32 $0x7B80  }
0xb: {  	v14 =	vimm.s32 $0x5F80;
	v15 =	vimm.s32 $0x7F80;
	v16 =	vimm.s32 $0x9380  }
0xc: {  	v17 =	vimm.s32 $0xB380;
	v18 =	vimm.s32 $0x9780;
	v19 =	vimm.s32 $0xB780  }
0xd: {  	v20 =	vimm.s32 $0x9B80;
	v21 =	vimm.s32 $0xBB80;
	v22 =	vimm.s32 $0x9F80  }
0xe: {  	v23 =	vimm.s32 $0xBF80;
	v24 =	vimm.s32 $0xD380;
	v25 =	vimm.s32 $0xF380  }
0xf: {  	v26 =	vimm.s32 $0xD780;
	v27 =	vimm.s32 $0xF780;
	v28 =	vimm.s32 $0xDB80  }
0x10: {  	v29 =	vimm.s32 $0xFB80;
	v30 =	vimm.s32 $0xDF80;
	v31 =	vimm.s32 $0xFF80  }
0x11: {  	v0 =	vsel vm14, $0x0, v0;
	v1 =	vsel vm14, $0x2000, v1;
	v2 =	vsel vm14, $0x400, v2  }
0x12: {  	v3 =	vsel vm14, $0x2400, v3;
	v4 =	vsel vm14, $0x800, v4;
	v5 =	vsel vm14, $0x2800, v5  }
0x13: {  	v6 =	vsel vm14, $0xC00, v6;
	v7 =	vsel vm14, $0x2C00, v7;
	v8 =	vsel vm14, $0x4000, v8  }
0x14: {  	v9 =	vsel vm14, $0x6000, v9;
	v10 =	vsel vm14, $0x4400, v10;
	v11 =	vsel vm14, $0x6400, v11  }
0x15: {  	v12 =	vsel vm14, $0x4800, v12;
	v13 =	vsel vm14, $0x6800, v13;
	v14 =	vsel vm14, $0x4C00, v14  }
0x16: {  	v15 =	vsel vm14, $0x6C00, v15;
	v16 =	vsel vm14, $0x8000, v16;
	v17 =	vsel vm14, $0xA000, v17  }
0x17: {  	v18 =	vsel vm14, $0x8400, v18;
	v19 =	vsel vm14, $0xA400, v19;
	v20 =	vsel vm14, $0x8800, v20  }
0x18: {  	v21 =	vsel vm14, $0xA800, v21;
	v22 =	vsel vm14, $0x8C00, v22;
	v23 =	vsel vm14, $0xAC00, v23  }
0x19: {  	v24 =	vsel vm14, $0xC000, v24;
	v25 =	vsel vm14, $0xE000, v25;
	v26 =	vsel vm14, $0xC400, v26  }
0x1a: {  	v27 =	vsel vm14, $0xE400, v27;
	v28 =	vsel vm14, $0xC800, v28;
	v29 =	vsel vm14, $0xE800, v29  }
0x1b: {  	v30 =	vsel vm14, $0xCC00, v30;
	v31 =	vsel vm14, $0xEC00, v31;
	v0 =	vsel vm13, $0x80, v0  }
0x1c: {  	v1 =	vsel vm13, $0x2080, v1;
	v2 =	vsel vm13, $0x480, v2;
	v3 =	vsel vm13, $0x2480, v3  }
0x1d: {  	v4 =	vsel vm13, $0x880, v4;
	v5 =	vsel vm13, $0x2880, v5;
	v6 =	vsel vm13, $0xC80, v6  }
0x1e: {  	v7 =	vsel vm13, $0x2C80, v7;
	v8 =	vsel vm13, $0x4080, v8;
	v9 =	vsel vm13, $0x6080, v9  }
0x1f: {  	v10 =	vsel vm13, $0x4480, v10;
	v11 =	vsel vm13, $0x6480, v11;
	v12 =	vsel vm13, $0x4880, v12  }
0x20: {  	v13 =	vsel vm13, $0x6880, v13;
	v14 =	vsel vm13, $0x4C80, v14;
	v15 =	vsel vm13, $0x6C80, v15  }
0x21: {  	v16 =	vsel vm13, $0x8080, v16;
	v17 =	vsel vm13, $0xA080, v17;
	v18 =	vsel vm13, $0x8480, v18  }
0x22: {  	v19 =	vsel vm13, $0xA480, v19;
	v20 =	vsel vm13, $0x8880, v20;
	v21 =	vsel vm13, $0xA880, v21  }
0x23: {  	v22 =	vsel vm13, $0x8C80, v22;
	v23 =	vsel vm13, $0xAC80, v23;
	v24 =	vsel vm13, $0xC080, v24  }
0x24: {  	v25 =	vsel vm13, $0xE080, v25;
	v26 =	vsel vm13, $0xC480, v26;
	v27 =	vsel vm13, $0xE480, v27  }
0x25: {  	v28 =	vsel vm13, $0xC880, v28;
	v29 =	vsel vm13, $0xE880, v29;
	v30 =	vsel vm13, $0xCC80, v30  }
0x26: {  	v31 =	vsel vm13, $0xEC80, v31;
	v0 =	vsel vm12, $0x100, v0;
	v1 =	vsel vm12, $0x2100, v1  }
0x27: {  	v2 =	vsel vm12, $0x500, v2;
	v3 =	vsel vm12, $0x2500, v3;
	v4 =	vsel vm12, $0x900, v4  }
0x28: {  	v5 =	vsel vm12, $0x2900, v5;
	v6 =	vsel vm12, $0xD00, v6;
	v7 =	vsel vm12, $0x2D00, v7  }
0x29: {  	v8 =	vsel vm12, $0x4100, v8;
	v9 =	vsel vm12, $0x6100, v9;
	v10 =	vsel vm12, $0x4500, v10  }
0x2a: {  	v11 =	vsel vm12, $0x6500, v11;
	v12 =	vsel vm12, $0x4900, v12;
	v13 =	vsel vm12, $0x6900, v13  }
0x2b: {  	v14 =	vsel vm12, $0x4D00, v14;
	v15 =	vsel vm12, $0x6D00, v15;
	v16 =	vsel vm12, $0x8100, v16  }
0x2c: {  	v17 =	vsel vm12, $0xA100, v17;
	v18 =	vsel vm12, $0x8500, v18;
	v19 =	vsel vm12, $0xA500, v19  }
0x2d: {  	v20 =	vsel vm12, $0x8900, v20;
	v21 =	vsel vm12, $0xA900, v21;
	v22 =	vsel vm12, $0x8D00, v22  }
0x2e: {  	v23 =	vsel vm12, $0xAD00, v23;
	v24 =	vsel vm12, $0xC100, v24;
	v25 =	vsel vm12, $0xE100, v25  }
0x2f: {  	v26 =	vsel vm12, $0xC500, v26;
	v27 =	vsel vm12, $0xE500, v27;
	v28 =	vsel vm12, $0xC900, v28  }
0x30: {  	v29 =	vsel vm12, $0xE900, v29;
	v30 =	vsel vm12, $0xCD00, v30;
	v31 =	vsel vm12, $0xED00, v31  }
0x31: {  	v0 =	vsel vm11, $0x180, v0;
	v1 =	vsel vm11, $0x2180, v1;
	v2 =	vsel vm11, $0x580, v2  }
0x32: {  	v3 =	vsel vm11, $0x2580, v3;
	v4 =	vsel vm11, $0x980, v4;
	v5 =	vsel vm11, $0x2980, v5  }
0x33: {  	v6 =	vsel vm11, $0xD80, v6;
	v7 =	vsel vm11, $0x2D80, v7;
	v8 =	vsel vm11, $0x4180, v8  }
0x34: {  	v9 =	vsel vm11, $0x6180, v9;
	v10 =	vsel vm11, $0x4580, v10;
	v11 =	vsel vm11, $0x6580, v11  }
0x35: {  	v12 =	vsel vm11, $0x4980, v12;
	v13 =	vsel vm11, $0x6980, v13;
	v14 =	vsel vm11, $0x4D80, v14  }
0x36: {  	v15 =	vsel vm11, $0x6D80, v15;
	v16 =	vsel vm11, $0x8180, v16;
	v17 =	vsel vm11, $0xA180, v17  }
0x37: {  	v18 =	vsel vm11, $0x8580, v18;
	v19 =	vsel vm11, $0xA580, v19;
	v20 =	vsel vm11, $0x8980, v20  }
0x38: {  	v21 =	vsel vm11, $0xA980, v21;
	v22 =	vsel vm11, $0x8D80, v22;
	v23 =	vsel vm11, $0xAD80, v23  }
0x39: {  	v24 =	vsel vm11, $0xC180, v24;
	v25 =	vsel vm11, $0xE180, v25;
	v26 =	vsel vm11, $0xC580, v26  }
0x3a: {  	v27 =	vsel vm11, $0xE580, v27;
	v28 =	vsel vm11, $0xC980, v28;
	v29 =	vsel vm11, $0xE980, v29  }
0x3b: {  	v30 =	vsel vm11, $0xCD80, v30;
	v31 =	vsel vm11, $0xED80, v31;
	v0 =	vsel vm10, $0x200, v0  }
0x3c: {  	v1 =	vsel vm10, $0x2200, v1;
	v2 =	vsel vm10, $0x600, v2;
	v3 =	vsel vm10, $0x2600, v3  }
0x3d: {  	v4 =	vsel vm10, $0xA00, v4;
	v5 =	vsel vm10, $0x2A00, v5;
	v6 =	vsel vm10, $0xE00, v6  }
0x3e: {  	v7 =	vsel vm10, $0x2E00, v7;
	v8 =	vsel vm10, $0x4200, v8;
	v9 =	vsel vm10, $0x6200, v9  }
0x3f: {  	v10 =	vsel vm10, $0x4600, v10;
	v11 =	vsel vm10, $0x6600, v11;
	v12 =	vsel vm10, $0x4A00, v12  }
0x40: {  	v13 =	vsel vm10, $0x6A00, v13;
	v14 =	vsel vm10, $0x4E00, v14;
	v15 =	vsel vm10, $0x6E00, v15  }
0x41: {  	v16 =	vsel vm10, $0x8200, v16;
	v17 =	vsel vm10, $0xA200, v17;
	v18 =	vsel vm10, $0x8600, v18  }
0x42: {  	v19 =	vsel vm10, $0xA600, v19;
	v20 =	vsel vm10, $0x8A00, v20;
	v21 =	vsel vm10, $0xAA00, v21  }
0x43: {  	v22 =	vsel vm10, $0x8E00, v22;
	v23 =	vsel vm10, $0xAE00, v23;
	v24 =	vsel vm10, $0xC200, v24  }
0x44: {  	v25 =	vsel vm10, $0xE200, v25;
	v26 =	vsel vm10, $0xC600, v26;
	v27 =	vsel vm10, $0xE600, v27  }
0x45: {  	v28 =	vsel vm10, $0xCA00, v28;
	v29 =	vsel vm10, $0xEA00, v29;
	v30 =	vsel vm10, $0xCE00, v30  }
0x46: {  	v31 =	vsel vm10, $0xEE00, v31;
	v0 =	vsel vm9, $0x280, v0;
	v1 =	vsel vm9, $0x2280, v1  }
0x47: {  	v2 =	vsel vm9, $0x680, v2;
	v3 =	vsel vm9, $0x2680, v3;
	v4 =	vsel vm9, $0xA80, v4  }
0x48: {  	v5 =	vsel vm9, $0x2A80, v5;
	v6 =	vsel vm9, $0xE80, v6;
	v7 =	vsel vm9, $0x2E80, v7  }
0x49: {  	v8 =	vsel vm9, $0x4280, v8;
	v9 =	vsel vm9, $0x6280, v9;
	v10 =	vsel vm9, $0x4680, v10  }
0x4a: {  	v11 =	vsel vm9, $0x6680, v11;
	v12 =	vsel vm9, $0x4A80, v12;
	v13 =	vsel vm9, $0x6A80, v13  }
0x4b: {  	v14 =	vsel vm9, $0x4E80, v14;
	v15 =	vsel vm9, $0x6E80, v15;
	v16 =	vsel vm9, $0x8280, v16  }
0x4c: {  	v17 =	vsel vm9, $0xA280, v17;
	v18 =	vsel vm9, $0x8680, v18;
	v19 =	vsel vm9, $0xA680, v19  }
0x4d: {  	v20 =	vsel vm9, $0x8A80, v20;
	v21 =	vsel vm9, $0xAA80, v21;
	v22 =	vsel vm9, $0x8E80, v22  }
0x4e: {  	v23 =	vsel vm9, $0xAE80, v23;
	v24 =	vsel vm9, $0xC280, v24;
	v25 =	vsel vm9, $0xE280, v25  }
0x4f: {  	v26 =	vsel vm9, $0xC680, v26;
	v27 =	vsel vm9, $0xE680, v27;
	v28 =	vsel vm9, $0xCA80, v28  }
0x50: {  	v29 =	vsel vm9, $0xEA80, v29;
	v30 =	vsel vm9, $0xCE80, v30;
	v31 =	vsel vm9, $0xEE80, v31  }
0x51: {  	v0 =	vsel vm8, $0x300, v0;
	v1 =	vsel vm8, $0x2300, v1;
	v2 =	vsel vm8, $0x700, v2  }
0x52: {  	v3 =	vsel vm8, $0x2700, v3;
	v4 =	vsel vm8, $0xB00, v4;
	v5 =	vsel vm8, $0x2B00, v5  }
0x53: {  	v6 =	vsel vm8, $0xF00, v6;
	v7 =	vsel vm8, $0x2F00, v7;
	v8 =	vsel vm8, $0x4300, v8  }
0x54: {  	v9 =	vsel vm8, $0x6300, v9;
	v10 =	vsel vm8, $0x4700, v10;
	v11 =	vsel vm8, $0x6700, v11  }
0x55: {  	v12 =	vsel vm8, $0x4B00, v12;
	v13 =	vsel vm8, $0x6B00, v13;
	v14 =	vsel vm8, $0x4F00, v14  }
0x56: {  	v15 =	vsel vm8, $0x6F00, v15;
	v16 =	vsel vm8, $0x8300, v16;
	v17 =	vsel vm8, $0xA300, v17  }
0x57: {  	v18 =	vsel vm8, $0x8700, v18;
	v19 =	vsel vm8, $0xA700, v19;
	v20 =	vsel vm8, $0x8B00, v20  }
0x58: {  	v21 =	vsel vm8, $0xAB00, v21;
	v22 =	vsel vm8, $0x8F00, v22;
	v23 =	vsel vm8, $0xAF00, v23  }
0x59: {  	v24 =	vsel vm8, $0xC300, v24;
	v25 =	vsel vm8, $0xE300, v25;
	v26 =	vsel vm8, $0xC700, v26  }
0x5a: {  	v27 =	vsel vm8, $0xE700, v27;
	v28 =	vsel vm8, $0xCB00, v28;
	v29 =	vsel vm8, $0xEB00, v29  }
0x5b: {  	v30 =	vsel vm8, $0xCF00, v30;
	v31 =	vsel vm8, $0xEF00, v31;
	v0 =	vsel vm7, $0x380, v0  }
0x5c: {  	v1 =	vsel vm7, $0x2380, v1;
	v2 =	vsel vm7, $0x780, v2;
	v3 =	vsel vm7, $0x2780, v3  }
0x5d: {  	v4 =	vsel vm7, $0xB80, v4;
	v5 =	vsel vm7, $0x2B80, v5;
	v6 =	vsel vm7, $0xF80, v6  }
0x5e: {  	v7 =	vsel vm7, $0x2F80, v7;
	v8 =	vsel vm7, $0x4380, v8;
	v9 =	vsel vm7, $0x6380, v9  }
0x5f: {  	v10 =	vsel vm7, $0x4780, v10;
	v11 =	vsel vm7, $0x6780, v11;
	v12 =	vsel vm7, $0x4B80, v12  }
0x60: {  	v13 =	vsel vm7, $0x6B80, v13;
	v14 =	vsel vm7, $0x4F80, v14;
	v15 =	vsel vm7, $0x6F80, v15  }
0x61: {  	v16 =	vsel vm7, $0x8380, v16;
	v17 =	vsel vm7, $0xA380, v17;
	v18 =	vsel vm7, $0x8780, v18  }
0x62: {  	v19 =	vsel vm7, $0xA780, v19;
	v20 =	vsel vm7, $0x8B80, v20;
	v21 =	vsel vm7, $0xAB80, v21  }
0x63: {  	v22 =	vsel vm7, $0x8F80, v22;
	v23 =	vsel vm7, $0xAF80, v23;
	v24 =	vsel vm7, $0xC380, v24  }
0x64: {  	v25 =	vsel vm7, $0xE380, v25;
	v26 =	vsel vm7, $0xC780, v26;
	v27 =	vsel vm7, $0xE780, v27  }
0x65: {  	v28 =	vsel vm7, $0xCB80, v28;
	v29 =	vsel vm7, $0xEB80, v29;
	v30 =	vsel vm7, $0xCF80, v30  }
0x66: {  	v31 =	vsel vm7, $0xEF80, v31;
	v0 =	vsel vm6, $0x1000, v0;
	v1 =	vsel vm6, $0x3000, v1  }
0x67: {  	v2 =	vsel vm6, $0x1400, v2;
	v3 =	vsel vm6, $0x3400, v3;
	v4 =	vsel vm6, $0x1800, v4  }
0x68: {  	v5 =	vsel vm6, $0x3800, v5;
	v6 =	vsel vm6, $0x1C00, v6;
	v7 =	vsel vm6, $0x3C00, v7  }
0x69: {  	v8 =	vsel vm6, $0x5000, v8;
	v9 =	vsel vm6, $0x7000, v9;
	v10 =	vsel vm6, $0x5400, v10  }
0x6a: {  	v11 =	vsel vm6, $0x7400, v11;
	v12 =	vsel vm6, $0x5800, v12;
	v13 =	vsel vm6, $0x7800, v13  }
0x6b: {  	v14 =	vsel vm6, $0x5C00, v14;
	v15 =	vsel vm6, $0x7C00, v15;
	v16 =	vsel vm6, $0x9000, v16  }
0x6c: {  	v17 =	vsel vm6, $0xB000, v17;
	v18 =	vsel vm6, $0x9400, v18;
	v19 =	vsel vm6, $0xB400, v19  }
0x6d: {  	v20 =	vsel vm6, $0x9800, v20;
	v21 =	vsel vm6, $0xB800, v21;
	v22 =	vsel vm6, $0x9C00, v22  }
0x6e: {  	v23 =	vsel vm6, $0xBC00, v23;
	v24 =	vsel vm6, $0xD000, v24;
	v25 =	vsel vm6, $0xF000, v25  }
0x6f: {  	v26 =	vsel vm6, $0xD400, v26;
	v27 =	vsel vm6, $0xF400, v27;
	v28 =	vsel vm6, $0xD800, v28  }
0x70: {  	v29 =	vsel vm6, $0xF800, v29;
	v30 =	vsel vm6, $0xDC00, v30;
	v31 =	vsel vm6, $0xFC00, v31  }
0x71: {  	v0 =	vsel vm5, $0x1080, v0;
	v1 =	vsel vm5, $0x3080, v1;
	v2 =	vsel vm5, $0x1480, v2  }
0x72: {  	v3 =	vsel vm5, $0x3480, v3;
	v4 =	vsel vm5, $0x1880, v4;
	v5 =	vsel vm5, $0x3880, v5  }
0x73: {  	v6 =	vsel vm5, $0x1C80, v6;
	v7 =	vsel vm5, $0x3C80, v7;
	v8 =	vsel vm5, $0x5080, v8  }
0x74: {  	v9 =	vsel vm5, $0x7080, v9;
	v10 =	vsel vm5, $0x5480, v10;
	v11 =	vsel vm5, $0x7480, v11  }
0x75: {  	v12 =	vsel vm5, $0x5880, v12;
	v13 =	vsel vm5, $0x7880, v13;
	v14 =	vsel vm5, $0x5C80, v14  }
0x76: {  	v15 =	vsel vm5, $0x7C80, v15;
	v16 =	vsel vm5, $0x9080, v16;
	v17 =	vsel vm5, $0xB080, v17  }
0x77: {  	v18 =	vsel vm5, $0x9480, v18;
	v19 =	vsel vm5, $0xB480, v19;
	v20 =	vsel vm5, $0x9880, v20  }
0x78: {  	v21 =	vsel vm5, $0xB880, v21;
	v22 =	vsel vm5, $0x9C80, v22;
	v23 =	vsel vm5, $0xBC80, v23  }
0x79: {  	v24 =	vsel vm5, $0xD080, v24;
	v25 =	vsel vm5, $0xF080, v25;
	v26 =	vsel vm5, $0xD480, v26  }
0x7a: {  	v27 =	vsel vm5, $0xF480, v27;
	v28 =	vsel vm5, $0xD880, v28;
	v29 =	vsel vm5, $0xF880, v29  }
0x7b: {  	v30 =	vsel vm5, $0xDC80, v30;
	v31 =	vsel vm5, $0xFC80, v31;
	v0 =	vsel vm4, $0x1100, v0  }
0x7c: {  	v1 =	vsel vm4, $0x3100, v1;
	v2 =	vsel vm4, $0x1500, v2;
	v3 =	vsel vm4, $0x3500, v3  }
0x7d: {  	v4 =	vsel vm4, $0x1900, v4;
	v5 =	vsel vm4, $0x3900, v5;
	v6 =	vsel vm4, $0x1D00, v6  }
0x7e: {  	v7 =	vsel vm4, $0x3D00, v7;
	v8 =	vsel vm4, $0x5100, v8;
	v9 =	vsel vm4, $0x7100, v9  }
0x7f: {  	v10 =	vsel vm4, $0x5500, v10;
	v11 =	vsel vm4, $0x7500, v11;
	v12 =	vsel vm4, $0x5900, v12  }
0x80: {  	v13 =	vsel vm4, $0x7900, v13;
	v14 =	vsel vm4, $0x5D00, v14;
	v15 =	vsel vm4, $0x7D00, v15  }
0x81: {  	v16 =	vsel vm4, $0x9100, v16;
	v17 =	vsel vm4, $0xB100, v17;
	v18 =	vsel vm4, $0x9500, v18  }
0x82: {  	v19 =	vsel vm4, $0xB500, v19;
	v20 =	vsel vm4, $0x9900, v20;
	v21 =	vsel vm4, $0xB900, v21  }
0x83: {  	v22 =	vsel vm4, $0x9D00, v22;
	v23 =	vsel vm4, $0xBD00, v23;
	v24 =	vsel vm4, $0xD100, v24  }
0x84: {  	v25 =	vsel vm4, $0xF100, v25;
	v26 =	vsel vm4, $0xD500, v26;
	v27 =	vsel vm4, $0xF500, v27  }
0x85: {  	v28 =	vsel vm4, $0xD900, v28;
	v29 =	vsel vm4, $0xF900, v29;
	v30 =	vsel vm4, $0xDD00, v30  }
0x86: {  	v31 =	vsel vm4, $0xFD00, v31;
	v0 =	vsel vm3, $0x1180, v0;
	v1 =	vsel vm3, $0x3180, v1  }
0x87: {  	v2 =	vsel vm3, $0x1580, v2;
	v3 =	vsel vm3, $0x3580, v3;
	v4 =	vsel vm3, $0x1980, v4  }
0x88: {  	v5 =	vsel vm3, $0x3980, v5;
	v6 =	vsel vm3, $0x1D80, v6;
	v7 =	vsel vm3, $0x3D80, v7  }
0x89: {  	v8 =	vsel vm3, $0x5180, v8;
	v9 =	vsel vm3, $0x7180, v9;
	v10 =	vsel vm3, $0x5580, v10  }
0x8a: {  	v11 =	vsel vm3, $0x7580, v11;
	v12 =	vsel vm3, $0x5980, v12;
	v13 =	vsel vm3, $0x7980, v13  }
0x8b: {  	v14 =	vsel vm3, $0x5D80, v14;
	v15 =	vsel vm3, $0x7D80, v15;
	v16 =	vsel vm3, $0x9180, v16  }
0x8c: {  	v17 =	vsel vm3, $0xB180, v17;
	v18 =	vsel vm3, $0x9580, v18;
	v19 =	vsel vm3, $0xB580, v19  }
0x8d: {  	v20 =	vsel vm3, $0x9980, v20;
	v21 =	vsel vm3, $0xB980, v21;
	v22 =	vsel vm3, $0x9D80, v22  }
0x8e: {  	v23 =	vsel vm3, $0xBD80, v23;
	v24 =	vsel vm3, $0xD180, v24;
	v25 =	vsel vm3, $0xF180, v25  }
0x8f: {  	v26 =	vsel vm3, $0xD580, v26;
	v27 =	vsel vm3, $0xF580, v27;
	v28 =	vsel vm3, $0xD980, v28  }
0x90: {  	v29 =	vsel vm3, $0xF980, v29;
	v30 =	vsel vm3, $0xDD80, v30;
	v31 =	vsel vm3, $0xFD80, v31  }
0x91: {  	v0 =	vsel vm2, $0x1200, v0;
	v1 =	vsel vm2, $0x3200, v1;
	v2 =	vsel vm2, $0x1600, v2  }
0x92: {  	v3 =	vsel vm2, $0x3600, v3;
	v4 =	vsel vm2, $0x1A00, v4;
	v5 =	vsel vm2, $0x3A00, v5  }
0x93: {  	v6 =	vsel vm2, $0x1E00, v6;
	v7 =	vsel vm2, $0x3E00, v7;
	v8 =	vsel vm2, $0x5200, v8  }
0x94: {  	v9 =	vsel vm2, $0x7200, v9;
	v10 =	vsel vm2, $0x5600, v10;
	v11 =	vsel vm2, $0x7600, v11  }
0x95: {  	v12 =	vsel vm2, $0x5A00, v12;
	v13 =	vsel vm2, $0x7A00, v13;
	v14 =	vsel vm2, $0x5E00, v14  }
0x96: {  	v15 =	vsel vm2, $0x7E00, v15;
	v16 =	vsel vm2, $0x9200, v16;
	v17 =	vsel vm2, $0xB200, v17  }
0x97: {  	v18 =	vsel vm2, $0x9600, v18;
	v19 =	vsel vm2, $0xB600, v19;
	v20 =	vsel vm2, $0x9A00, v20  }
0x98: {  	v21 =	vsel vm2, $0xBA00, v21;
	v22 =	vsel vm2, $0x9E00, v22;
	v23 =	vsel vm2, $0xBE00, v23  }
0x99: {  	v24 =	vsel vm2, $0xD200, v24;
	v25 =	vsel vm2, $0xF200, v25;
	v26 =	vsel vm2, $0xD600, v26  }
0x9a: {  	v27 =	vsel vm2, $0xF600, v27;
	v28 =	vsel vm2, $0xDA00, v28;
	v29 =	vsel vm2, $0xFA00, v29  }
0x9b: {  	v30 =	vsel vm2, $0xDE00, v30;
	v31 =	vsel vm2, $0xFE00, v31;
	v0 =	vsel vm1, $0x1280, v0  }
0x9c: {  	v1 =	vsel vm1, $0x3280, v1;
	v2 =	vsel vm1, $0x1680, v2;
	v3 =	vsel vm1, $0x3680, v3  }
0x9d: {  	v4 =	vsel vm1, $0x1A80, v4;
	v5 =	vsel vm1, $0x3A80, v5;
	v6 =	vsel vm1, $0x1E80, v6  }
0x9e: {  	s0 =	rddreg [dreg:$0x0];
	v7 =	vsel vm1, $0x3E80, v7;
	v8 =	vsel vm1, $0x5280, v8;
	v9 =	vsel vm1, $0x7280, v9  }
0x9f: {  	s2 =	rddreg [dreg:$0x1];
	s3 =	srdreg.scid;
	v10 =	vsel vm1, $0x5680, v10;
	v11 =	vsel vm1, $0x7680, v11;
	v12 =	vsel vm1, $0x5A80, v12  }
0xa0: {  	s5 =	stileid.u32;
	s1 =	rddreg [dreg:$0x2];
	v13 =	vsel vm1, $0x7A80, v13;
	v14 =	vsel vm1, $0x5E80, v14;
	v15 =	vsel vm1, $0x7E80, v15  }
0xa1: {  	s21 =	rddreg [dreg:$0x3];
	s12 =	simm.s32 $0x200;
	s16 =	simm.s32 $0xC200;
	v16 =	vsel vm1, $0x9280, v16;
	v17 =	vsel vm1, $0xB280, v17;
	v18 =	vsel vm1, $0x9680, v18  }
0xa2: {  	s17 =	simm.s32 $0xD200;
	s18 =	simm.s32 $0xE200;
	s19 =	simm.s32 $0xF200;
	v19 =	vsel vm1, $0xB680, v19;
	v20 =	vsel vm1, $0x9A80, v20;
	v21 =	vsel vm1, $0xBA80, v21  }
0xa3: {  	s28 =	simm.s32 $0xFA00;
	s29 =	simm.s32 $0xCE00;
	s30 =	simm.s32 $0xDE00;
	v22 =	vsel vm1, $0x9E80, v22;
	v23 =	vsel vm1, $0xBE80, v23;
	v24 =	vsel vm1, $0xD280, v24  }
0xa4: {  	s31 =	simm.s32 $0xEE00;
	s10 =	simm.s32 $0x2;
	s11 =	simm.s32 $0x3;
	v25 =	vsel vm1, $0xF280, v25;
	v26 =	vsel vm1, $0xD680, v26;
	v27 =	vsel vm1, $0xF680, v27  }
0xa5: {  	s13 =	simm.s32 $0x4;
	s15 =	simm.s32 $0x0;
	s4 =	sand.u32 $0x1, s3;
	v28 =	vsel vm1, $0xDA80, v28;
	v29 =	vsel vm1, $0xFA80, v29;
	v30 =	vsel vm1, $0xDE80, v30  }
0xa6: {  	s20 =	sshll.u32 s5, $0x1;
	s3 =	simm.s32 $0x0;
	s5 =	simm.s32 $0x5;
	v31 =	vsel vm1, $0xFE80, v31;
	v0 =	vsel vm0, $0x1300, v0;
	v1 =	vsel vm0, $0x3300, v1  }
0xa7: {  	s6 =	sor.u32 s4, s20;
	[smem:$0x7FF] =	sst s3;
	s20 =	simm.s32 $0xC600;
	v2 =	vsel vm0, $0x1700, v2;
	v3 =	vsel vm0, $0x3700, v3;
	v4 =	vsel vm0, $0x1B00, v4  }
0xa8: {  	s4 =	ssub.s32 $0x2, s4;
	s7 =	smul.u32 $0xC0, s6;
	_ =	strace $0x80000047;
	v5 =	vsel vm0, $0x3B00, v5;
	v6 =	vsel vm0, $0x1F00, v6;
	v7 =	vsel vm0, $0x3F00, v7  }
0xa9: {  	s8 =	sshrl.u32 s4, $0x1;
	s23 =	sshll.u32 s6, $0x6;
	s25 =	sshll.u32 s6, $0xB;
	v8 =	vsel vm0, $0x5300, v8;
	v9 =	vsel vm0, $0x7300, v9;
	v10 =	vsel vm0, $0x5700, v10  }
0xaa: {  	s22 =	ssub.s32 s4, s8;
	s0 =	sadd.s32 s0, s23;
	s23 =	simm.s32 $0xF600;
	v11 =	vsel vm0, $0x7700, v11;
	v12 =	vsel vm0, $0x5B00, v12;
	v13 =	vsel vm0, $0x7B00, v13  }
0xab: {  	s7 =	sadd.s32 s7, s2;
	s2 =	sadd.s32 $0x2000, s2;
	[dreg:$0x6] =	wrdreg s0;
	v14 =	vsel vm0, $0x5F00, v14;
	v15 =	vsel vm0, $0x7F00, v15;
	v16 =	vsel vm0, $0x9300, v16  }
.Ltmp0:
0xac: {  	s0 =	sadd.s32 s21, s25;
	s26 =	smax.u32 s22, $0x1;
	v17 =	vsel vm0, $0xB300, v17;
	v18 =	vsel vm0, $0x9700, v18;
	v19 =	vsel vm0, $0xB700, v19;
	(pc) =	sbr.rel .LBB2_1-.Ltmp0, $4  }
0xad: {  	s21 =	simm.s32 $0xD600;
	s22 =	simm.s32 $0xE600;
	[dreg:$0x5] =	wrdreg s2;
	v20 =	vsel vm0, $0x9B00, v20;
	v21 =	vsel vm0, $0xBB00, v21;
	v22 =	vsel vm0, $0x9F00, v22  }
0xae: {  	s25 =	simm.s32 $0xDA00;
	s24 =	sadd.s32 $0x800, s7;
	[dreg:$0x8] =	wrdreg s0;
	v23 =	vsel vm0, $0xBF00, v23;
	v24 =	vsel vm0, $0xD300, v24;
	v25 =	vsel vm0, $0xF300, v25  }
0xaf: {  	[dreg:$0x9] =	wrdreg s26;
	s26 =	simm.s32 $0xEA00;
	s2 =	simm.s32 $0xFE00;
	v26 =	vsel vm0, $0xD700, v26;
	v27 =	vsel vm0, $0xF700, v27;
	v28 =	vsel vm0, $0xDB00, v28  }
0xb0: {  	s0 =	simm.s32 $0x1;
	[dreg:$0x7] =	wrdreg s24;
	s24 =	simm.s32 $0xCA00;
	v29 =	vsel vm0, $0xFB00, v29;
	v30 =	vsel vm0, $0xDF00, v30;
	v31 =	vsel vm0, $0xFF00, v31  }
.LBB2_4:
0xb1: {  	s4 =	rddreg [dreg:$0x8];
	s5 =	simm.s32 $0x10200  }
0xb2: {  	[hbm4b:s4+s3] =	stream.linear.scatter [tilespmem:s5], [sflag:$0x5], $0x4000, $0x38;
	[tilespmem:$0x14880] =	vst v63  }
0xb3: {  	s5 =	simm.s32 $0x5  }
0xb4: {  	_ =	swait.ge [sflag:s5], $0x4000  }
0xb5: {  	s15 =	sadd.s32 $0x1, s15;
	s14 =	rddreg [dreg:$0x9]  }
0xb6: {  	p0 =	sne.s32 s15, s14  }
.Ltmp1:
0xb7: {  	_ = 	snop;
	(pc) =	sbr.rel @!p0 .LBB2_5-.Ltmp1, $3  }
0xb8: {  	_ =	sdelay $0x1  }
0xb9: {  	[sflag:s5] =	ssyncset.done $0x0  }
0xba: {  	[sflag:s5] =	ssyncadd.s32 $0xFFFFC000  }
.LBB2_1:
0xbb: {  	s4 =	rddreg [dreg:$0x6]  }
0xbc: {  	[tilespmem:s3], [sflag:$0x5] =	stream.linear.gather [hbm4b:s4+s3], $0x200, $0x38;
	[tilespmem:$0x14880] =	vst v63  }
0xbd: {  	_ =	swait.ge [sflag:s5], $0x200  }
0xbe: {  	[sflag:s5] =	ssyncset.done $0x0  }
0xbf: {  	s6 =	simm.s32 $0x14200;
	s7 =	rddreg [dreg:$0x7];
	[sflag:s5] =	ssyncadd.s32 $0xFFFFFE00  }
0xc0: {  	[tilespmem:s6], [sflag:$0x5] =	stream.linear.gather [hbm4b:s7+s3], $0x600, $0x38;
	[tilespmem:$0x14880] =	vst v63  }
0xc1: {  	_ =	swait.ge [sflag:s5], $0x600  }
0xc2: {  	[sflag:s5] =	ssyncset.done $0x0  }
0xc3: {  	s9 =	simm.s32 $0x14800;
	s8 =	rddreg [dreg:$0x5];
	[sflag:s5] =	ssyncadd.s32 $0xFFFFFA00  }
0xc4: {  	[tilespmem:s9], [sflag:$0x5] =	stream.linear.gather [hbm4b:s8+s3], $0x80, $0x38;
	[tilespmem:$0x14880] =	vst v63  }
0xc5: {  	_ =	swait.ge [sflag:s5], $0x80  }
0xc6: {  	[sflag:s5] =	ssyncset.done $0x0  }
0xc7: {  	[sflag:s5] =	ssyncadd.s32 $0xFFFFFF80  }
0xc8: {  	v32 =	vld [tilespmem:$0x0];
	_ =	sdelay $0x4  }
0xc9: {  	v32 =	vand.u32 $0xFFFFFF80, v32  }
0xca: {  	v40 =	vadd.s32 s1, v32  }
0xcb: {  	(v2sf) =	vpush v40, $0x0;
	_ =	sdelay $0x7  }
0xcc: {  	(v2sf) =	vpush v40, $0x1  }
0xcd: {  	v33 =	vld [tilespmem:$0x14810]  }
0xce: {  	v34 =	vld [tilespmem:$0x14820]  }
0xcf: {  	v35 =	vld [tilespmem:$0x14830]  }
0xd0: {  	v36 =	vld [tilespmem:$0x14840]  }
0xd1: {  	v37 =	vld [tilespmem:$0x14850]  }
0xd2: {  	v38 =	vld [tilespmem:$0x14860]  }
0xd3: {  	v39 =	vld [tilespmem:$0x14870];
	s14 =	spop (v2sf)  }
0xd4: {  	v32 =	vld [tilespmem:$0x14800];
	(v2sf) =	vpush v40, $0x2;
	[tilespmem:s12], [sflag:$0x1] =	stream.linear.gather [hbm4b:s14+s3], $0x400, $0x38  }
0xd5: {  	s7 =	simm.s32 $0x1200;
	s6 =	sadd.s32 $0xF4280, s14  }
0xd6: {  	[tilespmem:s7], [sflag:$0x1] =	stream.linear.gather [hbm4b:s6+s3], $0x400, $0x38;
	[tilespmem:$0x14880] =	vst v63  }
0xd7: {  	s9 =	simm.s32 $0x2200;
	s8 =	sadd.s32 $0x1E8500, s14  }
0xd8: {  	[tilespmem:s9], [sflag:$0x1] =	stream.linear.gather [hbm4b:s8+s3], $0x400, $0x38;
	[tilespmem:$0x14880] =	vst v63  }
0xd9: {  	s4 =	sadd.s32 $0x2DC780, s14;
	s14 =	simm.s32 $0x3200  }
0xda: {  	[tilespmem:s14], [sflag:$0x1] =	stream.linear.gather [hbm4b:s4+s3], $0x400, $0x38;
	[tilespmem:$0x14880] =	vst v63  }
0xdb: {  	s6 =	simm.s32 $0x600;
	s4 =	spop (v2sf)  }
0xdc: {  	(v2sf) =	vpush v40, $0x3;
	[tilespmem:s6], [sflag:$0x1] =	stream.linear.gather [hbm4b:s4+s3], $0x400, $0x38;
	[tilespmem:$0x14880] =	vst v63  }
0xdd: {  	s8 =	simm.s32 $0x1600;
	s7 =	sadd.s32 $0xF4280, s4  }
0xde: {  	[tilespmem:s8], [sflag:$0x1] =	stream.linear.gather [hbm4b:s7+s3], $0x400, $0x38;
	[tilespmem:$0x14880] =	vst v63  }
0xdf: {  	s14 =	simm.s32 $0x2600;
	s9 =	sadd.s32 $0x1E8500, s4  }
0xe0: {  	[tilespmem:s14], [sflag:$0x1] =	stream.linear.gather [hbm4b:s9+s3], $0x400, $0x38;
	[tilespmem:$0x14880] =	vst v63  }
0xe1: {  	s4 =	sadd.s32 $0x2DC780, s4;
	s7 =	simm.s32 $0x3600  }
0xe2: {  	[tilespmem:s7], [sflag:$0x1] =	stream.linear.gather [hbm4b:s4+s3], $0x400, $0x38;
	[tilespmem:$0x14880] =	vst v63  }
0xe3: {  	s8 =	simm.s32 $0xA00;
	s4 =	spop (v2sf)  }
0xe4: {  	[tilespmem:s8], [sflag:$0x1] =	stream.linear.gather [hbm4b:s4+s3], $0x400, $0x38;
	[tilespmem:$0x14880] =	vst v63  }
0xe5: {  	s14 =	simm.s32 $0x1A00;
	s9 =	sadd.s32 $0xF4280, s4  }
0xe6: {  	[tilespmem:s14], [sflag:$0x1] =	stream.linear.gather [hbm4b:s9+s3], $0x400, $0x38;
	[tilespmem:$0x14880] =	vst v63  }
0xe7: {  	s7 =	sadd.s32 $0x1E8500, s4;
	s8 =	simm.s32 $0x2A00  }
0xe8: {  	[tilespmem:s8], [sflag:$0x1] =	stream.linear.gather [hbm4b:s7+s3], $0x400, $0x38;
	[tilespmem:$0x14880] =	vst v63  }
0xe9: {  	s4 =	sadd.s32 $0x2DC780, s4;
	s9 =	simm.s32 $0x3A00  }
0xea: {  	[tilespmem:s9], [sflag:$0x1] =	stream.linear.gather [hbm4b:s4+s3], $0x400, $0x38;
	[tilespmem:$0x14880] =	vst v63  }
0xeb: {  	s14 =	simm.s32 $0xE00;
	s4 =	spop (v2sf)  }
0xec: {  	[tilespmem:s14], [sflag:$0x1] =	stream.linear.gather [hbm4b:s4+s3], $0x400, $0x38;
	[tilespmem:$0x14880] =	vst v63  }
0xed: {  	s7 =	simm.s32 $0x1E00;
	s6 =	sadd.s32 $0xF4280, s4  }
0xee: {  	[tilespmem:s7], [sflag:$0x1] =	stream.linear.gather [hbm4b:s6+s3], $0x400, $0x38;
	[tilespmem:$0x14880] =	vst v63  }
0xef: {  	s9 =	simm.s32 $0x2E00;
	s8 =	sadd.s32 $0x1E8500, s4  }
0xf0: {  	[tilespmem:s9], [sflag:$0x1] =	stream.linear.gather [hbm4b:s8+s3], $0x400, $0x38;
	[tilespmem:$0x14880] =	vst v63  }
0xf1: {  	s4 =	sadd.s32 $0x2DC780, s4;
	s14 =	simm.s32 $0x3E00  }
0xf2: {  	[tilespmem:s14], [sflag:$0x1] =	stream.linear.gather [hbm4b:s4+s3], $0x400, $0x38;
	[tilespmem:$0x14880] =	vst v63  }
0xf3: {  	v61 =	vld [tilespmem:$0x0];
	_ =	sdelay $0x4  }
0xf4: {  	v40 =	vand.u32 $0xFFFFFF80, v61  }
0xf5: {  	v40 =	vadd.s32 s1, v40  }
0xf6: {  	(v2sf) =	vpush v40, $0x4;
	_ =	sdelay $0x7  }
0xf7: {  	(v2sf) =	vpush v40, $0x5;
	_ =	sdelay $0x6  }
0xf8: {  	s6 =	simm.s32 $0x4200;
	s4 =	spop (v2sf)  }
0xf9: {  	(v2sf) =	vpush v40, $0x6;
	[tilespmem:s6], [sflag:$0x2] =	stream.linear.gather [hbm4b:s4+s3], $0x400, $0x38;
	[tilespmem:$0x14880] =	vst v63  }
0xfa: {  	s8 =	simm.s32 $0x5200;
	s7 =	sadd.s32 $0xF4280, s4  }
0xfb: {  	[tilespmem:s8], [sflag:$0x2] =	stream.linear.gather [hbm4b:s7+s3], $0x400, $0x38;
	[tilespmem:$0x14880] =	vst v63  }
0xfc: {  	s14 =	simm.s32 $0x6200;
	s9 =	sadd.s32 $0x1E8500, s4  }
0xfd: {  	[tilespmem:s14], [sflag:$0x2] =	stream.linear.gather [hbm4b:s9+s3], $0x400, $0x38;
	[tilespmem:$0x14880] =	vst v63  }
0xfe: {  	s4 =	sadd.s32 $0x2DC780, s4;
	s7 =	simm.s32 $0x7200  }
0xff: {  	[tilespmem:s7], [sflag:$0x2] =	stream.linear.gather [hbm4b:s4+s3], $0x400, $0x38;
	[tilespmem:$0x14880] =	vst v63  }
0x100: {  	s8 =	simm.s32 $0x4600;
	s4 =	spop (v2sf)  }
0x101: {  	(v2sf) =	vpush v40, $0x7;
	[tilespmem:s8], [sflag:$0x2] =	stream.linear.gather [hbm4b:s4+s3], $0x400, $0x38;
	[tilespmem:$0x14880] =	vst v63  }
0x102: {  	s14 =	simm.s32 $0x5600;
	s9 =	sadd.s32 $0xF4280, s4  }
0x103: {  	[tilespmem:s14], [sflag:$0x2] =	stream.linear.gather [hbm4b:s9+s3], $0x400, $0x38;
	[tilespmem:$0x14880] =	vst v63  }
0x104: {  	s7 =	sadd.s32 $0x1E8500, s4;
	s8 =	simm.s32 $0x6600  }
0x105: {  	[tilespmem:s8], [sflag:$0x2] =	stream.linear.gather [hbm4b:s7+s3], $0x400, $0x38;
	[tilespmem:$0x14880] =	vst v63  }
0x106: {  	s4 =	sadd.s32 $0x2DC780, s4;
	s9 =	simm.s32 $0x7600  }
0x107: {  	[tilespmem:s9], [sflag:$0x2] =	stream.linear.gather [hbm4b:s4+s3], $0x400, $0x38;
	[tilespmem:$0x14880] =	vst v63  }
0x108: {  	s14 =	simm.s32 $0x4A00;
	s4 =	spop (v2sf)  }
0x109: {  	[tilespmem:s14], [sflag:$0x2] =	stream.linear.gather [hbm4b:s4+s3], $0x400, $0x38;
	[tilespmem:$0x14880] =	vst v63  }
0x10a: {  	s7 =	simm.s32 $0x5A00;
	s6 =	sadd.s32 $0xF4280, s4  }
0x10b: {  	[tilespmem:s7], [sflag:$0x2] =	stream.linear.gather [hbm4b:s6+s3], $0x400, $0x38;
	[tilespmem:$0x14880] =	vst v63  }
0x10c: {  	s9 =	simm.s32 $0x6A00;
	s8 =	sadd.s32 $0x1E8500, s4  }
0x10d: {  	[tilespmem:s9], [sflag:$0x2] =	stream.linear.gather [hbm4b:s8+s3], $0x400, $0x38;
	[tilespmem:$0x14880] =	vst v63  }
0x10e: {  	s4 =	sadd.s32 $0x2DC780, s4;
	s14 =	simm.s32 $0x7A00  }
0x10f: {  	[tilespmem:s14], [sflag:$0x2] =	stream.linear.gather [hbm4b:s4+s3], $0x400, $0x38;
	[tilespmem:$0x14880] =	vst v63  }
0x110: {  	s6 =	simm.s32 $0x4E00;
	s4 =	spop (v2sf)  }
0x111: {  	[tilespmem:s6], [sflag:$0x2] =	stream.linear.gather [hbm4b:s4+s3], $0x400, $0x38;
	[tilespmem:$0x14880] =	vst v63  }
0x112: {  	s8 =	simm.s32 $0x5E00;
	s7 =	sadd.s32 $0xF4280, s4  }
0x113: {  	[tilespmem:s8], [sflag:$0x2] =	stream.linear.gather [hbm4b:s7+s3], $0x400, $0x38;
	[tilespmem:$0x14880] =	vst v63  }
0x114: {  	s14 =	simm.s32 $0x6E00;
	s9 =	sadd.s32 $0x1E8500, s4  }
0x115: {  	[tilespmem:s14], [sflag:$0x2] =	stream.linear.gather [hbm4b:s9+s3], $0x400, $0x38;
	[tilespmem:$0x14880] =	vst v63  }
0x116: {  	s4 =	sadd.s32 $0x2DC780, s4;
	s7 =	simm.s32 $0x7E00  }
0x117: {  	[tilespmem:s7], [sflag:$0x2] =	stream.linear.gather [hbm4b:s4+s3], $0x400, $0x38;
	[tilespmem:$0x14880] =	vst v63  }
0x118: {  	v62 =	vld [tilespmem:$0x0];
	_ =	sdelay $0x4  }
0x119: {  	v40 =	vand.u32 $0xFFFFFF80, v62  }
0x11a: {  	v40 =	vadd.s32 s1, v40  }
0x11b: {  	(v2sf) =	vpush v40, $0x8;
	_ =	sdelay $0x7  }
0x11c: {  	(v2sf) =	vpush v40, $0x9;
	_ =	sdelay $0x6  }
0x11d: {  	s8 =	simm.s32 $0x8200;
	s4 =	spop (v2sf)  }
0x11e: {  	(v2sf) =	vpush v40, $0xA;
	[tilespmem:s8], [sflag:$0x3] =	stream.linear.gather [hbm4b:s4+s3], $0x400, $0x38;
	[tilespmem:$0x14880] =	vst v63  }
0x11f: {  	s14 =	simm.s32 $0x9200;
	s9 =	sadd.s32 $0xF4280, s4  }
0x120: {  	[tilespmem:s14], [sflag:$0x3] =	stream.linear.gather [hbm4b:s9+s3], $0x400, $0x38;
	[tilespmem:$0x14880] =	vst v63  }
0x121: {  	s7 =	sadd.s32 $0x1E8500, s4;
	s8 =	simm.s32 $0xA200  }
0x122: {  	[tilespmem:s8], [sflag:$0x3] =	stream.linear.gather [hbm4b:s7+s3], $0x400, $0x38;
	[tilespmem:$0x14880] =	vst v63  }
0x123: {  	s4 =	sadd.s32 $0x2DC780, s4;
	s9 =	simm.s32 $0xB200  }
0x124: {  	[tilespmem:s9], [sflag:$0x3] =	stream.linear.gather [hbm4b:s4+s3], $0x400, $0x38;
	[tilespmem:$0x14880] =	vst v63  }
0x125: {  	s14 =	simm.s32 $0x8600;
	s4 =	spop (v2sf)  }
0x126: {  	(v2sf) =	vpush v40, $0xB;
	[tilespmem:s14], [sflag:$0x3] =	stream.linear.gather [hbm4b:s4+s3], $0x400, $0x38;
	[tilespmem:$0x14880] =	vst v63  }
0x127: {  	s7 =	simm.s32 $0x9600;
	s6 =	sadd.s32 $0xF4280, s4  }
0x128: {  	[tilespmem:s7], [sflag:$0x3] =	stream.linear.gather [hbm4b:s6+s3], $0x400, $0x38;
	[tilespmem:$0x14880] =	vst v63  }
0x129: {  	s9 =	simm.s32 $0xA600;
	s8 =	sadd.s32 $0x1E8500, s4  }
0x12a: {  	[tilespmem:s9], [sflag:$0x3] =	stream.linear.gather [hbm4b:s8+s3], $0x400, $0x38;
	[tilespmem:$0x14880] =	vst v63  }
0x12b: {  	s4 =	sadd.s32 $0x2DC780, s4;
	s14 =	simm.s32 $0xB600  }
0x12c: {  	[tilespmem:s14], [sflag:$0x3] =	stream.linear.gather [hbm4b:s4+s3], $0x400, $0x38;
	[tilespmem:$0x14880] =	vst v63  }
0x12d: {  	s6 =	simm.s32 $0x8A00;
	s4 =	spop (v2sf)  }
0x12e: {  	[tilespmem:s6], [sflag:$0x3] =	stream.linear.gather [hbm4b:s4+s3], $0x400, $0x38;
	[tilespmem:$0x14880] =	vst v63  }
0x12f: {  	s8 =	simm.s32 $0x9A00;
	s7 =	sadd.s32 $0xF4280, s4  }
0x130: {  	[tilespmem:s8], [sflag:$0x3] =	stream.linear.gather [hbm4b:s7+s3], $0x400, $0x38;
	[tilespmem:$0x14880] =	vst v63  }
0x131: {  	s14 =	simm.s32 $0xAA00;
	s9 =	sadd.s32 $0x1E8500, s4  }
0x132: {  	[tilespmem:s14], [sflag:$0x3] =	stream.linear.gather [hbm4b:s9+s3], $0x400, $0x38;
	[tilespmem:$0x14880] =	vst v63  }
0x133: {  	s4 =	sadd.s32 $0x2DC780, s4;
	s7 =	simm.s32 $0xBA00  }
0x134: {  	[tilespmem:s7], [sflag:$0x3] =	stream.linear.gather [hbm4b:s4+s3], $0x400, $0x38;
	[tilespmem:$0x14880] =	vst v63  }
0x135: {  	s8 =	simm.s32 $0x8E00;
	s4 =	spop (v2sf)  }
0x136: {  	[tilespmem:s8], [sflag:$0x3] =	stream.linear.gather [hbm4b:s4+s3], $0x400, $0x38;
	[tilespmem:$0x14880] =	vst v63  }
0x137: {  	s14 =	simm.s32 $0x9E00;
	s9 =	sadd.s32 $0xF4280, s4  }
0x138: {  	[tilespmem:s14], [sflag:$0x3] =	stream.linear.gather [hbm4b:s9+s3], $0x400, $0x38;
	[tilespmem:$0x14880] =	vst v63  }
0x139: {  	s7 =	simm.s32 $0xAE00;
	s6 =	sadd.s32 $0x1E8500, s4  }
0x13a: {  	[tilespmem:s7], [sflag:$0x3] =	stream.linear.gather [hbm4b:s6+s3], $0x400, $0x38;
	[tilespmem:$0x14880] =	vst v63  }
0x13b: {  	s4 =	sadd.s32 $0x2DC780, s4;
	s8 =	simm.s32 $0xBE00  }
0x13c: {  	[tilespmem:s8], [sflag:$0x3] =	stream.linear.gather [hbm4b:s4+s3], $0x400, $0x38;
	[tilespmem:$0x14880] =	vst v63  }
0x13d: {  	v63 =	vld [tilespmem:$0x0];
	_ =	sdelay $0x4  }
0x13e: {  	v40 =	vand.u32 $0xFFFFFF80, v63  }
0x13f: {  	v40 =	vadd.s32 s1, v40  }
0x140: {  	(v2sf) =	vpush v40, $0xC;
	_ =	sdelay $0x7  }
0x141: {  	(v2sf) =	vpush v40, $0xD;
	_ =	sdelay $0x6  }
0x142: {  	s9 =	spop (v2sf)  }
0x143: {  	(v2sf) =	vpush v40, $0xE;
	[tilespmem:s16], [sflag:$0x4] =	stream.linear.gather [hbm4b:s9+s3], $0x400, $0x38;
	[tilespmem:$0x14880] =	vst v63  }
0x144: {  	s14 =	sadd.s32 $0xF4280, s9  }
0x145: {  	[tilespmem:s17], [sflag:$0x4] =	stream.linear.gather [hbm4b:s14+s3], $0x400, $0x38;
	[tilespmem:$0x14880] =	vst v63  }
0x146: {  	s6 =	sadd.s32 $0x1E8500, s9  }
0x147: {  	[tilespmem:s18], [sflag:$0x4] =	stream.linear.gather [hbm4b:s6+s3], $0x400, $0x38;
	[tilespmem:$0x14880] =	vst v63  }
0x148: {  	s4 =	sadd.s32 $0x2DC780, s9  }
0x149: {  	[tilespmem:s19], [sflag:$0x4] =	stream.linear.gather [hbm4b:s4+s3], $0x400, $0x38;
	[tilespmem:$0x14880] =	vst v63  }
0x14a: {  	s7 =	spop (v2sf)  }
0x14b: {  	(v2sf) =	vpush v40, $0xF;
	[tilespmem:s20], [sflag:$0x4] =	stream.linear.gather [hbm4b:s7+s3], $0x400, $0x38;
	[tilespmem:$0x14880] =	vst v63  }
0x14c: {  	s8 =	sadd.s32 $0xF4280, s7  }
0x14d: {  	[tilespmem:s21], [sflag:$0x4] =	stream.linear.gather [hbm4b:s8+s3], $0x400, $0x38;
	[tilespmem:$0x14880] =	vst v63  }
0x14e: {  	s9 =	sadd.s32 $0x1E8500, s7  }
0x14f: {  	[tilespmem:s22], [sflag:$0x4] =	stream.linear.gather [hbm4b:s9+s3], $0x400, $0x38;
	[tilespmem:$0x14880] =	vst v63  }
0x150: {  	s4 =	sadd.s32 $0x2DC780, s7  }
0x151: {  	[tilespmem:s23], [sflag:$0x4] =	stream.linear.gather [hbm4b:s4+s3], $0x400, $0x38;
	[tilespmem:$0x14880] =	vst v63  }
0x152: {  	s14 =	spop (v2sf)  }
0x153: {  	[tilespmem:s24], [sflag:$0x4] =	stream.linear.gather [hbm4b:s14+s3], $0x400, $0x38;
	[tilespmem:$0x14880] =	vst v63  }
0x154: {  	s6 =	sadd.s32 $0xF4280, s14  }
0x155: {  	[tilespmem:s25], [sflag:$0x4] =	stream.linear.gather [hbm4b:s6+s3], $0x400, $0x38;
	[tilespmem:$0x14880] =	vst v63  }
0x156: {  	s7 =	sadd.s32 $0x1E8500, s14  }
0x157: {  	[tilespmem:s26], [sflag:$0x4] =	stream.linear.gather [hbm4b:s7+s3], $0x400, $0x38;
	[tilespmem:$0x14880] =	vst v63  }
0x158: {  	s4 =	sadd.s32 $0x2DC780, s14  }
0x159: {  	[tilespmem:s28], [sflag:$0x4] =	stream.linear.gather [hbm4b:s4+s3], $0x400, $0x38;
	[tilespmem:$0x14880] =	vst v63  }
0x15a: {  	s8 =	spop (v2sf)  }
0x15b: {  	[tilespmem:s29], [sflag:$0x4] =	stream.linear.gather [hbm4b:s8+s3], $0x400, $0x38;
	[tilespmem:$0x14880] =	vst v63  }
0x15c: {  	s9 =	sadd.s32 $0xF4280, s8  }
0x15d: {  	[tilespmem:s30], [sflag:$0x4] =	stream.linear.gather [hbm4b:s9+s3], $0x400, $0x38;
	[tilespmem:$0x14880] =	vst v63  }
0x15e: {  	s14 =	sadd.s32 $0x1E8500, s8  }
0x15f: {  	[tilespmem:s31], [sflag:$0x4] =	stream.linear.gather [hbm4b:s14+s3], $0x400, $0x38;
	[tilespmem:$0x14880] =	vst v63  }
0x160: {  	s4 =	sadd.s32 $0x2DC780, s8  }
0x161: {  	[tilespmem:s2], [sflag:$0x4] =	stream.linear.gather [hbm4b:s4+s3], $0x400, $0x38;
	[tilespmem:$0x14880] =	vst v63  }
0x162: {  	s5 =	simm.s32 $0x0;
	s14 =	simm.s32 $0x10300;
	s4 =	simm.s32 $0x10  }
.LBB2_2:
0x163: {  	v40 =	vld [tilespmem:s4+$0xFFFFFFF0];
	_ =	sdelay $0x4  }
0x164: {  	v41 =	vand.u32 $0x7F, v40  }
0x165: {  	v44 =	vbroadcast v41, $0x0  }
0x166: {  	s6 =	sshra.s32 s5, $0x2  }
0x167: {  	v43 =	vld [tilespmem:s6+$0x14200];
	v45 =	vor.u32 v0, v44  }
0x168: {  	v42 =	vld [tilespmem:s6+$0x14210];
	v44 =	vor.u32 v1, v44  }
0x169: {  	v40 =	vld [tilespmem:s6+$0x14220];
	_ =	swait.ge [sflag:s0], $0x4000  }
0x16a: {  	[sflag:s0] =	ssyncset.done $0x0  }
0x16b: {  	[sflag:s0] =	ssyncadd.s32 $0xFFFFC000  }
0x16c: {  	v45 =	vld.idx.msk [tilespmem:v45+s12+$0x0], $0xffff  }
0x16d: {  	v46 =	vbroadcast v43, $0x0;
	v44 =	vld.idx.msk [tilespmem:v44+s12+$0x0], $0xffff;
	_ =	sdelay $0x1  }
0x16e: {  	v48 =	vbroadcast v43, $0x1;
	v47 =	vmul.f32 v46, v32  }
0x16f: {  	v46 =	vmul.f32 v46, v33  }
0x170: {  	v49 =	vbroadcast v43, $0x2;
	v60 =	vmul.f32 v48, v34;
	v45 =	vadd.f32 v45, v47  }
0x171: {  	v61 =	vmul.f32 v48, v35;
	v44 =	vadd.f32 v44, v46  }
0x172: {  	v62 =	vmul.f32 v49, v36;
	v45 =	vadd.f32 v45, v60  }
0x173: {  	v52 =	vbroadcast v41, $0x1;
	v63 =	vmul.f32 v49, v37;
	v44 =	vadd.f32 v44, v61  }
0x174: {  	v45 =	vadd.f32 v45, v62  }
0x175: {  	v53 =	vor.u32 v2, v52;
	v44 =	vadd.f32 v44, v63  }
0x176: {  	v54 =	vor.u32 v3, v52;
	v45 =	vadd.f32 v45, v38  }
0x177: {  	v44 =	vadd.f32 v44, v39  }
0x178: {  	[tilespmem:s14+$0xFFFFFF00] =	vst v45  }
0x179: {  	[tilespmem:s14+$0xFFFFFF10] =	vst v44  }
0x17a: {  	v44 =	vld.idx.msk [tilespmem:v53+s12+$0x0], $0xffff  }
0x17b: {  	v55 =	vbroadcast v43, $0x3;
	v45 =	vld.idx.msk [tilespmem:v54+s12+$0x0], $0xffff;
	_ =	sdelay $0x1  }
0x17c: {  	v57 =	vbroadcast v43, $0x4;
	v56 =	vmul.f32 v55, v32  }
0x17d: {  	v46 =	vmul.f32 v55, v33  }
0x17e: {  	v59 =	vbroadcast v43, $0x5;
	v58 =	vmul.f32 v57, v34;
	v44 =	vadd.f32 v44, v56  }
0x17f: {  	v60 =	vmul.f32 v57, v35;
	v45 =	vadd.f32 v45, v46  }
0x180: {  	v61 =	vmul.f32 v59, v36;
	v44 =	vadd.f32 v44, v58  }
0x181: {  	v62 =	vmul.f32 v59, v37;
	v63 =	vbroadcast v41, $0x2;
	v45 =	vadd.f32 v45, v60  }
0x182: {  	v44 =	vadd.f32 v44, v61  }
0x183: {  	v50 =	vor.u32 v4, v63;
	v45 =	vadd.f32 v45, v62  }
0x184: {  	v51 =	vor.u32 v5, v63;
	v44 =	vadd.f32 v44, v38  }
0x185: {  	v45 =	vadd.f32 v45, v39  }
0x186: {  	[tilespmem:s14+$0xFFFFFF20] =	vst v44  }
0x187: {  	[tilespmem:s14+$0xFFFFFF30] =	vst v45  }
0x188: {  	v44 =	vld.idx.msk [tilespmem:v50+s12+$0x0], $0xffff  }
0x189: {  	v52 =	vbroadcast v43, $0x6;
	v45 =	vld.idx.msk [tilespmem:v51+s12+$0x0], $0xffff;
	_ =	sdelay $0x1  }
0x18a: {  	v53 =	vmul.f32 v52, v32;
	v54 =	vbroadcast v43, $0x7  }
0x18b: {  	v46 =	vmul.f32 v52, v33  }
0x18c: {  	v55 =	vmul.f32 v54, v34;
	v56 =	vbroadcast v43, $0x8;
	v44 =	vadd.f32 v44, v53  }
0x18d: {  	v57 =	vmul.f32 v54, v35;
	v45 =	vadd.f32 v45, v46  }
0x18e: {  	v58 =	vmul.f32 v56, v36;
	v44 =	vadd.f32 v44, v55  }
0x18f: {  	v59 =	vmul.f32 v56, v37;
	v60 =	vbroadcast v41, $0x3;
	v45 =	vadd.f32 v45, v57  }
0x190: {  	v44 =	vadd.f32 v44, v58  }
0x191: {  	v61 =	vor.u32 v6, v60;
	v45 =	vadd.f32 v45, v59  }
0x192: {  	v62 =	vor.u32 v7, v60;
	v44 =	vadd.f32 v44, v38  }
0x193: {  	v45 =	vadd.f32 v45, v39  }
0x194: {  	[tilespmem:s14+$0xFFFFFF40] =	vst v44  }
0x195: {  	[tilespmem:s14+$0xFFFFFF50] =	vst v45  }
0x196: {  	v44 =	vld.idx.msk [tilespmem:v61+s12+$0x0], $0xffff  }
0x197: {  	v63 =	vbroadcast v43, $0x9;
	v45 =	vld.idx.msk [tilespmem:v62+s12+$0x0], $0xffff;
	_ =	sdelay $0x1  }
0x198: {  	v52 =	vmul.f32 v63, v32;
	v53 =	vbroadcast v43, $0xA  }
0x199: {  	v46 =	vmul.f32 v63, v33  }
0x19a: {  	v54 =	vmul.f32 v53, v34;
	v55 =	vbroadcast v43, $0xB;
	v44 =	vadd.f32 v44, v52  }
0x19b: {  	v56 =	vmul.f32 v53, v35;
	v45 =	vadd.f32 v45, v46  }
0x19c: {  	v57 =	vmul.f32 v55, v36;
	v44 =	vadd.f32 v44, v54  }
0x19d: {  	v58 =	vmul.f32 v55, v37;
	v45 =	vadd.f32 v45, v56  }
0x19e: {  	v44 =	vadd.f32 v44, v57  }
0x19f: {  	v45 =	vadd.f32 v45, v58  }
0x1a0: {  	v44 =	vadd.f32 v44, v38  }
0x1a1: {  	v45 =	vadd.f32 v45, v39  }
0x1a2: {  	[tilespmem:s14+$0xFFFFFF60] =	vst v44  }
0x1a3: {  	p0 =	seq.s32 s5, $0x1740;
	[tilespmem:s14+$0xFFFFFF70] =	vst v45  }
0x1a4: {  	v44 =	vld @!p0 [tilespmem:s4+$0x0];
	_ =	sdelay $0x4  }
0x1a5: {  	v44 =	vand.u32 @!p0 $0xFFFFFF80, v44  }
0x1a6: {  	v44 =	vadd.s32 @!p0 s1, v44  }
0x1a7: {  	(v2sf) =	vpush @!p0 v44, $0x0;
	_ =	sdelay $0x7  }
0x1a8: {  	(v2sf) =	vpush @!p0 v44, $0x1;
	_ =	sdelay $0x6  }
0x1a9: {  	s8 =	simm.s32 @!p0 $0x200;
	s6 =	simm.s32 @!p0 $0x0;
	s7 =	spop @!p0 (v2sf)  }
0x1aa: {  	(v2sf) =	vpush @!p0 v44, $0x2;
	[tilespmem:s8], [sflag:$0x1] =	stream.linear.gather @!p0 [hbm4b:s7+s6], $0x400, $0x38;
	[tilespmem:$0x14880] =	vst v63  }
0x1ab: {  	s9 =	simm.s32 @!p0 $0x1200;
	s8 =	sadd.s32 @!p0 $0xF4280, s7  }
0x1ac: {  	[tilespmem:s9], [sflag:$0x1] =	stream.linear.gather @!p0 [hbm4b:s8+s6], $0x400, $0x38;
	[tilespmem:$0x14880] =	vst v63  }
0x1ad: {  	s8 =	sadd.s32 @!p0 $0x1E8500, s7;
	s9 =	simm.s32 @!p0 $0x2200  }
0x1ae: {  	[tilespmem:s9], [sflag:$0x1] =	stream.linear.gather @!p0 [hbm4b:s8+s6], $0x400, $0x38;
	[tilespmem:$0x14880] =	vst v63  }
0x1af: {  	s7 =	sadd.s32 @!p0 $0x2DC780, s7;
	s8 =	simm.s32 @!p0 $0x3200  }
0x1b0: {  	[tilespmem:s8], [sflag:$0x1] =	stream.linear.gather @!p0 [hbm4b:s7+s6], $0x400, $0x38;
	[tilespmem:$0x14880] =	vst v63  }
0x1b1: {  	s7 =	spop @!p0 (v2sf);
	s8 =	simm.s32 @!p0 $0x600  }
0x1b2: {  	(v2sf) =	vpush @!p0 v44, $0x3;
	[tilespmem:s8], [sflag:$0x1] =	stream.linear.gather @!p0 [hbm4b:s7+s6], $0x400, $0x38;
	[tilespmem:$0x14880] =	vst v63  }
0x1b3: {  	s9 =	simm.s32 @!p0 $0x1600;
	s8 =	sadd.s32 @!p0 $0xF4280, s7  }
0x1b4: {  	[tilespmem:s9], [sflag:$0x1] =	stream.linear.gather @!p0 [hbm4b:s8+s6], $0x400, $0x38;
	[tilespmem:$0x14880] =	vst v63  }
0x1b5: {  	s8 =	sadd.s32 @!p0 $0x1E8500, s7;
	s9 =	simm.s32 @!p0 $0x2600  }
0x1b6: {  	[tilespmem:s9], [sflag:$0x1] =	stream.linear.gather @!p0 [hbm4b:s8+s6], $0x400, $0x38;
	[tilespmem:$0x14880] =	vst v63  }
0x1b7: {  	s7 =	sadd.s32 @!p0 $0x2DC780, s7;
	s8 =	simm.s32 @!p0 $0x3600  }
0x1b8: {  	[tilespmem:s8], [sflag:$0x1] =	stream.linear.gather @!p0 [hbm4b:s7+s6], $0x400, $0x38;
	[tilespmem:$0x14880] =	vst v63  }
0x1b9: {  	s7 =	spop @!p0 (v2sf);
	s8 =	simm.s32 @!p0 $0xA00  }
0x1ba: {  	[tilespmem:s8], [sflag:$0x1] =	stream.linear.gather @!p0 [hbm4b:s7+s6], $0x400, $0x38;
	[tilespmem:$0x14880] =	vst v63  }
0x1bb: {  	s9 =	simm.s32 @!p0 $0x1A00;
	s8 =	sadd.s32 @!p0 $0xF4280, s7  }
0x1bc: {  	[tilespmem:s9], [sflag:$0x1] =	stream.linear.gather @!p0 [hbm4b:s8+s6], $0x400, $0x38;
	[tilespmem:$0x14880] =	vst v63  }
0x1bd: {  	s8 =	sadd.s32 @!p0 $0x1E8500, s7;
	s9 =	simm.s32 @!p0 $0x2A00  }
0x1be: {  	[tilespmem:s9], [sflag:$0x1] =	stream.linear.gather @!p0 [hbm4b:s8+s6], $0x400, $0x38;
	[tilespmem:$0x14880] =	vst v63  }
0x1bf: {  	s7 =	sadd.s32 @!p0 $0x2DC780, s7;
	s8 =	simm.s32 @!p0 $0x3A00  }
0x1c0: {  	[tilespmem:s8], [sflag:$0x1] =	stream.linear.gather @!p0 [hbm4b:s7+s6], $0x400, $0x38;
	[tilespmem:$0x14880] =	vst v63  }
0x1c1: {  	s7 =	spop @!p0 (v2sf);
	s8 =	simm.s32 @!p0 $0xE00  }
0x1c2: {  	[tilespmem:s8], [sflag:$0x1] =	stream.linear.gather @!p0 [hbm4b:s7+s6], $0x400, $0x38;
	[tilespmem:$0x14880] =	vst v63  }
0x1c3: {  	s9 =	simm.s32 @!p0 $0x1E00;
	s8 =	sadd.s32 @!p0 $0xF4280, s7  }
0x1c4: {  	[tilespmem:s9], [sflag:$0x1] =	stream.linear.gather @!p0 [hbm4b:s8+s6], $0x400, $0x38;
	[tilespmem:$0x14880] =	vst v63  }
0x1c5: {  	v59 =	vbroadcast v41, $0x4;
	s8 =	sadd.s32 @!p0 $0x1E8500, s7;
	s9 =	simm.s32 @!p0 $0x2E00  }
0x1c6: {  	[tilespmem:s9], [sflag:$0x1] =	stream.linear.gather @!p0 [hbm4b:s8+s6], $0x400, $0x38;
	[tilespmem:$0x14880] =	vst v63  }
0x1c7: {  	v60 =	vor.u32 v8, v59;
	s7 =	sadd.s32 @!p0 $0x2DC780, s7;
	s8 =	simm.s32 @!p0 $0x3E00  }
0x1c8: {  	v44 =	vor.u32 v9, v59;
	[tilespmem:s8], [sflag:$0x1] =	stream.linear.gather @!p0 [hbm4b:s7+s6], $0x400, $0x38;
	[tilespmem:$0x14880] =	vst v63  }
0x1c9: {  	_ =	swait.ge [sflag:s10], $0x4000  }
0x1ca: {  	[sflag:s10] =	ssyncset.done $0x0  }
0x1cb: {  	[sflag:s10] =	ssyncadd.s32 $0xFFFFC000  }
0x1cc: {  	v45 =	vld.idx.msk [tilespmem:v60+s12+$0x0], $0xffff  }
0x1cd: {  	v61 =	vbroadcast v43, $0xC;
	v44 =	vld.idx.msk [tilespmem:v44+s12+$0x0], $0xffff;
	_ =	sdelay $0x1  }
0x1ce: {  	v63 =	vbroadcast v43, $0xD;
	v62 =	vmul.f32 v61, v32  }
0x1cf: {  	v46 =	vmul.f32 v61, v33  }
0x1d0: {  	v53 =	vbroadcast v43, $0xE;
	v52 =	vmul.f32 v63, v34;
	v45 =	vadd.f32 v45, v62  }
0x1d1: {  	v54 =	vmul.f32 v63, v35;
	v44 =	vadd.f32 v44, v46  }
0x1d2: {  	v55 =	vmul.f32 v53, v36;
	v45 =	vadd.f32 v45, v52  }
0x1d3: {  	v56 =	vmul.f32 v53, v37;
	v57 =	vbroadcast v41, $0x5;
	v44 =	vadd.f32 v44, v54  }
0x1d4: {  	v45 =	vadd.f32 v45, v55  }
0x1d5: {  	v58 =	vor.u32 v10, v57;
	v44 =	vadd.f32 v44, v56  }
0x1d6: {  	v59 =	vor.u32 v11, v57;
	v45 =	vadd.f32 v45, v38  }
0x1d7: {  	v44 =	vadd.f32 v44, v39  }
0x1d8: {  	[tilespmem:s14+$0xFFFFFF80] =	vst v45  }
0x1d9: {  	[tilespmem:s14+$0xFFFFFF90] =	vst v44  }
0x1da: {  	v44 =	vld.idx.msk [tilespmem:v58+s12+$0x0], $0xffff  }
0x1db: {  	v43 =	vbroadcast v43, $0xF;
	v45 =	vld.idx.msk [tilespmem:v59+s12+$0x0], $0xffff;
	_ =	sdelay $0x1  }
0x1dc: {  	v61 =	vbroadcast v42, $0x0;
	v60 =	vmul.f32 v43, v32  }
0x1dd: {  	v43 =	vmul.f32 v43, v33  }
0x1de: {  	v63 =	vbroadcast v42, $0x1;
	v62 =	vmul.f32 v61, v34;
	v44 =	vadd.f32 v44, v60  }
0x1df: {  	v49 =	vmul.f32 v61, v35;
	v43 =	vadd.f32 v45, v43  }
0x1e0: {  	v50 =	vmul.f32 v63, v36;
	v44 =	vadd.f32 v44, v62  }
0x1e1: {  	v51 =	vmul.f32 v63, v37;
	v52 =	vbroadcast v41, $0x6;
	v43 =	vadd.f32 v43, v49  }
0x1e2: {  	v44 =	vadd.f32 v44, v50  }
0x1e3: {  	v53 =	vor.u32 v12, v52;
	v43 =	vadd.f32 v43, v51  }
0x1e4: {  	v54 =	vor.u32 v13, v52;
	v44 =	vadd.f32 v44, v38  }
0x1e5: {  	v43 =	vadd.f32 v43, v39  }
0x1e6: {  	[tilespmem:s14+$0xFFFFFFA0] =	vst v44  }
0x1e7: {  	[tilespmem:s14+$0xFFFFFFB0] =	vst v43  }
0x1e8: {  	v43 =	vld.idx.msk [tilespmem:v53+s12+$0x0], $0xffff  }
0x1e9: {  	v55 =	vbroadcast v42, $0x2;
	v44 =	vld.idx.msk [tilespmem:v54+s12+$0x0], $0xffff;
	_ =	sdelay $0x1  }
0x1ea: {  	v57 =	vbroadcast v42, $0x3;
	v56 =	vmul.f32 v55, v32  }
0x1eb: {  	v45 =	vmul.f32 v55, v33  }
0x1ec: {  	v58 =	vmul.f32 v57, v34;
	v59 =	vbroadcast v42, $0x4;
	v43 =	vadd.f32 v43, v56  }
0x1ed: {  	v60 =	vmul.f32 v57, v35;
	v44 =	vadd.f32 v44, v45  }
0x1ee: {  	v61 =	vmul.f32 v59, v36;
	v43 =	vadd.f32 v43, v58  }
0x1ef: {  	v63 =	vbroadcast v41, $0x7;
	v62 =	vmul.f32 v59, v37;
	v44 =	vadd.f32 v44, v60  }
0x1f0: {  	v43 =	vadd.f32 v43, v61  }
0x1f1: {  	v48 =	vor.u32 v14, v63;
	v44 =	vadd.f32 v44, v62  }
0x1f2: {  	v49 =	vor.u32 v15, v63;
	v43 =	vadd.f32 v43, v38  }
0x1f3: {  	v44 =	vadd.f32 v44, v39  }
0x1f4: {  	[tilespmem:s14+$0xFFFFFFC0] =	vst v43  }
0x1f5: {  	[tilespmem:s14+$0xFFFFFFD0] =	vst v44  }
0x1f6: {  	v43 =	vld.idx.msk [tilespmem:v48+s12+$0x0], $0xffff  }
0x1f7: {  	v50 =	vbroadcast v42, $0x5;
	v44 =	vld.idx.msk [tilespmem:v49+s12+$0x0], $0xffff;
	_ =	sdelay $0x1  }
0x1f8: {  	v52 =	vbroadcast v42, $0x6;
	v51 =	vmul.f32 v50, v32  }
0x1f9: {  	v45 =	vmul.f32 v50, v33  }
0x1fa: {  	v53 =	vmul.f32 v52, v34;
	v54 =	vbroadcast v42, $0x7;
	v43 =	vadd.f32 v43, v51  }
0x1fb: {  	v55 =	vmul.f32 v52, v35;
	v44 =	vadd.f32 v44, v45  }
0x1fc: {  	v56 =	vmul.f32 v54, v36;
	v43 =	vadd.f32 v43, v53  }
0x1fd: {  	v57 =	vmul.f32 v54, v37;
	v44 =	vadd.f32 v44, v55  }
0x1fe: {  	v43 =	vadd.f32 v43, v56  }
0x1ff: {  	v44 =	vadd.f32 v44, v57  }
0x200: {  	v43 =	vadd.f32 v43, v38  }
0x201: {  	v44 =	vadd.f32 v44, v39  }
0x202: {  	[tilespmem:s14+$0xFFFFFFE0] =	vst v43  }
0x203: {  	[tilespmem:s14+$0xFFFFFFF0] =	vst v44  }
0x204: {  	v43 =	vld @!p0 [tilespmem:s4+$0x0];
	_ =	sdelay $0x4  }
0x205: {  	v43 =	vand.u32 @!p0 $0xFFFFFF80, v43  }
0x206: {  	v43 =	vadd.s32 @!p0 s1, v43  }
0x207: {  	(v2sf) =	vpush @!p0 v43, $0x4;
	_ =	sdelay $0x7  }
0x208: {  	(v2sf) =	vpush @!p0 v43, $0x5;
	_ =	sdelay $0x6  }
0x209: {  	s8 =	simm.s32 @!p0 $0x4200;
	s7 =	spop @!p0 (v2sf)  }
0x20a: {  	(v2sf) =	vpush @!p0 v43, $0x6;
	[tilespmem:s8], [sflag:$0x2] =	stream.linear.gather @!p0 [hbm4b:s7+s6], $0x400, $0x38;
	[tilespmem:$0x14880] =	vst v63  }
0x20b: {  	s9 =	simm.s32 @!p0 $0x5200;
	s8 =	sadd.s32 @!p0 $0xF4280, s7  }
0x20c: {  	[tilespmem:s9], [sflag:$0x2] =	stream.linear.gather @!p0 [hbm4b:s8+s6], $0x400, $0x38;
	[tilespmem:$0x14880] =	vst v63  }
0x20d: {  	s8 =	sadd.s32 @!p0 $0x1E8500, s7;
	s9 =	simm.s32 @!p0 $0x6200  }
0x20e: {  	[tilespmem:s9], [sflag:$0x2] =	stream.linear.gather @!p0 [hbm4b:s8+s6], $0x400, $0x38;
	[tilespmem:$0x14880] =	vst v63  }
0x20f: {  	s7 =	sadd.s32 @!p0 $0x2DC780, s7;
	s8 =	simm.s32 @!p0 $0x7200  }
0x210: {  	[tilespmem:s8], [sflag:$0x2] =	stream.linear.gather @!p0 [hbm4b:s7+s6], $0x400, $0x38;
	[tilespmem:$0x14880] =	vst v63  }
0x211: {  	s7 =	spop @!p0 (v2sf);
	s8 =	simm.s32 @!p0 $0x4600  }
0x212: {  	(v2sf) =	vpush @!p0 v43, $0x7;
	[tilespmem:s8], [sflag:$0x2] =	stream.linear.gather @!p0 [hbm4b:s7+s6], $0x400, $0x38;
	[tilespmem:$0x14880] =	vst v63  }
0x213: {  	s9 =	simm.s32 @!p0 $0x5600;
	s8 =	sadd.s32 @!p0 $0xF4280, s7  }
0x214: {  	[tilespmem:s9], [sflag:$0x2] =	stream.linear.gather @!p0 [hbm4b:s8+s6], $0x400, $0x38;
	[tilespmem:$0x14880] =	vst v63  }
0x215: {  	s8 =	sadd.s32 @!p0 $0x1E8500, s7;
	s9 =	simm.s32 @!p0 $0x6600  }
0x216: {  	[tilespmem:s9], [sflag:$0x2] =	stream.linear.gather @!p0 [hbm4b:s8+s6], $0x400, $0x38;
	[tilespmem:$0x14880] =	vst v63  }
0x217: {  	s7 =	sadd.s32 @!p0 $0x2DC780, s7;
	s8 =	simm.s32 @!p0 $0x7600  }
0x218: {  	[tilespmem:s8], [sflag:$0x2] =	stream.linear.gather @!p0 [hbm4b:s7+s6], $0x400, $0x38;
	[tilespmem:$0x14880] =	vst v63  }
0x219: {  	s7 =	spop @!p0 (v2sf);
	s8 =	simm.s32 @!p0 $0x4A00  }
0x21a: {  	[tilespmem:s8], [sflag:$0x2] =	stream.linear.gather @!p0 [hbm4b:s7+s6], $0x400, $0x38;
	[tilespmem:$0x14880] =	vst v63  }
0x21b: {  	s9 =	simm.s32 @!p0 $0x5A00;
	s8 =	sadd.s32 @!p0 $0xF4280, s7  }
0x21c: {  	[tilespmem:s9], [sflag:$0x2] =	stream.linear.gather @!p0 [hbm4b:s8+s6], $0x400, $0x38;
	[tilespmem:$0x14880] =	vst v63  }
0x21d: {  	s8 =	sadd.s32 @!p0 $0x1E8500, s7;
	s9 =	simm.s32 @!p0 $0x6A00  }
0x21e: {  	[tilespmem:s9], [sflag:$0x2] =	stream.linear.gather @!p0 [hbm4b:s8+s6], $0x400, $0x38;
	[tilespmem:$0x14880] =	vst v63  }
0x21f: {  	s7 =	sadd.s32 @!p0 $0x2DC780, s7;
	s8 =	simm.s32 @!p0 $0x7A00  }
0x220: {  	[tilespmem:s8], [sflag:$0x2] =	stream.linear.gather @!p0 [hbm4b:s7+s6], $0x400, $0x38;
	[tilespmem:$0x14880] =	vst v63  }
0x221: {  	s7 =	spop @!p0 (v2sf);
	s8 =	simm.s32 @!p0 $0x4E00  }
0x222: {  	[tilespmem:s8], [sflag:$0x2] =	stream.linear.gather @!p0 [hbm4b:s7+s6], $0x400, $0x38;
	[tilespmem:$0x14880] =	vst v63  }
0x223: {  	s9 =	simm.s32 @!p0 $0x5E00;
	s8 =	sadd.s32 @!p0 $0xF4280, s7  }
0x224: {  	[tilespmem:s9], [sflag:$0x2] =	stream.linear.gather @!p0 [hbm4b:s8+s6], $0x400, $0x38;
	[tilespmem:$0x14880] =	vst v63  }
0x225: {  	v58 =	vbroadcast v41, $0x8;
	s8 =	sadd.s32 @!p0 $0x1E8500, s7;
	s9 =	simm.s32 @!p0 $0x6E00  }
0x226: {  	[tilespmem:s9], [sflag:$0x2] =	stream.linear.gather @!p0 [hbm4b:s8+s6], $0x400, $0x38;
	[tilespmem:$0x14880] =	vst v63  }
0x227: {  	v59 =	vor.u32 v16, v58;
	s7 =	sadd.s32 @!p0 $0x2DC780, s7;
	s8 =	simm.s32 @!p0 $0x7E00  }
0x228: {  	v43 =	vor.u32 v17, v58;
	[tilespmem:s8], [sflag:$0x2] =	stream.linear.gather @!p0 [hbm4b:s7+s6], $0x400, $0x38;
	[tilespmem:$0x14880] =	vst v63  }
0x229: {  	_ =	swait.ge [sflag:s11], $0x4000  }
0x22a: {  	[sflag:s11] =	ssyncset.done $0x0  }
0x22b: {  	[sflag:s11] =	ssyncadd.s32 $0xFFFFC000  }
0x22c: {  	v44 =	vld.idx.msk [tilespmem:v59+s12+$0x0], $0xffff  }
0x22d: {  	v60 =	vbroadcast v42, $0x8;
	v43 =	vld.idx.msk [tilespmem:v43+s12+$0x0], $0xffff;
	_ =	sdelay $0x1  }
0x22e: {  	v61 =	vmul.f32 v60, v32;
	v62 =	vbroadcast v42, $0x9  }
0x22f: {  	v45 =	vmul.f32 v60, v33  }
0x230: {  	v52 =	vbroadcast v42, $0xA;
	v63 =	vmul.f32 v62, v34;
	v44 =	vadd.f32 v44, v61  }
0x231: {  	v53 =	vmul.f32 v62, v35;
	v43 =	vadd.f32 v43, v45  }
0x232: {  	v54 =	vmul.f32 v52, v36;
	v44 =	vadd.f32 v44, v63  }
0x233: {  	v55 =	vmul.f32 v52, v37;
	v56 =	vbroadcast v41, $0x9;
	v43 =	vadd.f32 v43, v53  }
0x234: {  	v44 =	vadd.f32 v44, v54  }
0x235: {  	v57 =	vor.u32 v18, v56;
	v43 =	vadd.f32 v43, v55  }
0x236: {  	v58 =	vor.u32 v19, v56;
	v44 =	vadd.f32 v44, v38  }
0x237: {  	v43 =	vadd.f32 v43, v39  }
0x238: {  	[tilespmem:s14+$0x0] =	vst v44  }
0x239: {  	[tilespmem:s14+$0x10] =	vst v43  }
0x23a: {  	v43 =	vld.idx.msk [tilespmem:v57+s12+$0x0], $0xffff  }
0x23b: {  	v59 =	vbroadcast v42, $0xB;
	v44 =	vld.idx.msk [tilespmem:v58+s12+$0x0], $0xffff;
	_ =	sdelay $0x1  }
0x23c: {  	v60 =	vmul.f32 v59, v32;
	v61 =	vbroadcast v42, $0xC  }
0x23d: {  	v45 =	vmul.f32 v59, v33  }
0x23e: {  	v62 =	vmul.f32 v61, v34;
	v63 =	vbroadcast v42, $0xD;
	v43 =	vadd.f32 v43, v60  }
0x23f: {  	v49 =	vmul.f32 v61, v35;
	v44 =	vadd.f32 v44, v45  }
0x240: {  	v50 =	vmul.f32 v63, v36;
	v43 =	vadd.f32 v43, v62  }
0x241: {  	v52 =	vbroadcast v41, $0xA;
	v51 =	vmul.f32 v63, v37;
	v44 =	vadd.f32 v44, v49  }
0x242: {  	v43 =	vadd.f32 v43, v50  }
0x243: {  	v53 =	vor.u32 v20, v52;
	v44 =	vadd.f32 v44, v51  }
0x244: {  	v54 =	vor.u32 v21, v52;
	v43 =	vadd.f32 v43, v38  }
0x245: {  	v44 =	vadd.f32 v44, v39  }
0x246: {  	[tilespmem:s14+$0x20] =	vst v43  }
0x247: {  	[tilespmem:s14+$0x30] =	vst v44  }
0x248: {  	v43 =	vld.idx.msk [tilespmem:v53+s12+$0x0], $0xffff  }
0x249: {  	v55 =	vbroadcast v42, $0xE;
	v44 =	vld.idx.msk [tilespmem:v54+s12+$0x0], $0xffff;
	_ =	sdelay $0x1  }
0x24a: {  	v42 =	vbroadcast v42, $0xF;
	v56 =	vmul.f32 v55, v32  }
0x24b: {  	v45 =	vmul.f32 v55, v33  }
0x24c: {  	v57 =	vmul.f32 v42, v34;
	v58 =	vbroadcast v40, $0x0;
	v43 =	vadd.f32 v43, v56  }
0x24d: {  	v42 =	vmul.f32 v42, v35;
	v44 =	vadd.f32 v44, v45  }
0x24e: {  	v59 =	vmul.f32 v58, v36;
	v43 =	vadd.f32 v43, v57  }
0x24f: {  	v61 =	vbroadcast v41, $0xB;
	v60 =	vmul.f32 v58, v37;
	v42 =	vadd.f32 v44, v42  }
0x250: {  	v43 =	vadd.f32 v43, v59  }
0x251: {  	v62 =	vor.u32 v22, v61;
	v42 =	vadd.f32 v42, v60  }
0x252: {  	v63 =	vor.u32 v23, v61;
	v43 =	vadd.f32 v43, v38  }
0x253: {  	v42 =	vadd.f32 v42, v39  }
0x254: {  	[tilespmem:s14+$0x40] =	vst v43  }
0x255: {  	[tilespmem:s14+$0x50] =	vst v42  }
0x256: {  	v42 =	vld.idx.msk [tilespmem:v62+s12+$0x0], $0xffff  }
0x257: {  	v48 =	vbroadcast v40, $0x1;
	v43 =	vld.idx.msk [tilespmem:v63+s12+$0x0], $0xffff;
	_ =	sdelay $0x1  }
0x258: {  	v49 =	vmul.f32 v48, v32;
	v50 =	vbroadcast v40, $0x2  }
0x259: {  	v44 =	vmul.f32 v48, v33  }
0x25a: {  	v52 =	vbroadcast v40, $0x3;
	v51 =	vmul.f32 v50, v34;
	v42 =	vadd.f32 v42, v49  }
0x25b: {  	v53 =	vmul.f32 v50, v35;
	v43 =	vadd.f32 v43, v44  }
0x25c: {  	v54 =	vmul.f32 v52, v36;
	v42 =	vadd.f32 v42, v51  }
0x25d: {  	v55 =	vmul.f32 v52, v37;
	v43 =	vadd.f32 v43, v53  }
0x25e: {  	v42 =	vadd.f32 v42, v54  }
0x25f: {  	v43 =	vadd.f32 v43, v55  }
0x260: {  	v42 =	vadd.f32 v42, v38  }
0x261: {  	v43 =	vadd.f32 v43, v39  }
0x262: {  	[tilespmem:s14+$0x60] =	vst v42  }
0x263: {  	[tilespmem:s14+$0x70] =	vst v43  }
0x264: {  	v42 =	vld @!p0 [tilespmem:s4+$0x0];
	_ =	sdelay $0x4  }
0x265: {  	v42 =	vand.u32 @!p0 $0xFFFFFF80, v42  }
0x266: {  	v42 =	vadd.s32 @!p0 s1, v42  }
0x267: {  	(v2sf) =	vpush @!p0 v42, $0x8;
	_ =	sdelay $0x7  }
0x268: {  	(v2sf) =	vpush @!p0 v42, $0x9;
	_ =	sdelay $0x6  }
0x269: {  	s8 =	simm.s32 @!p0 $0x8200;
	s7 =	spop @!p0 (v2sf)  }
0x26a: {  	(v2sf) =	vpush @!p0 v42, $0xA;
	[tilespmem:s8], [sflag:$0x3] =	stream.linear.gather @!p0 [hbm4b:s7+s6], $0x400, $0x38;
	[tilespmem:$0x14880] =	vst v63  }
0x26b: {  	s9 =	simm.s32 @!p0 $0x9200;
	s8 =	sadd.s32 @!p0 $0xF4280, s7  }
0x26c: {  	[tilespmem:s9], [sflag:$0x3] =	stream.linear.gather @!p0 [hbm4b:s8+s6], $0x400, $0x38;
	[tilespmem:$0x14880] =	vst v63  }
0x26d: {  	s8 =	sadd.s32 @!p0 $0x1E8500, s7;
	s9 =	simm.s32 @!p0 $0xA200  }
0x26e: {  	[tilespmem:s9], [sflag:$0x3] =	stream.linear.gather @!p0 [hbm4b:s8+s6], $0x400, $0x38;
	[tilespmem:$0x14880] =	vst v63  }
0x26f: {  	s7 =	sadd.s32 @!p0 $0x2DC780, s7;
	s8 =	simm.s32 @!p0 $0xB200  }
0x270: {  	[tilespmem:s8], [sflag:$0x3] =	stream.linear.gather @!p0 [hbm4b:s7+s6], $0x400, $0x38;
	[tilespmem:$0x14880] =	vst v63  }
0x271: {  	s7 =	spop @!p0 (v2sf);
	s8 =	simm.s32 @!p0 $0x8600  }
0x272: {  	(v2sf) =	vpush @!p0 v42, $0xB;
	[tilespmem:s8], [sflag:$0x3] =	stream.linear.gather @!p0 [hbm4b:s7+s6], $0x400, $0x38;
	[tilespmem:$0x14880] =	vst v63  }
0x273: {  	s9 =	simm.s32 @!p0 $0x9600;
	s8 =	sadd.s32 @!p0 $0xF4280, s7  }
0x274: {  	[tilespmem:s9], [sflag:$0x3] =	stream.linear.gather @!p0 [hbm4b:s8+s6], $0x400, $0x38;
	[tilespmem:$0x14880] =	vst v63  }
0x275: {  	s8 =	sadd.s32 @!p0 $0x1E8500, s7;
	s9 =	simm.s32 @!p0 $0xA600  }
0x276: {  	[tilespmem:s9], [sflag:$0x3] =	stream.linear.gather @!p0 [hbm4b:s8+s6], $0x400, $0x38;
	[tilespmem:$0x14880] =	vst v63  }
0x277: {  	s7 =	sadd.s32 @!p0 $0x2DC780, s7;
	s8 =	simm.s32 @!p0 $0xB600  }
0x278: {  	[tilespmem:s8], [sflag:$0x3] =	stream.linear.gather @!p0 [hbm4b:s7+s6], $0x400, $0x38;
	[tilespmem:$0x14880] =	vst v63  }
0x279: {  	s7 =	spop @!p0 (v2sf);
	s8 =	simm.s32 @!p0 $0x8A00  }
0x27a: {  	[tilespmem:s8], [sflag:$0x3] =	stream.linear.gather @!p0 [hbm4b:s7+s6], $0x400, $0x38;
	[tilespmem:$0x14880] =	vst v63  }
0x27b: {  	s9 =	simm.s32 @!p0 $0x9A00;
	s8 =	sadd.s32 @!p0 $0xF4280, s7  }
0x27c: {  	[tilespmem:s9], [sflag:$0x3] =	stream.linear.gather @!p0 [hbm4b:s8+s6], $0x400, $0x38;
	[tilespmem:$0x14880] =	vst v63  }
0x27d: {  	s8 =	sadd.s32 @!p0 $0x1E8500, s7;
	s9 =	simm.s32 @!p0 $0xAA00  }
0x27e: {  	[tilespmem:s9], [sflag:$0x3] =	stream.linear.gather @!p0 [hbm4b:s8+s6], $0x400, $0x38;
	[tilespmem:$0x14880] =	vst v63  }
0x27f: {  	s7 =	sadd.s32 @!p0 $0x2DC780, s7;
	s8 =	simm.s32 @!p0 $0xBA00  }
0x280: {  	[tilespmem:s8], [sflag:$0x3] =	stream.linear.gather @!p0 [hbm4b:s7+s6], $0x400, $0x38;
	[tilespmem:$0x14880] =	vst v63  }
0x281: {  	s7 =	spop @!p0 (v2sf);
	s8 =	simm.s32 @!p0 $0x8E00  }
0x282: {  	[tilespmem:s8], [sflag:$0x3] =	stream.linear.gather @!p0 [hbm4b:s7+s6], $0x400, $0x38;
	[tilespmem:$0x14880] =	vst v63  }
0x283: {  	s9 =	simm.s32 @!p0 $0x9E00;
	s8 =	sadd.s32 @!p0 $0xF4280, s7  }
0x284: {  	[tilespmem:s9], [sflag:$0x3] =	stream.linear.gather @!p0 [hbm4b:s8+s6], $0x400, $0x38;
	[tilespmem:$0x14880] =	vst v63  }
0x285: {  	v56 =	vbroadcast v41, $0xC;
	s8 =	sadd.s32 @!p0 $0x1E8500, s7;
	s9 =	simm.s32 @!p0 $0xAE00  }
0x286: {  	[tilespmem:s9], [sflag:$0x3] =	stream.linear.gather @!p0 [hbm4b:s8+s6], $0x400, $0x38;
	[tilespmem:$0x14880] =	vst v63  }
0x287: {  	v57 =	vor.u32 v24, v56;
	s7 =	sadd.s32 @!p0 $0x2DC780, s7;
	s8 =	simm.s32 @!p0 $0xBE00  }
0x288: {  	v42 =	vor.u32 v25, v56;
	[tilespmem:s8], [sflag:$0x3] =	stream.linear.gather @!p0 [hbm4b:s7+s6], $0x400, $0x38;
	[tilespmem:$0x14880] =	vst v63  }
0x289: {  	_ =	swait.ge [sflag:s13], $0x4000  }
0x28a: {  	[sflag:s13] =	ssyncset.done $0x0  }
0x28b: {  	[sflag:s13] =	ssyncadd.s32 $0xFFFFC000  }
0x28c: {  	v43 =	vld.idx.msk [tilespmem:v57+s12+$0x0], $0xffff  }
0x28d: {  	v58 =	vbroadcast v40, $0x4;
	v42 =	vld.idx.msk [tilespmem:v42+s12+$0x0], $0xffff;
	_ =	sdelay $0x1  }
0x28e: {  	v59 =	vmul.f32 v58, v32;
	v60 =	vbroadcast v40, $0x5  }
0x28f: {  	v44 =	vmul.f32 v58, v33  }
0x290: {  	v61 =	vmul.f32 v60, v34;
	v62 =	vbroadcast v40, $0x6;
	v43 =	vadd.f32 v43, v59  }
0x291: {  	v63 =	vmul.f32 v60, v35;
	v42 =	vadd.f32 v42, v44  }
0x292: {  	v48 =	vmul.f32 v62, v36;
	v43 =	vadd.f32 v43, v61  }
0x293: {  	v50 =	vbroadcast v41, $0xD;
	v49 =	vmul.f32 v62, v37;
	v42 =	vadd.f32 v42, v63  }
0x294: {  	v43 =	vadd.f32 v43, v48  }
0x295: {  	v51 =	vor.u32 v26, v50;
	v42 =	vadd.f32 v42, v49  }
0x296: {  	v52 =	vor.u32 v27, v50;
	v43 =	vadd.f32 v43, v38  }
0x297: {  	v42 =	vadd.f32 v42, v39  }
0x298: {  	[tilespmem:s14+$0x80] =	vst v43  }
0x299: {  	[tilespmem:s14+$0x90] =	vst v42  }
0x29a: {  	v42 =	vld.idx.msk [tilespmem:v51+s12+$0x0], $0xffff  }
0x29b: {  	v53 =	vbroadcast v40, $0x7;
	v43 =	vld.idx.msk [tilespmem:v52+s12+$0x0], $0xffff;
	_ =	sdelay $0x1  }
0x29c: {  	v54 =	vmul.f32 v53, v32;
	v55 =	vbroadcast v40, $0x8  }
0x29d: {  	v44 =	vmul.f32 v53, v33  }
0x29e: {  	v56 =	vmul.f32 v55, v34;
	v57 =	vbroadcast v40, $0x9;
	v42 =	vadd.f32 v42, v54  }
0x29f: {  	v58 =	vmul.f32 v55, v35;
	v43 =	vadd.f32 v43, v44  }
0x2a0: {  	v59 =	vmul.f32 v57, v36;
	v42 =	vadd.f32 v42, v56  }
0x2a1: {  	v60 =	vmul.f32 v57, v37;
	v61 =	vbroadcast v41, $0xE;
	v43 =	vadd.f32 v43, v58  }
0x2a2: {  	v42 =	vadd.f32 v42, v59  }
0x2a3: {  	v62 =	vor.u32 v28, v61;
	v43 =	vadd.f32 v43, v60  }
0x2a4: {  	v63 =	vor.u32 v29, v61;
	v42 =	vadd.f32 v42, v38  }
0x2a5: {  	v43 =	vadd.f32 v43, v39  }
0x2a6: {  	[tilespmem:s14+$0xA0] =	vst v42  }
0x2a7: {  	[tilespmem:s14+$0xB0] =	vst v43  }
0x2a8: {  	v42 =	vld.idx.msk [tilespmem:v62+s12+$0x0], $0xffff  }
0x2a9: {  	v48 =	vbroadcast v40, $0xA;
	v43 =	vld.idx.msk [tilespmem:v63+s12+$0x0], $0xffff;
	_ =	sdelay $0x1  }
0x2aa: {  	v50 =	vbroadcast v40, $0xB;
	v49 =	vmul.f32 v48, v32  }
0x2ab: {  	v44 =	vmul.f32 v48, v33  }
0x2ac: {  	v51 =	vmul.f32 v50, v34;
	v52 =	vbroadcast v40, $0xC;
	v42 =	vadd.f32 v42, v49  }
0x2ad: {  	v53 =	vmul.f32 v50, v35;
	v43 =	vadd.f32 v43, v44  }
0x2ae: {  	v54 =	vmul.f32 v52, v36;
	v42 =	vadd.f32 v42, v51  }
0x2af: {  	v41 =	vbroadcast v41, $0xF;
	v55 =	vmul.f32 v52, v37;
	v43 =	vadd.f32 v43, v53  }
0x2b0: {  	v42 =	vadd.f32 v42, v54  }
0x2b1: {  	v56 =	vor.u32 v30, v41;
	v43 =	vadd.f32 v43, v55  }
0x2b2: {  	v41 =	vor.u32 v31, v41;
	v42 =	vadd.f32 v42, v38  }
0x2b3: {  	v43 =	vadd.f32 v43, v39  }
0x2b4: {  	[tilespmem:s14+$0xC0] =	vst v42  }
0x2b5: {  	[tilespmem:s14+$0xD0] =	vst v43  }
0x2b6: {  	v42 =	vld.idx.msk [tilespmem:v56+s12+$0x0], $0xffff  }
0x2b7: {  	v57 =	vbroadcast v40, $0xD;
	v41 =	vld.idx.msk [tilespmem:v41+s12+$0x0], $0xffff;
	_ =	sdelay $0x1  }
0x2b8: {  	v58 =	vmul.f32 v57, v32;
	v59 =	vbroadcast v40, $0xE  }
0x2b9: {  	v43 =	vmul.f32 v57, v33  }
0x2ba: {  	v40 =	vbroadcast v40, $0xF;
	v60 =	vmul.f32 v59, v34;
	v42 =	vadd.f32 v42, v58  }
0x2bb: {  	v61 =	vmul.f32 v59, v35;
	v41 =	vadd.f32 v41, v43  }
0x2bc: {  	v62 =	vmul.f32 v40, v36;
	v42 =	vadd.f32 v42, v60  }
0x2bd: {  	v40 =	vmul.f32 v40, v37;
	v41 =	vadd.f32 v41, v61  }
0x2be: {  	v42 =	vadd.f32 v42, v62  }
.Ltmp2:
0x2bf: {  	v40 =	vadd.f32 v41, v40;
	(pc) =	sbr.rel @p0 .LBB2_4-.Ltmp2, $4  }
0x2c0: {  	v63 =	vadd.f32 v42, v38  }
0x2c1: {  	v40 =	vadd.f32 v40, v39  }
0x2c2: {  	[tilespmem:s14+$0xE0] =	vst v63  }
0x2c3: {  	[tilespmem:s14+$0xF0] =	vst v40  }
0x2c4: {  	v40 =	vld [tilespmem:s4+$0x0];
	_ =	sdelay $0x4  }
0x2c5: {  	v40 =	vand.u32 $0xFFFFFF80, v40  }
0x2c6: {  	v40 =	vadd.s32 s1, v40  }
0x2c7: {  	(v2sf) =	vpush v40, $0xC;
	_ =	sdelay $0x7  }
0x2c8: {  	(v2sf) =	vpush v40, $0xD;
	_ =	sdelay $0x6  }
0x2c9: {  	s6 =	spop (v2sf)  }
0x2ca: {  	(v2sf) =	vpush v40, $0xE;
	[tilespmem:s16], [sflag:$0x4] =	stream.linear.gather [hbm4b:s6+s3], $0x400, $0x38;
	[tilespmem:$0x14880] =	vst v63  }
0x2cb: {  	s7 =	sadd.s32 $0xF4280, s6  }
0x2cc: {  	[tilespmem:s17], [sflag:$0x4] =	stream.linear.gather [hbm4b:s7+s3], $0x400, $0x38;
	[tilespmem:$0x14880] =	vst v63  }
0x2cd: {  	s9 =	sadd.s32 $0x1E8500, s6  }
0x2ce: {  	[tilespmem:s18], [sflag:$0x4] =	stream.linear.gather [hbm4b:s9+s3], $0x400, $0x38;
	[tilespmem:$0x14880] =	vst v63  }
0x2cf: {  	s6 =	sadd.s32 $0x2DC780, s6  }
0x2d0: {  	[tilespmem:s19], [sflag:$0x4] =	stream.linear.gather [hbm4b:s6+s3], $0x400, $0x38;
	[tilespmem:$0x14880] =	vst v63  }
0x2d1: {  	s6 =	spop (v2sf)  }
0x2d2: {  	(v2sf) =	vpush v40, $0xF;
	[tilespmem:s20], [sflag:$0x4] =	stream.linear.gather [hbm4b:s6+s3], $0x400, $0x38;
	[tilespmem:$0x14880] =	vst v63  }
0x2d3: {  	s8 =	sadd.s32 $0xF4280, s6  }
0x2d4: {  	[tilespmem:s21], [sflag:$0x4] =	stream.linear.gather [hbm4b:s8+s3], $0x400, $0x38;
	[tilespmem:$0x14880] =	vst v63  }
0x2d5: {  	s9 =	sadd.s32 $0x1E8500, s6  }
0x2d6: {  	[tilespmem:s22], [sflag:$0x4] =	stream.linear.gather [hbm4b:s9+s3], $0x400, $0x38;
	[tilespmem:$0x14880] =	vst v63  }
0x2d7: {  	s6 =	sadd.s32 $0x2DC780, s6  }
0x2d8: {  	[tilespmem:s23], [sflag:$0x4] =	stream.linear.gather [hbm4b:s6+s3], $0x400, $0x38;
	[tilespmem:$0x14880] =	vst v63  }
0x2d9: {  	s6 =	spop (v2sf)  }
0x2da: {  	[tilespmem:s24], [sflag:$0x4] =	stream.linear.gather [hbm4b:s6+s3], $0x400, $0x38;
	[tilespmem:$0x14880] =	vst v63  }
0x2db: {  	s8 =	sadd.s32 $0xF4280, s6  }
0x2dc: {  	[tilespmem:s25], [sflag:$0x4] =	stream.linear.gather [hbm4b:s8+s3], $0x400, $0x38;
	[tilespmem:$0x14880] =	vst v63  }
0x2dd: {  	s9 =	sadd.s32 $0x1E8500, s6  }
0x2de: {  	[tilespmem:s26], [sflag:$0x4] =	stream.linear.gather [hbm4b:s9+s3], $0x400, $0x38;
	[tilespmem:$0x14880] =	vst v63  }
0x2df: {  	s6 =	sadd.s32 $0x2DC780, s6  }
0x2e0: {  	[tilespmem:s28], [sflag:$0x4] =	stream.linear.gather [hbm4b:s6+s3], $0x400, $0x38;
	[tilespmem:$0x14880] =	vst v63  }
0x2e1: {  	s6 =	spop (v2sf)  }
0x2e2: {  	[tilespmem:s29], [sflag:$0x4] =	stream.linear.gather [hbm4b:s6+s3], $0x400, $0x38;
	[tilespmem:$0x14880] =	vst v63  }
0x2e3: {  	s8 =	sadd.s32 $0xF4280, s6  }
0x2e4: {  	[tilespmem:s30], [sflag:$0x4] =	stream.linear.gather [hbm4b:s8+s3], $0x400, $0x38;
	[tilespmem:$0x14880] =	vst v63  }
.Ltmp3:
0x2e5: {  	_ = 	snop;
	(pc) =	sbr.rel .LBB2_2-.Ltmp3, $4  }
0x2e6: {  	s14 =	sadd.s32 $0x200, s14;
	s9 =	sadd.s32 $0x1E8500, s6  }
0x2e7: {  	[tilespmem:s31], [sflag:$0x4] =	stream.linear.gather [hbm4b:s9+s3], $0x400, $0x38;
	[tilespmem:$0x14880] =	vst v63  }
0x2e8: {  	s4 =	sadd.s32 $0x10, s4;
	s5 =	sadd.s32 $0xC0, s5;
	s6 =	sadd.s32 $0x2DC780, s6  }
0x2e9: {  	[tilespmem:s2], [sflag:$0x4] =	stream.linear.gather [hbm4b:s6+s3], $0x400, $0x38;
	[tilespmem:$0x14880] =	vst v63  }
.LBB2_5:
0x2ea: {  	_ =	sfence.sel $0x180000  }
0x2eb: {  	[bflag:$0x0] =	sbarrier.arrive $0xFFFF  }
0x2ec: {  	_ =	strace $0x90000047  }
0x2ed: {  	s0 =	stileid.u32;
	[bflag:$0x2] =	sbarrier.arrive $0xFFFF  }
0x2ee: {  	p0 =	sne.s32 s0, $0x0;
	s0 =	rddreg [dreg:$0x4]  }
0x2ef: {  	s0 =	sadd.s32 @!p0 $0x100000, s0  }
0x2f0: {  	[sflag:s0] =	ssyncadd.tile.s32 @!p0 $0x1;
	_ =	shalt  }
.Lfunc_end2:
_tile_overlayer_lowered:
.L_overlay_start_2:
0x2f1: {  	(tag) =	ssettag $0x2  }
0x2f2: {  	s0 =	rddreg [dreg:$0x0];
	s2 =	stileid.u32  }
0x2f3: {  	s1 =	rddreg [dreg:$0x1];
	p0 =	sne.s32 s2, $0x0  }
0x2f4: {  	s3 =	rddreg [dreg:$0x2];
	[bflag:$0x3] =	sbarrier.arrive $0xFFFF;
	s2 =	simm.s32 @!p0 $0x1C05  }
0x2f5: {  	[timem:s3], [sflag:s2] =	dma.local @!p0 [hbm:s0], s1  }
0x2f6: {  	s0 =	simm.s32 @!p0 $0x5  }
0x2f7: {  	_ =	swait.ge @!p0 [sflag:s0], s1  }
0x2f8: {  	s1 =	ssub.s32 @!p0 $0x0, s1;
	[sflag:s0] =	ssyncset.done @!p0 $0x0  }
0x2f9: {  	[sflag:s0] =	ssyncadd.s32 @!p0 s1  }
0x2fa: {  	[bflag:$0x3] =	sbarrier.arrive $0xFFFF  }
0x2fb: {  	_ =	shalt  }

</sc_bundles>
